<compile_context>
chip_gen: v7x
topology: tpu7x:2x2x1
jax: 0.10.2.dev20260603
libtpu: 0.0.44.dev20260713+nightly
codegen_flags: <defaults>
</compile_context>

<pallas_src>
import functools

import jax
import jax.numpy as jnp
from jax import lax
from jax.experimental import pallas as pl
from jax.experimental.pallas import tpu as pltpu
from jax.experimental.pallas import tpu_sc as plsc

WIDTH = 4096
D = 2048
BATCH = 2
ROWS = BATCH * WIDTH
NC, NS = 2, 16
NW = NC * NS
RPW = ROWS // NW
CHG = 8
CHW = 16
GPW = CHW // CHG
NG = RPW // CHG
NWR = RPW // CHW
NBUF = 3
GA = 4


def _permute_body(gidx_hbm, x_hbm, out_hbm, idx_v, bufs_v, sg_arr, sw_arr):
    bufs = [bufs_v.at[i] for i in range(NBUF)]
    sgs = [sg_arr.at[i] for i in range(NBUF * GPW)]
    sws = [sw_arr.at[i] for i in range(NBUF)]

    c = lax.axis_index("c")
    s = lax.axis_index("s")
    wid = s * NC + c
    base = wid * RPW

    pltpu.sync_copy(gidx_hbm.at[pl.ds(base, RPW)], idx_v)

    gathers = [None] * NG
    writes = [None] * NWR
    waited = [False] * NWR

    def g_start(g):
        wb = (g // GPW) % NBUF
        half = g % GPW
        gathers[g] = pltpu.async_copy(
            x_hbm.at[idx_v.at[pl.ds(g * CHG, CHG)]],
            bufs[wb].at[pl.ds(half * CHG, CHG)],
            sgs[wb * GPW + half])

    def w_start(w):
        wb = w % NBUF
        writes[w] = pltpu.async_copy(
            bufs[wb], out_hbm.at[pl.ds(base + w * CHW, CHW)], sws[wb])

    for g in range(min(GA, NG)):
        g_start(g)
    for g in range(NG):
        if g + GA < NG:
            wprev = (g + GA) // GPW - NBUF
            if wprev >= 0 and not waited[wprev]:
                writes[wprev].wait()
                waited[wprev] = True
            g_start(g + GA)
        gathers[g].wait()
        if g % GPW == GPW - 1:
            w_start(g // GPW)
    for w in range(NWR):
        if not waited[w]:
            writes[w].wait()
            waited[w] = True


@jax.jit
def _permute_flat(perm, xf):
    gidx = jnp.concatenate([perm, perm + WIDTH])
    mesh = plsc.VectorSubcoreMesh(
        core_axis_name="c", subcore_axis_name="s",
        num_cores=NC, num_subcores=NS)
    run = pl.kernel(
        _permute_body,
        out_type=jax.ShapeDtypeStruct((ROWS, D), jnp.float32),
        mesh=mesh,
        scratch_types=(
            pltpu.VMEM((RPW,), jnp.int32),
            pltpu.VMEM((NBUF, CHW, D), jnp.float32),
            pltpu.SemaphoreType.DMA((NBUF * GPW,)),
            pltpu.SemaphoreType.DMA((NBUF,)),
        ),
        name="sc_row_permute",
    )
    return run(gidx, xf)


def kernel(X, perm):
    xf = X.reshape(ROWS, D)
    out = _permute_flat(perm, xf)
    return out.reshape(X.shape)

# --- scband reference (transcript-rebuilt; emitter-appended) ---
"""Pipeline reference for scband-permute-41592463294682 (READ-ONLY COPY).

The authoritative reference and input builder live on the scoring server;
editing this copy changes nothing except your own understanding.
"""

import jax, jax.numpy as jnp
import numpy as np

WIDTH = 4096

def setup_inputs(seed: int = 0) -> dict:
    key = jax.random.key(seed)
    k1, k2 = jax.random.split(key)
    X = jax.random.normal(k1, (2, WIDTH, 2048), dtype=jnp.float32)
    # The Keras layer builds a fixed random permutation of range(width) in __init__.
    perm = jax.random.permutation(k2, WIDTH).astype(jnp.int32)
    return {"X": X, "perm": perm}

def reference(X, perm):
    # call: tf.gather(X, self.perm, axis=1)
    return jnp.take(X, perm, axis=1)

if __name__ == "__main__":
    import jax
    _d = setup_inputs()
    print(jax.jit(kernel)(*tuple(_d.values())))

</pallas_src>

<mosaic_0001>
#map = affine_map<(d0, d1) -> (0)>
#map1 = affine_map<(d0, d1) -> (0, 0)>
module attributes {stable_mosaic.version = 14 : i64} {
  func.func @sc_row_permute(%arg0: i32, %arg1: i32, %arg2: memref<8192xi32, #tpu.memory_space<hbm>>, %arg3: memref<8192x2048xf32, #tpu.memory_space<hbm>>, %arg4: memref<8192x2048xf32, #tpu.memory_space<hbm>>, %arg5: memref<256xi32, #tpu.memory_space<vmem>>, %arg6: memref<3x16x2048xf32, #tpu.memory_space<vmem>>, %arg7: memref<6x!tpu.dma_semaphore, #tpu.memory_space<semaphore_mem>>, %arg8: memref<3x!tpu.dma_semaphore, #tpu.memory_space<semaphore_mem>>) attributes {dimension_semantics = [#tpu.dimension_semantics<core_parallel>, #tpu.dimension_semantics<subcore_parallel>], iteration_bounds = array<i64: 2, 16>, scalar_prefetch = 0 : i64, scratch_operands = 4 : i64, tpu.core_type = #tpu.core_type<sc_vector_subcore>, window_params = [{transform_indices = #map}, {transform_indices = #map1}, {transform_indices = #map1}]} {
    %mul3A = arith.constant 2 : i32
    %mul3A_0 = arith.muli %arg1, %mul3A : i32
    %add3A = arith.addi %mul3A_0, %arg0 : i32
    %mul3A_1 = arith.constant 256 : i32
    %mul3A_2 = arith.muli %add3A, %mul3A_1 : i32
    "tpu.region"() ({
      %run_scoped3A = tpu.sem_alloc : memref<!tpu.dma_semaphore, #tpu.memory_space<semaphore_mem>>
      %dma_start3A_1569 = tpu.memref_slice %arg2[%mul3A_2] : memref<8192xi32, #tpu.memory_space<hbm>> -> memref<256xi32, #tpu.memory_space<hbm>>
      %dma_start3A_1570 = tpu.memref_slice %arg2[%mul3A_2] : memref<8192xi32, #tpu.memory_space<hbm>> -> memref<256xi32, #tpu.memory_space<hbm>>
      tpu.enqueue_dma source(%dma_start3A_1570 : memref<256xi32, #tpu.memory_space<hbm>>) target(%arg5 : memref<256xi32, #tpu.memory_space<vmem>>) target_semaphore(%run_scoped3A : memref<!tpu.dma_semaphore, #tpu.memory_space<semaphore_mem>>)
      %dma_wait3A_1571 = tpu.memref_slice %arg2[%mul3A_2] : memref<8192xi32, #tpu.memory_space<hbm>> -> memref<256xi32, #tpu.memory_space<hbm>>
      %dma_wait3A_1572 = tpu.memref_slice %arg2[%mul3A_2] : memref<8192xi32, #tpu.memory_space<hbm>> -> memref<256xi32, #tpu.memory_space<hbm>>
      tpu.wait_dma2 semaphore(%run_scoped3A : memref<!tpu.dma_semaphore, #tpu.memory_space<semaphore_mem>>) src(%dma_wait3A_1572 : memref<256xi32, #tpu.memory_space<hbm>>) dst(%arg5 : memref<256xi32, #tpu.memory_space<vmem>>)
      tpu.yield
    }) : () -> ()
    %dma_start3A = arith.constant 0 : i32
    %dma_start3A_3 = arith.constant 0 : i32
    %dma_start3A_4 = arith.constant 0 : i32
    %dma_start3A_5 = arith.constant 0 : i32
    %dma_start3A_6 = tpu.memref_slice %arg6[%dma_start3A, %dma_start3A_4, %dma_start3A_5] : memref<3x16x2048xf32, #tpu.memory_space<vmem>> -> memref<1x16x2048xf32, #tpu.memory_space<vmem>>
    %dma_start3A_7 = tpu.memref_squeeze %dma_start3A_6 : memref<1x16x2048xf32, #tpu.memory_space<vmem>> -> memref<16x2048xf32, #tpu.memory_space<vmem>>
    %dma_start3A_8 = arith.constant 0 : i32
    %dma_start3A_9 = arith.constant 0 : i32
    %dma_start3A_10 = tpu.memref_slice %dma_start3A_7[%dma_start3A_8, %dma_start3A_9] : memref<16x2048xf32, #tpu.memory_space<vmem>> -> memref<8x2048xf32, #tpu.memory_space<vmem>>
    %dma_start3A_11 = arith.constant 0 : i32
    %dma_start3A_12 = tpu.memref_slice %arg5[%dma_start3A_11] : memref<256xi32, #tpu.memory_space<vmem>> -> memref<8xi32, #tpu.memory_space<vmem>>
    %dma_start3A_13 = arith.constant 0 : i32
    %dma_start3A_14 = arith.constant 0 : i32
    %dma_start3A_15 = tpu.memref_slice %arg3[%dma_start3A_13, %dma_start3A_14] : memref<8192x2048xf32, #tpu.memory_space<hbm>> -> memref<8192x2048xf32, #tpu.memory_space<hbm>>
    %dma_start3A_16 = tpu.memref_slice %arg7[%dma_start3A_3] : memref<6x!tpu.dma_semaphore, #tpu.memory_space<semaphore_mem>> -> memref<1x!tpu.dma_semaphore, #tpu.memory_space<semaphore_mem>>
    %dma_start3A_17 = tpu.memref_squeeze %dma_start3A_16 : memref<1x!tpu.dma_semaphore, #tpu.memory_space<semaphore_mem>> -> memref<!tpu.dma_semaphore, #tpu.memory_space<semaphore_mem>>
    tpu.enqueue_indirect_dma source(%dma_start3A_15 : memref<8192x2048xf32, #tpu.memory_space<hbm>>) target(%dma_start3A_10 : memref<8x2048xf32, #tpu.memory_space<vmem>>) offsets(%dma_start3A_12 : memref<8xi32, #tpu.memory_space<vmem>>) semaphore(%dma_start3A_17 : memref<!tpu.dma_semaphore, #tpu.memory_space<semaphore_mem>>)
    %dma_start3A_18 = arith.constant 0 : i32
    %dma_start3A_19 = arith.constant 1 : i32
    %dma_start3A_20 = arith.constant 0 : i32
    %dma_start3A_21 = arith.constant 0 : i32
    %dma_start3A_22 = tpu.memref_slice %arg6[%dma_start3A_18, %dma_start3A_20, %dma_start3A_21] : memref<3x16x2048xf32, #tpu.memory_space<vmem>> -> memref<1x16x2048xf32, #tpu.memory_space<vmem>>
    %dma_start3A_23 = tpu.memref_squeeze %dma_start3A_22 : memref<1x16x2048xf32, #tpu.memory_space<vmem>> -> memref<16x2048xf32, #tpu.memory_space<vmem>>
    %dma_start3A_24 = arith.constant 8 : i32
    %dma_start3A_25 = arith.constant 0 : i32
    %dma_start3A_26 = tpu.memref_slice %dma_start3A_23[%dma_start3A_24, %dma_start3A_25] : memref<16x2048xf32, #tpu.memory_space<vmem>> -> memref<8x2048xf32, #tpu.memory_space<vmem>>
    %dma_start3A_27 = arith.constant 8 : i32
    %dma_start3A_28 = tpu.memref_slice %arg5[%dma_start3A_27] : memref<256xi32, #tpu.memory_space<vmem>> -> memref<8xi32, #tpu.memory_space<vmem>>
    %dma_start3A_29 = arith.constant 0 : i32
    %dma_start3A_30 = arith.constant 0 : i32
    %dma_start3A_31 = tpu.memref_slice %arg3[%dma_start3A_29, %dma_start3A_30] : memref<8192x2048xf32, #tpu.memory_space<hbm>> -> memref<8192x2048xf32, #tpu.memory_space<hbm>>
    %dma_start3A_32 = tpu.memref_slice %arg7[%dma_start3A_19] : memref<6x!tpu.dma_semaphore, #tpu.memory_space<semaphore_mem>> -> memref<1x!tpu.dma_semaphore, #tpu.memory_space<semaphore_mem>>
    %dma_start3A_33 = tpu.memref_squeeze %dma_start3A_32 : memref<1x!tpu.dma_semaphore, #tpu.memory_space<semaphore_mem>> -> memref<!tpu.dma_semaphore, #tpu.memory_space<semaphore_mem>>
    tpu.enqueue_indirect_dma source(%dma_start3A_31 : memref<8192x2048xf32, #tpu.memory_space<hbm>>) target(%dma_start3A_26 : memref<8x2048xf32, #tpu.memory_space<vmem>>) offsets(%dma_start3A_28 : memref<8xi32, #tpu.memory_space<vmem>>) semaphore(%dma_start3A_33 : memref<!tpu.dma_semaphore, #tpu.memory_space<semaphore_mem>>)
    %dma_start3A_34 = arith.constant 1 : i32
    %dma_start3A_35 = arith.constant 2 : i32
    %dma_start3A_36 = arith.constant 0 : i32
    %dma_start3A_37 = arith.constant 0 : i32
    %dma_start3A_38 = tpu.memref_slice %arg6[%dma_start3A_34, %dma_start3A_36, %dma_start3A_37] : memref<3x16x2048xf32, #tpu.memory_space<vmem>> -> memref<1x16x2048xf32, #tpu.memory_space<vmem>>
    %dma_start3A_39 = tpu.memref_squeeze %dma_start3A_38 : memref<1x16x2048xf32, #tpu.memory_space<vmem>> -> memref<16x2048xf32, #tpu.memory_space<vmem>>
    %dma_start3A_40 = arith.constant 0 : i32
    %dma_start3A_41 = arith.constant 0 : i32
    %dma_start3A_42 = tpu.memref_slice %dma_start3A_39[%dma_start3A_40, %dma_start3A_41] : memref<16x2048xf32, #tpu.memory_space<vmem>> -> memref<8x2048xf32, #tpu.memory_space<vmem>>
    %dma_start3A_43 = arith.constant 16 : i32
    %dma_start3A_44 = tpu.memref_slice %arg5[%dma_start3A_43] : memref<256xi32, #tpu.memory_space<vmem>> -> memref<8xi32, #tpu.memory_space<vmem>>
    %dma_start3A_45 = arith.constant 0 : i32
    %dma_start3A_46 = arith.constant 0 : i32
    %dma_start3A_47 = tpu.memref_slice %arg3[%dma_start3A_45, %dma_start3A_46] : memref<8192x2048xf32, #tpu.memory_space<hbm>> -> memref<8192x2048xf32, #tpu.memory_space<hbm>>
    %dma_start3A_48 = tpu.memref_slice %arg7[%dma_start3A_35] : memref<6x!tpu.dma_semaphore, #tpu.memory_space<semaphore_mem>> -> memref<1x!tpu.dma_semaphore, #tpu.memory_space<semaphore_mem>>
    %dma_start3A_49 = tpu.memref_squeeze %dma_start3A_48 : memref<1x!tpu.dma_semaphore, #tpu.memory_space<semaphore_mem>> -> memref<!tpu.dma_semaphore, #tpu.memory_space<semaphore_mem>>
    tpu.enqueue_indirect_dma source(%dma_start3A_47 : memref<8192x2048xf32, #tpu.memory_space<hbm>>) target(%dma_start3A_42 : memref<8x2048xf32, #tpu.memory_space<vmem>>) offsets(%dma_start3A_44 : memref<8xi32, #tpu.memory_space<vmem>>) semaphore(%dma_start3A_49 : memref<!tpu.dma_semaphore, #tpu.memory_space<semaphore_mem>>)
    %dma_start3A_50 = arith.constant 1 : i32
    %dma_start3A_51 = arith.constant 3 : i32
    %dma_start3A_52 = arith.constant 0 : i32
    %dma_start3A_53 = arith.constant 0 : i32
    %dma_start3A_54 = tpu.memref_slice %arg6[%dma_start3A_50, %dma_start3A_52, %dma_start3A_53] : memref<3x16x2048xf32, #tpu.memory_space<vmem>> -> memref<1x16x2048xf32, #tpu.memory_space<vmem>>
    %dma_start3A_55 = tpu.memref_squeeze %dma_start3A_54 : memref<1x16x2048xf32, #tpu.memory_space<vmem>> -> memref<16x2048xf32, #tpu.memory_space<vmem>>
    %dma_start3A_56 = arith.constant 8 : i32
    %dma_start3A_57 = arith.constant 0 : i32
    %dma_start3A_58 = tpu.memref_slice %dma_start3A_55[%dma_start3A_56, %dma_start3A_57] : memref<16x2048xf32, #tpu.memory_space<vmem>> -> memref<8x2048xf32, #tpu.memory_space<vmem>>
    %dma_start3A_59 = arith.constant 24 : i32
    %dma_start3A_60 = tpu.memref_slice %arg5[%dma_start3A_59] : memref<256xi32, #tpu.memory_space<vmem>> -> memref<8xi32, #tpu.memory_space<vmem>>
    %dma_start3A_61 = arith.constant 0 : i32
    %dma_start3A_62 = arith.constant 0 : i32
    %dma_start3A_63 = tpu.memref_slice %arg3[%dma_start3A_61, %dma_start3A_62] : memref<8192x2048xf32, #tpu.memory_space<hbm>> -> memref<8192x2048xf32, #tpu.memory_space<hbm>>
    %dma_start3A_64 = tpu.memref_slice %arg7[%dma_start3A_51] : memref<6x!tpu.dma_semaphore, #tpu.memory_space<semaphore_mem>> -> memref<1x!tpu.dma_semaphore, #tpu.memory_space<semaphore_mem>>
    %dma_start3A_65 = tpu.memref_squeeze %dma_start3A_64 : memref<1x!tpu.dma_semaphore, #tpu.memory_space<semaphore_mem>> -> memref<!tpu.dma_semaphore, #tpu.memory_space<semaphore_mem>>
    tpu.enqueue_indirect_dma source(%dma_start3A_63 : memref<8192x2048xf32, #tpu.memory_space<hbm>>) target(%dma_start3A_58 : memref<8x2048xf32, #tpu.memory_space<vmem>>) offsets(%dma_start3A_60 : memref<8xi32, #tpu.memory_space<vmem>>) semaphore(%dma_start3A_65 : memref<!tpu.dma_semaphore, #tpu.memory_space<semaphore_mem>>)
    %dma_start3A_66 = arith.constant 2 : i32
    %dma_start3A_67 = arith.constant 4 : i32
    %dma_start3A_68 = arith.constant 0 : i32
    %dma_start3A_69 = arith.constant 0 : i32
    %dma_start3A_70 = tpu.memref_slice %arg6[%dma_start3A_66, %dma_start3A_68, %dma_start3A_69] : memref<3x16x2048xf32, #tpu.memory_space<vmem>> -> memref<1x16x2048xf32, #tpu.memory_space<vmem>>
    %dma_start3A_71 = tpu.memref_squeeze %dma_start3A_70 : memref<1x16x2048xf32, #tpu.memory_space<vmem>> -> memref<16x2048xf32, #tpu.memory_space<vmem>>
    %dma_start3A_72 = arith.constant 0 : i32
    %dma_start3A_73 = arith.constant 0 : i32
    %dma_start3A_74 = tpu.memref_slice %dma_start3A_71[%dma_start3A_72, %dma_start3A_73] : memref<16x2048xf32, #tpu.memory_space<vmem>> -> memref<8x2048xf32, #tpu.memory_space<vmem>>
    %dma_start3A_75 = arith.constant 32 : i32
    %dma_start3A_76 = tpu.memref_slice %arg5[%dma_start3A_75] : memref<256xi32, #tpu.memory_space<vmem>> -> memref<8xi32, #tpu.memory_space<vmem>>
    %dma_start3A_77 = arith.constant 0 : i32
    %dma_start3A_78 = arith.constant 0 : i32
    %dma_start3A_79 = tpu.memref_slice %arg3[%dma_start3A_77, %dma_start3A_78] : memref<8192x2048xf32, #tpu.memory_space<hbm>> -> memref<8192x2048xf32, #tpu.memory_space<hbm>>
    %dma_start3A_80 = tpu.memref_slice %arg7[%dma_start3A_67] : memref<6x!tpu.dma_semaphore, #tpu.memory_space<semaphore_mem>> -> memref<1x!tpu.dma_semaphore, #tpu.memory_space<semaphore_mem>>
    %dma_start3A_81 = tpu.memref_squeeze %dma_start3A_80 : memref<1x!tpu.dma_semaphore, #tpu.memory_space<semaphore_mem>> -> memref<!tpu.dma_semaphore, #tpu.memory_space<semaphore_mem>>
    tpu.enqueue_indirect_dma source(%dma_start3A_79 : memref<8192x2048xf32, #tpu.memory_space<hbm>>) target(%dma_start3A_74 : memref<8x2048xf32, #tpu.memory_space<vmem>>) offsets(%dma_start3A_76 : memref<8xi32, #tpu.memory_space<vmem>>) semaphore(%dma_start3A_81 : memref<!tpu.dma_semaphore, #tpu.memory_space<semaphore_mem>>)
    %dma_wait3A = arith.constant 0 : i32
    %dma_wait3A_82 = arith.constant 0 : i32
    %dma_wait3A_83 = arith.constant 0 : i32
    %dma_wait3A_84 = arith.constant 0 : i32
    %dma_wait3A_85 = tpu.memref_slice %arg6[%dma_wait3A, %dma_wait3A_83, %dma_wait3A_84] : memref<3x16x2048xf32, #tpu.memory_space<vmem>> -> memref<1x16x2048xf32, #tpu.memory_space<vmem>>
    %dma_wait3A_86 = tpu.memref_squeeze %dma_wait3A_85 : memref<1x16x2048xf32, #tpu.memory_space<vmem>> -> memref<16x2048xf32, #tpu.memory_space<vmem>>
    %dma_wait3A_87 = arith.constant 0 : i32
    %dma_wait3A_88 = arith.constant 0 : i32
    %dma_wait3A_89 = tpu.memref_slice %dma_wait3A_86[%dma_wait3A_87, %dma_wait3A_88] : memref<16x2048xf32, #tpu.memory_space<vmem>> -> memref<8x2048xf32, #tpu.memory_space<vmem>>
    %dma_wait3A_90 = arith.constant 0 : i32
    %dma_wait3A_91 = tpu.memref_slice %arg5[%dma_wait3A_90] : memref<256xi32, #tpu.memory_space<vmem>> -> memref<8xi32, #tpu.memory_space<vmem>>
    %dma_wait3A_92 = arith.constant 0 : i32
    %dma_wait3A_93 = arith.constant 0 : i32
    %dma_wait3A_94 = tpu.memref_slice %arg3[%dma_wait3A_92, %dma_wait3A_93] : memref<8192x2048xf32, #tpu.memory_space<hbm>> -> memref<8192x2048xf32, #tpu.memory_space<hbm>>
    %dma_wait3A_95 = tpu.memref_slice %arg7[%dma_wait3A_82] : memref<6x!tpu.dma_semaphore, #tpu.memory_space<semaphore_mem>> -> memref<1x!tpu.dma_semaphore, #tpu.memory_space<semaphore_mem>>
    %dma_wait3A_96 = tpu.memref_squeeze %dma_wait3A_95 : memref<1x!tpu.dma_semaphore, #tpu.memory_space<semaphore_mem>> -> memref<!tpu.dma_semaphore, #tpu.memory_space<semaphore_mem>>
    tpu.wait_indirect_dma semaphore(%dma_wait3A_96 : memref<!tpu.dma_semaphore, #tpu.memory_space<semaphore_mem>>) src(%dma_wait3A_94 : memref<8192x2048xf32, #tpu.memory_space<hbm>>) dst(%dma_wait3A_89 : memref<8x2048xf32, #tpu.memory_space<vmem>>)
    %dma_start3A_97 = arith.constant 2 : i32
    %dma_start3A_98 = arith.constant 5 : i32
    %dma_start3A_99 = arith.constant 0 : i32
    %dma_start3A_100 = arith.constant 0 : i32
    %dma_start3A_101 = tpu.memref_slice %arg6[%dma_start3A_97, %dma_start3A_99, %dma_start3A_100] : memref<3x16x2048xf32, #tpu.memory_space<vmem>> -> memref<1x16x2048xf32, #tpu.memory_space<vmem>>
    %dma_start3A_102 = tpu.memref_squeeze %dma_start3A_101 : memref<1x16x2048xf32, #tpu.memory_space<vmem>> -> memref<16x2048xf32, #tpu.memory_space<vmem>>
    %dma_start3A_103 = arith.constant 8 : i32
    %dma_start3A_104 = arith.constant 0 : i32
    %dma_start3A_105 = tpu.memref_slice %dma_start3A_102[%dma_start3A_103, %dma_start3A_104] : memref<16x2048xf32, #tpu.memory_space<vmem>> -> memref<8x2048xf32, #tpu.memory_space<vmem>>
    %dma_start3A_106 = arith.constant 40 : i32
    %dma_start3A_107 = tpu.memref_slice %arg5[%dma_start3A_106] : memref<256xi32, #tpu.memory_space<vmem>> -> memref<8xi32, #tpu.memory_space<vmem>>
    %dma_start3A_108 = arith.constant 0 : i32
    %dma_start3A_109 = arith.constant 0 : i32
    %dma_start3A_110 = tpu.memref_slice %arg3[%dma_start3A_108, %dma_start3A_109] : memref<8192x2048xf32, #tpu.memory_space<hbm>> -> memref<8192x2048xf32, #tpu.memory_space<hbm>>
    %dma_start3A_111 = tpu.memref_slice %arg7[%dma_start3A_98] : memref<6x!tpu.dma_semaphore, #tpu.memory_space<semaphore_mem>> -> memref<1x!tpu.dma_semaphore, #tpu.memory_space<semaphore_mem>>
    %dma_start3A_112 = tpu.memref_squeeze %dma_start3A_111 : memref<1x!tpu.dma_semaphore, #tpu.memory_space<semaphore_mem>> -> memref<!tpu.dma_semaphore, #tpu.memory_space<semaphore_mem>>
    tpu.enqueue_indirect_dma source(%dma_start3A_110 : memref<8192x2048xf32, #tpu.memory_space<hbm>>) target(%dma_start3A_105 : memref<8x2048xf32, #tpu.memory_space<vmem>>) offsets(%dma_start3A_107 : memref<8xi32, #tpu.memory_space<vmem>>) semaphore(%dma_start3A_112 : memref<!tpu.dma_semaphore, #tpu.memory_space<semaphore_mem>>)
    %dma_wait3A_113 = arith.constant 0 : i32
    %dma_wait3A_114 = arith.constant 1 : i32
    %dma_wait3A_115 = arith.constant 0 : i32
    %dma_wait3A_116 = arith.constant 0 : i32
    %dma_wait3A_117 = tpu.memref_slice %arg6[%dma_wait3A_113, %dma_wait3A_115, %dma_wait3A_116] : memref<3x16x2048xf32, #tpu.memory_space<vmem>> -> memref<1x16x2048xf32, #tpu.memory_space<vmem>>
    %dma_wait3A_118 = tpu.memref_squeeze %dma_wait3A_117 : memref<1x16x2048xf32, #tpu.memory_space<vmem>> -> memref<16x2048xf32, #tpu.memory_space<vmem>>
    %dma_wait3A_119 = arith.constant 8 : i32
    %dma_wait3A_120 = arith.constant 0 : i32
    %dma_wait3A_121 = tpu.memref_slice %dma_wait3A_118[%dma_wait3A_119, %dma_wait3A_120] : memref<16x2048xf32, #tpu.memory_space<vmem>> -> memref<8x2048xf32, #tpu.memory_space<vmem>>
    %dma_wait3A_122 = arith.constant 8 : i32
    %dma_wait3A_123 = tpu.memref_slice %arg5[%dma_wait3A_122] : memref<256xi32, #tpu.memory_space<vmem>> -> memref<8xi32, #tpu.memory_space<vmem>>
    %dma_wait3A_124 = arith.constant 0 : i32
    %dma_wait3A_125 = arith.constant 0 : i32
    %dma_wait3A_126 = tpu.memref_slice %arg3[%dma_wait3A_124, %dma_wait3A_125] : memref<8192x2048xf32, #tpu.memory_space<hbm>> -> memref<8192x2048xf32, #tpu.memory_space<hbm>>
    %dma_wait3A_127 = tpu.memref_slice %arg7[%dma_wait3A_114] : memref<6x!tpu.dma_semaphore, #tpu.memory_space<semaphore_mem>> -> memref<1x!tpu.dma_semaphore, #tpu.memory_space<semaphore_mem>>
    %dma_wait3A_128 = tpu.memref_squeeze %dma_wait3A_127 : memref<1x!tpu.dma_semaphore, #tpu.memory_space<semaphore_mem>> -> memref<!tpu.dma_semaphore, #tpu.memory_space<semaphore_mem>>
    tpu.wait_indirect_dma semaphore(%dma_wait3A_128 : memref<!tpu.dma_semaphore, #tpu.memory_space<semaphore_mem>>) src(%dma_wait3A_126 : memref<8192x2048xf32, #tpu.memory_space<hbm>>) dst(%dma_wait3A_121 : memref<8x2048xf32, #tpu.memory_space<vmem>>)
    %add3A_129 = arith.constant 0 : i32
    %add3A_130 = arith.addi %mul3A_2, %add3A_129 : i32
    %dma_start3A_131 = arith.constant 0 : i32
    %dma_start3A_132 = arith.constant 0 : i32
    %dma_start3A_133 = arith.constant 0 : i32
    %dma_start3A_134 = arith.constant 0 : i32
    %dma_start3A_135 = tpu.memref_slice %arg6[%dma_start3A_131, %dma_start3A_133, %dma_start3A_134] : memref<3x16x2048xf32, #tpu.memory_space<vmem>> -> memref<1x16x2048xf32, #tpu.memory_space<vmem>>
    %dma_start3A_136 = tpu.memref_squeeze %dma_start3A_135 : memref<1x16x2048xf32, #tpu.memory_space<vmem>> -> memref<16x2048xf32, #tpu.memory_space<vmem>>
    %dma_start3A_137 = arith.constant 0 : i32
    %dma_start3A_138 = tpu.memref_slice %arg4[%add3A_130, %dma_start3A_137] : memref<8192x2048xf32, #tpu.memory_space<hbm>> -> memref<16x2048xf32, #tpu.memory_space<hbm>>
    %dma_start3A_139 = tpu.memref_slice %arg8[%dma_start3A_132] : memref<3x!tpu.dma_semaphore, #tpu.memory_space<semaphore_mem>> -> memref<1x!tpu.dma_semaphore, #tpu.memory_space<semaphore_mem>>
    %dma_start3A_140 = tpu.memref_squeeze %dma_start3A_139 : memref<1x!tpu.dma_semaphore, #tpu.memory_space<semaphore_mem>> -> memref<!tpu.dma_semaphore, #tpu.memory_space<semaphore_mem>>
    %dma_start3A_141 = arith.constant 0 : i32
    %dma_start3A_142 = tpu.memref_slice %arg4[%add3A_130, %dma_start3A_141] : memref<8192x2048xf32, #tpu.memory_space<hbm>> -> memref<16x2048xf32, #tpu.memory_space<hbm>>
    %dma_start3A_143 = arith.constant 0 : i32
    %dma_start3A_144 = arith.constant 0 : i32
    %dma_start3A_145 = tpu.memref_slice %arg6[%dma_start3A_131, %dma_start3A_143, %dma_start3A_144] : memref<3x16x2048xf32, #tpu.memory_space<vmem>> -> memref<1x16x2048xf32, #tpu.memory_space<vmem>>
    %dma_start3A_146 = tpu.memref_squeeze %dma_start3A_145 : memref<1x16x2048xf32, #tpu.memory_space<vmem>> -> memref<16x2048xf32, #tpu.memory_space<vmem>>
    tpu.enqueue_dma source(%dma_start3A_146 : memref<16x2048xf32, #tpu.memory_space<vmem>>) target(%dma_start3A_142 : memref<16x2048xf32, #tpu.memory_space<hbm>>) target_semaphore(%dma_start3A_140 : memref<!tpu.dma_semaphore, #tpu.memory_space<semaphore_mem>>)
    %dma_wait3A_147 = arith.constant 0 : i32
    %dma_wait3A_148 = arith.constant 0 : i32
    %dma_wait3A_149 = arith.constant 0 : i32
    %dma_wait3A_150 = arith.constant 0 : i32
    %dma_wait3A_151 = tpu.memref_slice %arg6[%dma_wait3A_147, %dma_wait3A_149, %dma_wait3A_150] : memref<3x16x2048xf32, #tpu.memory_space<vmem>> -> memref<1x16x2048xf32, #tpu.memory_space<vmem>>
    %dma_wait3A_152 = tpu.memref_squeeze %dma_wait3A_151 : memref<1x16x2048xf32, #tpu.memory_space<vmem>> -> memref<16x2048xf32, #tpu.memory_space<vmem>>
    %dma_wait3A_153 = arith.constant 0 : i32
    %dma_wait3A_154 = tpu.memref_slice %arg4[%add3A_130, %dma_wait3A_153] : memref<8192x2048xf32, #tpu.memory_space<hbm>> -> memref<16x2048xf32, #tpu.memory_space<hbm>>
    %dma_wait3A_155 = tpu.memref_slice %arg8[%dma_wait3A_148] : memref<3x!tpu.dma_semaphore, #tpu.memory_space<semaphore_mem>> -> memref<1x!tpu.dma_semaphore, #tpu.memory_space<semaphore_mem>>
    %dma_wait3A_156 = tpu.memref_squeeze %dma_wait3A_155 : memref<1x!tpu.dma_semaphore, #tpu.memory_space<semaphore_mem>> -> memref<!tpu.dma_semaphore, #tpu.memory_space<semaphore_mem>>
    %dma_wait3A_157 = arith.constant 0 : i32
    %dma_wait3A_158 = tpu.memref_slice %arg4[%add3A_130, %dma_wait3A_157] : memref<8192x2048xf32, #tpu.memory_space<hbm>> -> memref<16x2048xf32, #tpu.memory_space<hbm>>
    %dma_wait3A_159 = arith.constant 0 : i32
    %dma_wait3A_160 = arith.constant 0 : i32
    %dma_wait3A_161 = tpu.memref_slice %arg6[%dma_wait3A_147, %dma_wait3A_159, %dma_wait3A_160] : memref<3x16x2048xf32, #tpu.memory_space<vmem>> -> memref<1x16x2048xf32, #tpu.memory_space<vmem>>
    %dma_wait3A_162 = tpu.memref_squeeze %dma_wait3A_161 : memref<1x16x2048xf32, #tpu.memory_space<vmem>> -> memref<16x2048xf32, #tpu.memory_space<vmem>>
    tpu.wait_dma2 semaphore(%dma_wait3A_156 : memref<!tpu.dma_semaphore, #tpu.memory_space<semaphore_mem>>) src(%dma_wait3A_162 : memref<16x2048xf32, #tpu.memory_space<vmem>>) dst(%dma_wait3A_158 : memref<16x2048xf32, #tpu.memory_space<hbm>>)
    %dma_start3A_163 = arith.constant 0 : i32
    %dma_start3A_164 = arith.constant 0 : i32
    %dma_start3A_165 = arith.constant 0 : i32
    %dma_start3A_166 = arith.constant 0 : i32
    %dma_start3A_167 = tpu.memref_slice %arg6[%dma_start3A_163, %dma_start3A_165, %dma_start3A_166] : memref<3x16x2048xf32, #tpu.memory_space<vmem>> -> memref<1x16x2048xf32, #tpu.memory_space<vmem>>
    %dma_start3A_168 = tpu.memref_squeeze %dma_start3A_167 : memref<1x16x2048xf32, #tpu.memory_space<vmem>> -> memref<16x2048xf32, #tpu.memory_space<vmem>>
    %dma_start3A_169 = arith.constant 0 : i32
    %dma_start3A_170 = arith.constant 0 : i32
    %dma_start3A_171 = tpu.memref_slice %dma_start3A_168[%dma_start3A_169, %dma_start3A_170] : memref<16x2048xf32, #tpu.memory_space<vmem>> -> memref<8x2048xf32, #tpu.memory_space<vmem>>
    %dma_start3A_172 = arith.constant 48 : i32
    %dma_start3A_173 = tpu.memref_slice %arg5[%dma_start3A_172] : memref<256xi32, #tpu.memory_space<vmem>> -> memref<8xi32, #tpu.memory_space<vmem>>
    %dma_start3A_174 = arith.constant 0 : i32
    %dma_start3A_175 = arith.constant 0 : i32
    %dma_start3A_176 = tpu.memref_slice %arg3[%dma_start3A_174, %dma_start3A_175] : memref<8192x2048xf32, #tpu.memory_space<hbm>> -> memref<8192x2048xf32, #tpu.memory_space<hbm>>
    %dma_start3A_177 = tpu.memref_slice %arg7[%dma_start3A_164] : memref<6x!tpu.dma_semaphore, #tpu.memory_space<semaphore_mem>> -> memref<1x!tpu.dma_semaphore, #tpu.memory_space<semaphore_mem>>
    %dma_start3A_178 = tpu.memref_squeeze %dma_start3A_177 : memref<1x!tpu.dma_semaphore, #tpu.memory_space<semaphore_mem>> -> memref<!tpu.dma_semaphore, #tpu.memory_space<semaphore_mem>>
    tpu.enqueue_indirect_dma source(%dma_start3A_176 : memref<8192x2048xf32, #tpu.memory_space<hbm>>) target(%dma_start3A_171 : memref<8x2048xf32, #tpu.memory_space<vmem>>) offsets(%dma_start3A_173 : memref<8xi32, #tpu.memory_space<vmem>>) semaphore(%dma_start3A_178 : memref<!tpu.dma_semaphore, #tpu.memory_space<semaphore_mem>>)
    %dma_wait3A_179 = arith.constant 1 : i32
    %dma_wait3A_180 = arith.constant 2 : i32
    %dma_wait3A_181 = arith.constant 0 : i32
    %dma_wait3A_182 = arith.constant 0 : i32
    %dma_wait3A_183 = tpu.memref_slice %arg6[%dma_wait3A_179, %dma_wait3A_181, %dma_wait3A_182] : memref<3x16x2048xf32, #tpu.memory_space<vmem>> -> memref<1x16x2048xf32, #tpu.memory_space<vmem>>
    %dma_wait3A_184 = tpu.memref_squeeze %dma_wait3A_183 : memref<1x16x2048xf32, #tpu.memory_space<vmem>> -> memref<16x2048xf32, #tpu.memory_space<vmem>>
    %dma_wait3A_185 = arith.constant 0 : i32
    %dma_wait3A_186 = arith.constant 0 : i32
    %dma_wait3A_187 = tpu.memref_slice %dma_wait3A_184[%dma_wait3A_185, %dma_wait3A_186] : memref<16x2048xf32, #tpu.memory_space<vmem>> -> memref<8x2048xf32, #tpu.memory_space<vmem>>
    %dma_wait3A_188 = arith.constant 16 : i32
    %dma_wait3A_189 = tpu.memref_slice %arg5[%dma_wait3A_188] : memref<256xi32, #tpu.memory_space<vmem>> -> memref<8xi32, #tpu.memory_space<vmem>>
    %dma_wait3A_190 = arith.constant 0 : i32
    %dma_wait3A_191 = arith.constant 0 : i32
    %dma_wait3A_192 = tpu.memref_slice %arg3[%dma_wait3A_190, %dma_wait3A_191] : memref<8192x2048xf32, #tpu.memory_space<hbm>> -> memref<8192x2048xf32, #tpu.memory_space<hbm>>
    %dma_wait3A_193 = tpu.memref_slice %arg7[%dma_wait3A_180] : memref<6x!tpu.dma_semaphore, #tpu.memory_space<semaphore_mem>> -> memref<1x!tpu.dma_semaphore, #tpu.memory_space<semaphore_mem>>
    %dma_wait3A_194 = tpu.memref_squeeze %dma_wait3A_193 : memref<1x!tpu.dma_semaphore, #tpu.memory_space<semaphore_mem>> -> memref<!tpu.dma_semaphore, #tpu.memory_space<semaphore_mem>>
    tpu.wait_indirect_dma semaphore(%dma_wait3A_194 : memref<!tpu.dma_semaphore, #tpu.memory_space<semaphore_mem>>) src(%dma_wait3A_192 : memref<8192x2048xf32, #tpu.memory_space<hbm>>) dst(%dma_wait3A_187 : memref<8x2048xf32, #tpu.memory_space<vmem>>)
    %dma_start3A_195 = arith.constant 0 : i32
    %dma_start3A_196 = arith.constant 1 : i32
    %dma_start3A_197 = arith.constant 0 : i32
    %dma_start3A_198 = arith.constant 0 : i32
    %dma_start3A_199 = tpu.memref_slice %arg6[%dma_start3A_195, %dma_start3A_197, %dma_start3A_198] : memref<3x16x2048xf32, #tpu.memory_space<vmem>> -> memref<1x16x2048xf32, #tpu.memory_space<vmem>>
    %dma_start3A_200 = tpu.memref_squeeze %dma_start3A_199 : memref<1x16x2048xf32, #tpu.memory_space<vmem>> -> memref<16x2048xf32, #tpu.memory_space<vmem>>
    %dma_start3A_201 = arith.constant 8 : i32
    %dma_start3A_202 = arith.constant 0 : i32
    %dma_start3A_203 = tpu.memref_slice %dma_start3A_200[%dma_start3A_201, %dma_start3A_202] : memref<16x2048xf32, #tpu.memory_space<vmem>> -> memref<8x2048xf32, #tpu.memory_space<vmem>>
    %dma_start3A_204 = arith.constant 56 : i32
    %dma_start3A_205 = tpu.memref_slice %arg5[%dma_start3A_204] : memref<256xi32, #tpu.memory_space<vmem>> -> memref<8xi32, #tpu.memory_space<vmem>>
    %dma_start3A_206 = arith.constant 0 : i32
    %dma_start3A_207 = arith.constant 0 : i32
    %dma_start3A_208 = tpu.memref_slice %arg3[%dma_start3A_206, %dma_start3A_207] : memref<8192x2048xf32, #tpu.memory_space<hbm>> -> memref<8192x2048xf32, #tpu.memory_space<hbm>>
    %dma_start3A_209 = tpu.memref_slice %arg7[%dma_start3A_196] : memref<6x!tpu.dma_semaphore, #tpu.memory_space<semaphore_mem>> -> memref<1x!tpu.dma_semaphore, #tpu.memory_space<semaphore_mem>>
    %dma_start3A_210 = tpu.memref_squeeze %dma_start3A_209 : memref<1x!tpu.dma_semaphore, #tpu.memory_space<semaphore_mem>> -> memref<!tpu.dma_semaphore, #tpu.memory_space<semaphore_mem>>
    tpu.enqueue_indirect_dma source(%dma_start3A_208 : memref<8192x2048xf32, #tpu.memory_space<hbm>>) target(%dma_start3A_203 : memref<8x2048xf32, #tpu.memory_space<vmem>>) offsets(%dma_start3A_205 : memref<8xi32, #tpu.memory_space<vmem>>) semaphore(%dma_start3A_210 : memref<!tpu.dma_semaphore, #tpu.memory_space<semaphore_mem>>)
    %dma_wait3A_211 = arith.constant 1 : i32
    %dma_wait3A_212 = arith.constant 3 : i32
    %dma_wait3A_213 = arith.constant 0 : i32
    %dma_wait3A_214 = arith.constant 0 : i32
    %dma_wait3A_215 = tpu.memref_slice %arg6[%dma_wait3A_211, %dma_wait3A_213, %dma_wait3A_214] : memref<3x16x2048xf32, #tpu.memory_space<vmem>> -> memref<1x16x2048xf32, #tpu.memory_space<vmem>>
    %dma_wait3A_216 = tpu.memref_squeeze %dma_wait3A_215 : memref<1x16x2048xf32, #tpu.memory_space<vmem>> -> memref<16x2048xf32, #tpu.memory_space<vmem>>
    %dma_wait3A_217 = arith.constant 8 : i32
    %dma_wait3A_218 = arith.constant 0 : i32
    %dma_wait3A_219 = tpu.memref_slice %dma_wait3A_216[%dma_wait3A_217, %dma_wait3A_218] : memref<16x2048xf32, #tpu.memory_space<vmem>> -> memref<8x2048xf32, #tpu.memory_space<vmem>>
    %dma_wait3A_220 = arith.constant 24 : i32
    %dma_wait3A_221 = tpu.memref_slice %arg5[%dma_wait3A_220] : memref<256xi32, #tpu.memory_space<vmem>> -> memref<8xi32, #tpu.memory_space<vmem>>
    %dma_wait3A_222 = arith.constant 0 : i32
    %dma_wait3A_223 = arith.constant 0 : i32
    %dma_wait3A_224 = tpu.memref_slice %arg3[%dma_wait3A_222, %dma_wait3A_223] : memref<8192x2048xf32, #tpu.memory_space<hbm>> -> memref<8192x2048xf32, #tpu.memory_space<hbm>>
    %dma_wait3A_225 = tpu.memref_slice %arg7[%dma_wait3A_212] : memref<6x!tpu.dma_semaphore, #tpu.memory_space<semaphore_mem>> -> memref<1x!tpu.dma_semaphore, #tpu.memory_space<semaphore_mem>>
    %dma_wait3A_226 = tpu.memref_squeeze %dma_wait3A_225 : memref<1x!tpu.dma_semaphore, #tpu.memory_space<semaphore_mem>> -> memref<!tpu.dma_semaphore, #tpu.memory_space<semaphore_mem>>
    tpu.wait_indirect_dma semaphore(%dma_wait3A_226 : memref<!tpu.dma_semaphore, #tpu.memory_space<semaphore_mem>>) src(%dma_wait3A_224 : memref<8192x2048xf32, #tpu.memory_space<hbm>>) dst(%dma_wait3A_219 : memref<8x2048xf32, #tpu.memory_space<vmem>>)
    %add3A_227 = arith.constant 16 : i32
    %add3A_228 = arith.addi %mul3A_2, %add3A_227 : i32
    %dma_start3A_229 = arith.constant 1 : i32
    %dma_start3A_230 = arith.constant 1 : i32
    %dma_start3A_231 = arith.constant 0 : i32
    %dma_start3A_232 = arith.constant 0 : i32
    %dma_start3A_233 = tpu.memref_slice %arg6[%dma_start3A_229, %dma_start3A_231, %dma_start3A_232] : memref<3x16x2048xf32, #tpu.memory_space<vmem>> -> memref<1x16x2048xf32, #tpu.memory_space<vmem>>
    %dma_start3A_234 = tpu.memref_squeeze %dma_start3A_233 : memref<1x16x2048xf32, #tpu.memory_space<vmem>> -> memref<16x2048xf32, #tpu.memory_space<vmem>>
    %dma_start3A_235 = arith.constant 0 : i32
    %dma_start3A_236 = tpu.memref_slice %arg4[%add3A_228, %dma_start3A_235] : memref<8192x2048xf32, #tpu.memory_space<hbm>> -> memref<16x2048xf32, #tpu.memory_space<hbm>>
    %dma_start3A_237 = tpu.memref_slice %arg8[%dma_start3A_230] : memref<3x!tpu.dma_semaphore, #tpu.memory_space<semaphore_mem>> -> memref<1x!tpu.dma_semaphore, #tpu.memory_space<semaphore_mem>>
    %dma_start3A_238 = tpu.memref_squeeze %dma_start3A_237 : memref<1x!tpu.dma_semaphore, #tpu.memory_space<semaphore_mem>> -> memref<!tpu.dma_semaphore, #tpu.memory_space<semaphore_mem>>
    %dma_start3A_239 = arith.constant 0 : i32
    %dma_start3A_240 = tpu.memref_slice %arg4[%add3A_228, %dma_start3A_239] : memref<8192x2048xf32, #tpu.memory_space<hbm>> -> memref<16x2048xf32, #tpu.memory_space<hbm>>
    %dma_start3A_241 = arith.constant 0 : i32
    %dma_start3A_242 = arith.constant 0 : i32
    %dma_start3A_243 = tpu.memref_slice %arg6[%dma_start3A_229, %dma_start3A_241, %dma_start3A_242] : memref<3x16x2048xf32, #tpu.memory_space<vmem>> -> memref<1x16x2048xf32, #tpu.memory_space<vmem>>
    %dma_start3A_244 = tpu.memref_squeeze %dma_start3A_243 : memref<1x16x2048xf32, #tpu.memory_space<vmem>> -> memref<16x2048xf32, #tpu.memory_space<vmem>>
    tpu.enqueue_dma source(%dma_start3A_244 : memref<16x2048xf32, #tpu.memory_space<vmem>>) target(%dma_start3A_240 : memref<16x2048xf32, #tpu.memory_space<hbm>>) target_semaphore(%dma_start3A_238 : memref<!tpu.dma_semaphore, #tpu.memory_space<semaphore_mem>>)
    %dma_wait3A_245 = arith.constant 1 : i32
    %dma_wait3A_246 = arith.constant 1 : i32
    %dma_wait3A_247 = arith.constant 0 : i32
    %dma_wait3A_248 = arith.constant 0 : i32
    %dma_wait3A_249 = tpu.memref_slice %arg6[%dma_wait3A_245, %dma_wait3A_247, %dma_wait3A_248] : memref<3x16x2048xf32, #tpu.memory_space<vmem>> -> memref<1x16x2048xf32, #tpu.memory_space<vmem>>
    %dma_wait3A_250 = tpu.memref_squeeze %dma_wait3A_249 : memref<1x16x2048xf32, #tpu.memory_space<vmem>> -> memref<16x2048xf32, #tpu.memory_space<vmem>>
    %dma_wait3A_251 = arith.constant 0 : i32
    %dma_wait3A_252 = tpu.memref_slice %arg4[%add3A_228, %dma_wait3A_251] : memref<8192x2048xf32, #tpu.memory_space<hbm>> -> memref<16x2048xf32, #tpu.memory_space<hbm>>
    %dma_wait3A_253 = tpu.memref_slice %arg8[%dma_wait3A_246] : memref<3x!tpu.dma_semaphore, #tpu.memory_space<semaphore_mem>> -> memref<1x!tpu.dma_semaphore, #tpu.memory_space<semaphore_mem>>
    %dma_wait3A_254 = tpu.memref_squeeze %dma_wait3A_253 : memref<1x!tpu.dma_semaphore, #tpu.memory_space<semaphore_mem>> -> memref<!tpu.dma_semaphore, #tpu.memory_space<semaphore_mem>>
    %dma_wait3A_255 = arith.constant 0 : i32
    %dma_wait3A_256 = tpu.memref_slice %arg4[%add3A_228, %dma_wait3A_255] : memref<8192x2048xf32, #tpu.memory_space<hbm>> -> memref<16x2048xf32, #tpu.memory_space<hbm>>
    %dma_wait3A_257 = arith.constant 0 : i32
    %dma_wait3A_258 = arith.constant 0 : i32
    %dma_wait3A_259 = tpu.memref_slice %arg6[%dma_wait3A_245, %dma_wait3A_257, %dma_wait3A_258] : memref<3x16x2048xf32, #tpu.memory_space<vmem>> -> memref<1x16x2048xf32, #tpu.memory_space<vmem>>
    %dma_wait3A_260 = tpu.memref_squeeze %dma_wait3A_259 : memref<1x16x2048xf32, #tpu.memory_space<vmem>> -> memref<16x2048xf32, #tpu.memory_space<vmem>>
    tpu.wait_dma2 semaphore(%dma_wait3A_254 : memref<!tpu.dma_semaphore, #tpu.memory_space<semaphore_mem>>) src(%dma_wait3A_260 : memref<16x2048xf32, #tpu.memory_space<vmem>>) dst(%dma_wait3A_256 : memref<16x2048xf32, #tpu.memory_space<hbm>>)
    %dma_start3A_261 = arith.constant 1 : i32
    %dma_start3A_262 = arith.constant 2 : i32
    %dma_start3A_263 = arith.constant 0 : i32
    %dma_start3A_264 = arith.constant 0 : i32
    %dma_start3A_265 = tpu.memref_slice %arg6[%dma_start3A_261, %dma_start3A_263, %dma_start3A_264] : memref<3x16x2048xf32, #tpu.memory_space<vmem>> -> memref<1x16x2048xf32, #tpu.memory_space<vmem>>
    %dma_start3A_266 = tpu.memref_squeeze %dma_start3A_265 : memref<1x16x2048xf32, #tpu.memory_space<vmem>> -> memref<16x2048xf32, #tpu.memory_space<vmem>>
    %dma_start3A_267 = arith.constant 0 : i32
    %dma_start3A_268 = arith.constant 0 : i32
    %dma_start3A_269 = tpu.memref_slice %dma_start3A_266[%dma_start3A_267, %dma_start3A_268] : memref<16x2048xf32, #tpu.memory_space<vmem>> -> memref<8x2048xf32, #tpu.memory_space<vmem>>
    %dma_start3A_270 = arith.constant 64 : i32
    %dma_start3A_271 = tpu.memref_slice %arg5[%dma_start3A_270] : memref<256xi32, #tpu.memory_space<vmem>> -> memref<8xi32, #tpu.memory_space<vmem>>
    %dma_start3A_272 = arith.constant 0 : i32
    %dma_start3A_273 = arith.constant 0 : i32
    %dma_start3A_274 = tpu.memref_slice %arg3[%dma_start3A_272, %dma_start3A_273] : memref<8192x2048xf32, #tpu.memory_space<hbm>> -> memref<8192x2048xf32, #tpu.memory_space<hbm>>
    %dma_start3A_275 = tpu.memref_slice %arg7[%dma_start3A_262] : memref<6x!tpu.dma_semaphore, #tpu.memory_space<semaphore_mem>> -> memref<1x!tpu.dma_semaphore, #tpu.memory_space<semaphore_mem>>
    %dma_start3A_276 = tpu.memref_squeeze %dma_start3A_275 : memref<1x!tpu.dma_semaphore, #tpu.memory_space<semaphore_mem>> -> memref<!tpu.dma_semaphore, #tpu.memory_space<semaphore_mem>>
    tpu.enqueue_indirect_dma source(%dma_start3A_274 : memref<8192x2048xf32, #tpu.memory_space<hbm>>) target(%dma_start3A_269 : memref<8x2048xf32, #tpu.memory_space<vmem>>) offsets(%dma_start3A_271 : memref<8xi32, #tpu.memory_space<vmem>>) semaphore(%dma_start3A_276 : memref<!tpu.dma_semaphore, #tpu.memory_space<semaphore_mem>>)
    %dma_wait3A_277 = arith.constant 2 : i32
    %dma_wait3A_278 = arith.constant 4 : i32
    %dma_wait3A_279 = arith.constant 0 : i32
    %dma_wait3A_280 = arith.constant 0 : i32
    %dma_wait3A_281 = tpu.memref_slice %arg6[%dma_wait3A_277, %dma_wait3A_279, %dma_wait3A_280] : memref<3x16x2048xf32, #tpu.memory_space<vmem>> -> memref<1x16x2048xf32, #tpu.memory_space<vmem>>
    %dma_wait3A_282 = tpu.memref_squeeze %dma_wait3A_281 : memref<1x16x2048xf32, #tpu.memory_space<vmem>> -> memref<16x2048xf32, #tpu.memory_space<vmem>>
    %dma_wait3A_283 = arith.constant 0 : i32
    %dma_wait3A_284 = arith.constant 0 : i32
    %dma_wait3A_285 = tpu.memref_slice %dma_wait3A_282[%dma_wait3A_283, %dma_wait3A_284] : memref<16x2048xf32, #tpu.memory_space<vmem>> -> memref<8x2048xf32, #tpu.memory_space<vmem>>
    %dma_wait3A_286 = arith.constant 32 : i32
    %dma_wait3A_287 = tpu.memref_slice %arg5[%dma_wait3A_286] : memref<256xi32, #tpu.memory_space<vmem>> -> memref<8xi32, #tpu.memory_space<vmem>>
    %dma_wait3A_288 = arith.constant 0 : i32
    %dma_wait3A_289 = arith.constant 0 : i32
    %dma_wait3A_290 = tpu.memref_slice %arg3[%dma_wait3A_288, %dma_wait3A_289] : memref<8192x2048xf32, #tpu.memory_space<hbm>> -> memref<8192x2048xf32, #tpu.memory_space<hbm>>
    %dma_wait3A_291 = tpu.memref_slice %arg7[%dma_wait3A_278] : memref<6x!tpu.dma_semaphore, #tpu.memory_space<semaphore_mem>> -> memref<1x!tpu.dma_semaphore, #tpu.memory_space<semaphore_mem>>
    %dma_wait3A_292 = tpu.memref_squeeze %dma_wait3A_291 : memref<1x!tpu.dma_semaphore, #tpu.memory_space<semaphore_mem>> -> memref<!tpu.dma_semaphore, #tpu.memory_space<semaphore_mem>>
    tpu.wait_indirect_dma semaphore(%dma_wait3A_292 : memref<!tpu.dma_semaphore, #tpu.memory_space<semaphore_mem>>) src(%dma_wait3A_290 : memref<8192x2048xf32, #tpu.memory_space<hbm>>) dst(%dma_wait3A_285 : memref<8x2048xf32, #tpu.memory_space<vmem>>)
    %dma_start3A_293 = arith.constant 1 : i32
    %dma_start3A_294 = arith.constant 3 : i32
    %dma_start3A_295 = arith.constant 0 : i32
    %dma_start3A_296 = arith.constant 0 : i32
    %dma_start3A_297 = tpu.memref_slice %arg6[%dma_start3A_293, %dma_start3A_295, %dma_start3A_296] : memref<3x16x2048xf32, #tpu.memory_space<vmem>> -> memref<1x16x2048xf32, #tpu.memory_space<vmem>>
    %dma_start3A_298 = tpu.memref_squeeze %dma_start3A_297 : memref<1x16x2048xf32, #tpu.memory_space<vmem>> -> memref<16x2048xf32, #tpu.memory_space<vmem>>
    %dma_start3A_299 = arith.constant 8 : i32
    %dma_start3A_300 = arith.constant 0 : i32
    %dma_start3A_301 = tpu.memref_slice %dma_start3A_298[%dma_start3A_299, %dma_start3A_300] : memref<16x2048xf32, #tpu.memory_space<vmem>> -> memref<8x2048xf32, #tpu.memory_space<vmem>>
    %dma_start3A_302 = arith.constant 72 : i32
    %dma_start3A_303 = tpu.memref_slice %arg5[%dma_start3A_302] : memref<256xi32, #tpu.memory_space<vmem>> -> memref<8xi32, #tpu.memory_space<vmem>>
    %dma_start3A_304 = arith.constant 0 : i32
    %dma_start3A_305 = arith.constant 0 : i32
    %dma_start3A_306 = tpu.memref_slice %arg3[%dma_start3A_304, %dma_start3A_305] : memref<8192x2048xf32, #tpu.memory_space<hbm>> -> memref<8192x2048xf32, #tpu.memory_space<hbm>>
    %dma_start3A_307 = tpu.memref_slice %arg7[%dma_start3A_294] : memref<6x!tpu.dma_semaphore, #tpu.memory_space<semaphore_mem>> -> memref<1x!tpu.dma_semaphore, #tpu.memory_space<semaphore_mem>>
    %dma_start3A_308 = tpu.memref_squeeze %dma_start3A_307 : memref<1x!tpu.dma_semaphore, #tpu.memory_space<semaphore_mem>> -> memref<!tpu.dma_semaphore, #tpu.memory_space<semaphore_mem>>
    tpu.enqueue_indirect_dma source(%dma_start3A_306 : memref<8192x2048xf32, #tpu.memory_space<hbm>>) target(%dma_start3A_301 : memref<8x2048xf32, #tpu.memory_space<vmem>>) offsets(%dma_start3A_303 : memref<8xi32, #tpu.memory_space<vmem>>) semaphore(%dma_start3A_308 : memref<!tpu.dma_semaphore, #tpu.memory_space<semaphore_mem>>)
    %dma_wait3A_309 = arith.constant 2 : i32
    %dma_wait3A_310 = arith.constant 5 : i32
    %dma_wait3A_311 = arith.constant 0 : i32
    %dma_wait3A_312 = arith.constant 0 : i32
    %dma_wait3A_313 = tpu.memref_slice %arg6[%dma_wait3A_309, %dma_wait3A_311, %dma_wait3A_312] : memref<3x16x2048xf32, #tpu.memory_space<vmem>> -> memref<1x16x2048xf32, #tpu.memory_space<vmem>>
    %dma_wait3A_314 = tpu.memref_squeeze %dma_wait3A_313 : memref<1x16x2048xf32, #tpu.memory_space<vmem>> -> memref<16x2048xf32, #tpu.memory_space<vmem>>
    %dma_wait3A_315 = arith.constant 8 : i32
    %dma_wait3A_316 = arith.constant 0 : i32
    %dma_wait3A_317 = tpu.memref_slice %dma_wait3A_314[%dma_wait3A_315, %dma_wait3A_316] : memref<16x2048xf32, #tpu.memory_space<vmem>> -> memref<8x2048xf32, #tpu.memory_space<vmem>>
    %dma_wait3A_318 = arith.constant 40 : i32
    %dma_wait3A_319 = tpu.memref_slice %arg5[%dma_wait3A_318] : memref<256xi32, #tpu.memory_space<vmem>> -> memref<8xi32, #tpu.memory_space<vmem>>
    %dma_wait3A_320 = arith.constant 0 : i32
    %dma_wait3A_321 = arith.constant 0 : i32
    %dma_wait3A_322 = tpu.memref_slice %arg3[%dma_wait3A_320, %dma_wait3A_321] : memref<8192x2048xf32, #tpu.memory_space<hbm>> -> memref<8192x2048xf32, #tpu.memory_space<hbm>>
    %dma_wait3A_323 = tpu.memref_slice %arg7[%dma_wait3A_310] : memref<6x!tpu.dma_semaphore, #tpu.memory_space<semaphore_mem>> -> memref<1x!tpu.dma_semaphore, #tpu.memory_space<semaphore_mem>>
    %dma_wait3A_324 = tpu.memref_squeeze %dma_wait3A_323 : memref<1x!tpu.dma_semaphore, #tpu.memory_space<semaphore_mem>> -> memref<!tpu.dma_semaphore, #tpu.memory_space<semaphore_mem>>
    tpu.wait_indirect_dma semaphore(%dma_wait3A_324 : memref<!tpu.dma_semaphore, #tpu.memory_space<semaphore_mem>>) src(%dma_wait3A_322 : memref<8192x2048xf32, #tpu.memory_space<hbm>>) dst(%dma_wait3A_317 : memref<8x2048xf32, #tpu.memory_space<vmem>>)
    %add3A_325 = arith.constant 32 : i32
    %add3A_326 = arith.addi %mul3A_2, %add3A_325 : i32
    %dma_start3A_327 = arith.constant 2 : i32
    %dma_start3A_328 = arith.constant 2 : i32
    %dma_start3A_329 = arith.constant 0 : i32
    %dma_start3A_330 = arith.constant 0 : i32
    %dma_start3A_331 = tpu.memref_slice %arg6[%dma_start3A_327, %dma_start3A_329, %dma_start3A_330] : memref<3x16x2048xf32, #tpu.memory_space<vmem>> -> memref<1x16x2048xf32, #tpu.memory_space<vmem>>
    %dma_start3A_332 = tpu.memref_squeeze %dma_start3A_331 : memref<1x16x2048xf32, #tpu.memory_space<vmem>> -> memref<16x2048xf32, #tpu.memory_space<vmem>>
    %dma_start3A_333 = arith.constant 0 : i32
    %dma_start3A_334 = tpu.memref_slice %arg4[%add3A_326, %dma_start3A_333] : memref<8192x2048xf32, #tpu.memory_space<hbm>> -> memref<16x2048xf32, #tpu.memory_space<hbm>>
    %dma_start3A_335 = tpu.memref_slice %arg8[%dma_start3A_328] : memref<3x!tpu.dma_semaphore, #tpu.memory_space<semaphore_mem>> -> memref<1x!tpu.dma_semaphore, #tpu.memory_space<semaphore_mem>>
    %dma_start3A_336 = tpu.memref_squeeze %dma_start3A_335 : memref<1x!tpu.dma_semaphore, #tpu.memory_space<semaphore_mem>> -> memref<!tpu.dma_semaphore, #tpu.memory_space<semaphore_mem>>
    %dma_start3A_337 = arith.constant 0 : i32
    %dma_start3A_338 = tpu.memref_slice %arg4[%add3A_326, %dma_start3A_337] : memref<8192x2048xf32, #tpu.memory_space<hbm>> -> memref<16x2048xf32, #tpu.memory_space<hbm>>
    %dma_start3A_339 = arith.constant 0 : i32
    %dma_start3A_340 = arith.constant 0 : i32
    %dma_start3A_341 = tpu.memref_slice %arg6[%dma_start3A_327, %dma_start3A_339, %dma_start3A_340] : memref<3x16x2048xf32, #tpu.memory_space<vmem>> -> memref<1x16x2048xf32, #tpu.memory_space<vmem>>
    %dma_start3A_342 = tpu.memref_squeeze %dma_start3A_341 : memref<1x16x2048xf32, #tpu.memory_space<vmem>> -> memref<16x2048xf32, #tpu.memory_space<vmem>>
    tpu.enqueue_dma source(%dma_start3A_342 : memref<16x2048xf32, #tpu.memory_space<vmem>>) target(%dma_start3A_338 : memref<16x2048xf32, #tpu.memory_space<hbm>>) target_semaphore(%dma_start3A_336 : memref<!tpu.dma_semaphore, #tpu.memory_space<semaphore_mem>>)
    %dma_wait3A_343 = arith.constant 2 : i32
    %dma_wait3A_344 = arith.constant 2 : i32
    %dma_wait3A_345 = arith.constant 0 : i32
    %dma_wait3A_346 = arith.constant 0 : i32
    %dma_wait3A_347 = tpu.memref_slice %arg6[%dma_wait3A_343, %dma_wait3A_345, %dma_wait3A_346] : memref<3x16x2048xf32, #tpu.memory_space<vmem>> -> memref<1x16x2048xf32, #tpu.memory_space<vmem>>
    %dma_wait3A_348 = tpu.memref_squeeze %dma_wait3A_347 : memref<1x16x2048xf32, #tpu.memory_space<vmem>> -> memref<16x2048xf32, #tpu.memory_space<vmem>>
    %dma_wait3A_349 = arith.constant 0 : i32
    %dma_wait3A_350 = tpu.memref_slice %arg4[%add3A_326, %dma_wait3A_349] : memref<8192x2048xf32, #tpu.memory_space<hbm>> -> memref<16x2048xf32, #tpu.memory_space<hbm>>
    %dma_wait3A_351 = tpu.memref_slice %arg8[%dma_wait3A_344] : memref<3x!tpu.dma_semaphore, #tpu.memory_space<semaphore_mem>> -> memref<1x!tpu.dma_semaphore, #tpu.memory_space<semaphore_mem>>
    %dma_wait3A_352 = tpu.memref_squeeze %dma_wait3A_351 : memref<1x!tpu.dma_semaphore, #tpu.memory_space<semaphore_mem>> -> memref<!tpu.dma_semaphore, #tpu.memory_space<semaphore_mem>>
    %dma_wait3A_353 = arith.constant 0 : i32
    %dma_wait3A_354 = tpu.memref_slice %arg4[%add3A_326, %dma_wait3A_353] : memref<8192x2048xf32, #tpu.memory_space<hbm>> -> memref<16x2048xf32, #tpu.memory_space<hbm>>
    %dma_wait3A_355 = arith.constant 0 : i32
    %dma_wait3A_356 = arith.constant 0 : i32
    %dma_wait3A_357 = tpu.memref_slice %arg6[%dma_wait3A_343, %dma_wait3A_355, %dma_wait3A_356] : memref<3x16x2048xf32, #tpu.memory_space<vmem>> -> memref<1x16x2048xf32, #tpu.memory_space<vmem>>
    %dma_wait3A_358 = tpu.memref_squeeze %dma_wait3A_357 : memref<1x16x2048xf32, #tpu.memory_space<vmem>> -> memref<16x2048xf32, #tpu.memory_space<vmem>>
    tpu.wait_dma2 semaphore(%dma_wait3A_352 : memref<!tpu.dma_semaphore, #tpu.memory_space<semaphore_mem>>) src(%dma_wait3A_358 : memref<16x2048xf32, #tpu.memory_space<vmem>>) dst(%dma_wait3A_354 : memref<16x2048xf32, #tpu.memory_space<hbm>>)
    %dma_start3A_359 = arith.constant 2 : i32
    %dma_start3A_360 = arith.constant 4 : i32
    %dma_start3A_361 = arith.constant 0 : i32
    %dma_start3A_362 = arith.constant 0 : i32
    %dma_start3A_363 = tpu.memref_slice %arg6[%dma_start3A_359, %dma_start3A_361, %dma_start3A_362] : memref<3x16x2048xf32, #tpu.memory_space<vmem>> -> memref<1x16x2048xf32, #tpu.memory_space<vmem>>
    %dma_start3A_364 = tpu.memref_squeeze %dma_start3A_363 : memref<1x16x2048xf32, #tpu.memory_space<vmem>> -> memref<16x2048xf32, #tpu.memory_space<vmem>>
    %dma_start3A_365 = arith.constant 0 : i32
    %dma_start3A_366 = arith.constant 0 : i32
    %dma_start3A_367 = tpu.memref_slice %dma_start3A_364[%dma_start3A_365, %dma_start3A_366] : memref<16x2048xf32, #tpu.memory_space<vmem>> -> memref<8x2048xf32, #tpu.memory_space<vmem>>
    %dma_start3A_368 = arith.constant 80 : i32
    %dma_start3A_369 = tpu.memref_slice %arg5[%dma_start3A_368] : memref<256xi32, #tpu.memory_space<vmem>> -> memref<8xi32, #tpu.memory_space<vmem>>
    %dma_start3A_370 = arith.constant 0 : i32
    %dma_start3A_371 = arith.constant 0 : i32
    %dma_start3A_372 = tpu.memref_slice %arg3[%dma_start3A_370, %dma_start3A_371] : memref<8192x2048xf32, #tpu.memory_space<hbm>> -> memref<8192x2048xf32, #tpu.memory_space<hbm>>
    %dma_start3A_373 = tpu.memref_slice %arg7[%dma_start3A_360] : memref<6x!tpu.dma_semaphore, #tpu.memory_space<semaphore_mem>> -> memref<1x!tpu.dma_semaphore, #tpu.memory_space<semaphore_mem>>
    %dma_start3A_374 = tpu.memref_squeeze %dma_start3A_373 : memref<1x!tpu.dma_semaphore, #tpu.memory_space<semaphore_mem>> -> memref<!tpu.dma_semaphore, #tpu.memory_space<semaphore_mem>>
    tpu.enqueue_indirect_dma source(%dma_start3A_372 : memref<8192x2048xf32, #tpu.memory_space<hbm>>) target(%dma_start3A_367 : memref<8x2048xf32, #tpu.memory_space<vmem>>) offsets(%dma_start3A_369 : memref<8xi32, #tpu.memory_space<vmem>>) semaphore(%dma_start3A_374 : memref<!tpu.dma_semaphore, #tpu.memory_space<semaphore_mem>>)
    %dma_wait3A_375 = arith.constant 0 : i32
    %dma_wait3A_376 = arith.constant 0 : i32
    %dma_wait3A_377 = arith.constant 0 : i32
    %dma_wait3A_378 = arith.constant 0 : i32
    %dma_wait3A_379 = tpu.memref_slice %arg6[%dma_wait3A_375, %dma_wait3A_377, %dma_wait3A_378] : memref<3x16x2048xf32, #tpu.memory_space<vmem>> -> memref<1x16x2048xf32, #tpu.memory_space<vmem>>
    %dma_wait3A_380 = tpu.memref_squeeze %dma_wait3A_379 : memref<1x16x2048xf32, #tpu.memory_space<vmem>> -> memref<16x2048xf32, #tpu.memory_space<vmem>>
    %dma_wait3A_381 = arith.constant 0 : i32
    %dma_wait3A_382 = arith.constant 0 : i32
    %dma_wait3A_383 = tpu.memref_slice %dma_wait3A_380[%dma_wait3A_381, %dma_wait3A_382] : memref<16x2048xf32, #tpu.memory_space<vmem>> -> memref<8x2048xf32, #tpu.memory_space<vmem>>
    %dma_wait3A_384 = arith.constant 48 : i32
    %dma_wait3A_385 = tpu.memref_slice %arg5[%dma_wait3A_384] : memref<256xi32, #tpu.memory_space<vmem>> -> memref<8xi32, #tpu.memory_space<vmem>>
    %dma_wait3A_386 = arith.constant 0 : i32
    %dma_wait3A_387 = arith.constant 0 : i32
    %dma_wait3A_388 = tpu.memref_slice %arg3[%dma_wait3A_386, %dma_wait3A_387] : memref<8192x2048xf32, #tpu.memory_space<hbm>> -> memref<8192x2048xf32, #tpu.memory_space<hbm>>
    %dma_wait3A_389 = tpu.memref_slice %arg7[%dma_wait3A_376] : memref<6x!tpu.dma_semaphore, #tpu.memory_space<semaphore_mem>> -> memref<1x!tpu.dma_semaphore, #tpu.memory_space<semaphore_mem>>
    %dma_wait3A_390 = tpu.memref_squeeze %dma_wait3A_389 : memref<1x!tpu.dma_semaphore, #tpu.memory_space<semaphore_mem>> -> memref<!tpu.dma_semaphore, #tpu.memory_space<semaphore_mem>>
    tpu.wait_indirect_dma semaphore(%dma_wait3A_390 : memref<!tpu.dma_semaphore, #tpu.memory_space<semaphore_mem>>) src(%dma_wait3A_388 : memref<8192x2048xf32, #tpu.memory_space<hbm>>) dst(%dma_wait3A_383 : memref<8x2048xf32, #tpu.memory_space<vmem>>)
    %dma_start3A_391 = arith.constant 2 : i32
    %dma_start3A_392 = arith.constant 5 : i32
    %dma_start3A_393 = arith.constant 0 : i32
    %dma_start3A_394 = arith.constant 0 : i32
    %dma_start3A_395 = tpu.memref_slice %arg6[%dma_start3A_391, %dma_start3A_393, %dma_start3A_394] : memref<3x16x2048xf32, #tpu.memory_space<vmem>> -> memref<1x16x2048xf32, #tpu.memory_space<vmem>>
    %dma_start3A_396 = tpu.memref_squeeze %dma_start3A_395 : memref<1x16x2048xf32, #tpu.memory_space<vmem>> -> memref<16x2048xf32, #tpu.memory_space<vmem>>
    %dma_start3A_397 = arith.constant 8 : i32
    %dma_start3A_398 = arith.constant 0 : i32
    %dma_start3A_399 = tpu.memref_slice %dma_start3A_396[%dma_start3A_397, %dma_start3A_398] : memref<16x2048xf32, #tpu.memory_space<vmem>> -> memref<8x2048xf32, #tpu.memory_space<vmem>>
    %dma_start3A_400 = arith.constant 88 : i32
    %dma_start3A_401 = tpu.memref_slice %arg5[%dma_start3A_400] : memref<256xi32, #tpu.memory_space<vmem>> -> memref<8xi32, #tpu.memory_space<vmem>>
    %dma_start3A_402 = arith.constant 0 : i32
    %dma_start3A_403 = arith.constant 0 : i32
    %dma_start3A_404 = tpu.memref_slice %arg3[%dma_start3A_402, %dma_start3A_403] : memref<8192x2048xf32, #tpu.memory_space<hbm>> -> memref<8192x2048xf32, #tpu.memory_space<hbm>>
    %dma_start3A_405 = tpu.memref_slice %arg7[%dma_start3A_392] : memref<6x!tpu.dma_semaphore, #tpu.memory_space<semaphore_mem>> -> memref<1x!tpu.dma_semaphore, #tpu.memory_space<semaphore_mem>>
    %dma_start3A_406 = tpu.memref_squeeze %dma_start3A_405 : memref<1x!tpu.dma_semaphore, #tpu.memory_space<semaphore_mem>> -> memref<!tpu.dma_semaphore, #tpu.memory_space<semaphore_mem>>
    tpu.enqueue_indirect_dma source(%dma_start3A_404 : memref<8192x2048xf32, #tpu.memory_space<hbm>>) target(%dma_start3A_399 : memref<8x2048xf32, #tpu.memory_space<vmem>>) offsets(%dma_start3A_401 : memref<8xi32, #tpu.memory_space<vmem>>) semaphore(%dma_start3A_406 : memref<!tpu.dma_semaphore, #tpu.memory_space<semaphore_mem>>)
    %dma_wait3A_407 = arith.constant 0 : i32
    %dma_wait3A_408 = arith.constant 1 : i32
    %dma_wait3A_409 = arith.constant 0 : i32
    %dma_wait3A_410 = arith.constant 0 : i32
    %dma_wait3A_411 = tpu.memref_slice %arg6[%dma_wait3A_407, %dma_wait3A_409, %dma_wait3A_410] : memref<3x16x2048xf32, #tpu.memory_space<vmem>> -> memref<1x16x2048xf32, #tpu.memory_space<vmem>>
    %dma_wait3A_412 = tpu.memref_squeeze %dma_wait3A_411 : memref<1x16x2048xf32, #tpu.memory_space<vmem>> -> memref<16x2048xf32, #tpu.memory_space<vmem>>
    %dma_wait3A_413 = arith.constant 8 : i32
    %dma_wait3A_414 = arith.constant 0 : i32
    %dma_wait3A_415 = tpu.memref_slice %dma_wait3A_412[%dma_wait3A_413, %dma_wait3A_414] : memref<16x2048xf32, #tpu.memory_space<vmem>> -> memref<8x2048xf32, #tpu.memory_space<vmem>>
    %dma_wait3A_416 = arith.constant 56 : i32
    %dma_wait3A_417 = tpu.memref_slice %arg5[%dma_wait3A_416] : memref<256xi32, #tpu.memory_space<vmem>> -> memref<8xi32, #tpu.memory_space<vmem>>
    %dma_wait3A_418 = arith.constant 0 : i32
    %dma_wait3A_419 = arith.constant 0 : i32
    %dma_wait3A_420 = tpu.memref_slice %arg3[%dma_wait3A_418, %dma_wait3A_419] : memref<8192x2048xf32, #tpu.memory_space<hbm>> -> memref<8192x2048xf32, #tpu.memory_space<hbm>>
    %dma_wait3A_421 = tpu.memref_slice %arg7[%dma_wait3A_408] : memref<6x!tpu.dma_semaphore, #tpu.memory_space<semaphore_mem>> -> memref<1x!tpu.dma_semaphore, #tpu.memory_space<semaphore_mem>>
    %dma_wait3A_422 = tpu.memref_squeeze %dma_wait3A_421 : memref<1x!tpu.dma_semaphore, #tpu.memory_space<semaphore_mem>> -> memref<!tpu.dma_semaphore, #tpu.memory_space<semaphore_mem>>
    tpu.wait_indirect_dma semaphore(%dma_wait3A_422 : memref<!tpu.dma_semaphore, #tpu.memory_space<semaphore_mem>>) src(%dma_wait3A_420 : memref<8192x2048xf32, #tpu.memory_space<hbm>>) dst(%dma_wait3A_415 : memref<8x2048xf32, #tpu.memory_space<vmem>>)
    %add3A_423 = arith.constant 48 : i32
    %add3A_424 = arith.addi %mul3A_2, %add3A_423 : i32
    %dma_start3A_425 = arith.constant 0 : i32
    %dma_start3A_426 = arith.constant 0 : i32
    %dma_start3A_427 = arith.constant 0 : i32
    %dma_start3A_428 = arith.constant 0 : i32
    %dma_start3A_429 = tpu.memref_slice %arg6[%dma_start3A_425, %dma_start3A_427, %dma_start3A_428] : memref<3x16x2048xf32, #tpu.memory_space<vmem>> -> memref<1x16x2048xf32, #tpu.memory_space<vmem>>
    %dma_start3A_430 = tpu.memref_squeeze %dma_start3A_429 : memref<1x16x2048xf32, #tpu.memory_space<vmem>> -> memref<16x2048xf32, #tpu.memory_space<vmem>>
    %dma_start3A_431 = arith.constant 0 : i32
    %dma_start3A_432 = tpu.memref_slice %arg4[%add3A_424, %dma_start3A_431] : memref<8192x2048xf32, #tpu.memory_space<hbm>> -> memref<16x2048xf32, #tpu.memory_space<hbm>>
    %dma_start3A_433 = tpu.memref_slice %arg8[%dma_start3A_426] : memref<3x!tpu.dma_semaphore, #tpu.memory_space<semaphore_mem>> -> memref<1x!tpu.dma_semaphore, #tpu.memory_space<semaphore_mem>>
    %dma_start3A_434 = tpu.memref_squeeze %dma_start3A_433 : memref<1x!tpu.dma_semaphore, #tpu.memory_space<semaphore_mem>> -> memref<!tpu.dma_semaphore, #tpu.memory_space<semaphore_mem>>
    %dma_start3A_435 = arith.constant 0 : i32
    %dma_start3A_436 = tpu.memref_slice %arg4[%add3A_424, %dma_start3A_435] : memref<8192x2048xf32, #tpu.memory_space<hbm>> -> memref<16x2048xf32, #tpu.memory_space<hbm>>
    %dma_start3A_437 = arith.constant 0 : i32
    %dma_start3A_438 = arith.constant 0 : i32
    %dma_start3A_439 = tpu.memref_slice %arg6[%dma_start3A_425, %dma_start3A_437, %dma_start3A_438] : memref<3x16x2048xf32, #tpu.memory_space<vmem>> -> memref<1x16x2048xf32, #tpu.memory_space<vmem>>
    %dma_start3A_440 = tpu.memref_squeeze %dma_start3A_439 : memref<1x16x2048xf32, #tpu.memory_space<vmem>> -> memref<16x2048xf32, #tpu.memory_space<vmem>>
    tpu.enqueue_dma source(%dma_start3A_440 : memref<16x2048xf32, #tpu.memory_space<vmem>>) target(%dma_start3A_436 : memref<16x2048xf32, #tpu.memory_space<hbm>>) target_semaphore(%dma_start3A_434 : memref<!tpu.dma_semaphore, #tpu.memory_space<semaphore_mem>>)
    %dma_wait3A_441 = arith.constant 0 : i32
    %dma_wait3A_442 = arith.constant 0 : i32
    %dma_wait3A_443 = arith.constant 0 : i32
    %dma_wait3A_444 = arith.constant 0 : i32
    %dma_wait3A_445 = tpu.memref_slice %arg6[%dma_wait3A_441, %dma_wait3A_443, %dma_wait3A_444] : memref<3x16x2048xf32, #tpu.memory_space<vmem>> -> memref<1x16x2048xf32, #tpu.memory_space<vmem>>
    %dma_wait3A_446 = tpu.memref_squeeze %dma_wait3A_445 : memref<1x16x2048xf32, #tpu.memory_space<vmem>> -> memref<16x2048xf32, #tpu.memory_space<vmem>>
    %dma_wait3A_447 = arith.constant 0 : i32
    %dma_wait3A_448 = tpu.memref_slice %arg4[%add3A_424, %dma_wait3A_447] : memref<8192x2048xf32, #tpu.memory_space<hbm>> -> memref<16x2048xf32, #tpu.memory_space<hbm>>
    %dma_wait3A_449 = tpu.memref_slice %arg8[%dma_wait3A_442] : memref<3x!tpu.dma_semaphore, #tpu.memory_space<semaphore_mem>> -> memref<1x!tpu.dma_semaphore, #tpu.memory_space<semaphore_mem>>
    %dma_wait3A_450 = tpu.memref_squeeze %dma_wait3A_449 : memref<1x!tpu.dma_semaphore, #tpu.memory_space<semaphore_mem>> -> memref<!tpu.dma_semaphore, #tpu.memory_space<semaphore_mem>>
    %dma_wait3A_451 = arith.constant 0 : i32
    %dma_wait3A_452 = tpu.memref_slice %arg4[%add3A_424, %dma_wait3A_451] : memref<8192x2048xf32, #tpu.memory_space<hbm>> -> memref<16x2048xf32, #tpu.memory_space<hbm>>
    %dma_wait3A_453 = arith.constant 0 : i32
    %dma_wait3A_454 = arith.constant 0 : i32
    %dma_wait3A_455 = tpu.memref_slice %arg6[%dma_wait3A_441, %dma_wait3A_453, %dma_wait3A_454] : memref<3x16x2048xf32, #tpu.memory_space<vmem>> -> memref<1x16x2048xf32, #tpu.memory_space<vmem>>
    %dma_wait3A_456 = tpu.memref_squeeze %dma_wait3A_455 : memref<1x16x2048xf32, #tpu.memory_space<vmem>> -> memref<16x2048xf32, #tpu.memory_space<vmem>>
    tpu.wait_dma2 semaphore(%dma_wait3A_450 : memref<!tpu.dma_semaphore, #tpu.memory_space<semaphore_mem>>) src(%dma_wait3A_456 : memref<16x2048xf32, #tpu.memory_space<vmem>>) dst(%dma_wait3A_452 : memref<16x2048xf32, #tpu.memory_space<hbm>>)
    %dma_start3A_457 = arith.constant 0 : i32
    %dma_start3A_458 = arith.constant 0 : i32
    %dma_start3A_459 = arith.constant 0 : i32
    %dma_start3A_460 = arith.constant 0 : i32
    %dma_start3A_461 = tpu.memref_slice %arg6[%dma_start3A_457, %dma_start3A_459, %dma_start3A_460] : memref<3x16x2048xf32, #tpu.memory_space<vmem>> -> memref<1x16x2048xf32, #tpu.memory_space<vmem>>
    %dma_start3A_462 = tpu.memref_squeeze %dma_start3A_461 : memref<1x16x2048xf32, #tpu.memory_space<vmem>> -> memref<16x2048xf32, #tpu.memory_space<vmem>>
    %dma_start3A_463 = arith.constant 0 : i32
    %dma_start3A_464 = arith.constant 0 : i32
    %dma_start3A_465 = tpu.memref_slice %dma_start3A_462[%dma_start3A_463, %dma_start3A_464] : memref<16x2048xf32, #tpu.memory_space<vmem>> -> memref<8x2048xf32, #tpu.memory_space<vmem>>
    %dma_start3A_466 = arith.constant 96 : i32
    %dma_start3A_467 = tpu.memref_slice %arg5[%dma_start3A_466] : memref<256xi32, #tpu.memory_space<vmem>> -> memref<8xi32, #tpu.memory_space<vmem>>
    %dma_start3A_468 = arith.constant 0 : i32
    %dma_start3A_469 = arith.constant 0 : i32
    %dma_start3A_470 = tpu.memref_slice %arg3[%dma_start3A_468, %dma_start3A_469] : memref<8192x2048xf32, #tpu.memory_space<hbm>> -> memref<8192x2048xf32, #tpu.memory_space<hbm>>
    %dma_start3A_471 = tpu.memref_slice %arg7[%dma_start3A_458] : memref<6x!tpu.dma_semaphore, #tpu.memory_space<semaphore_mem>> -> memref<1x!tpu.dma_semaphore, #tpu.memory_space<semaphore_mem>>
    %dma_start3A_472 = tpu.memref_squeeze %dma_start3A_471 : memref<1x!tpu.dma_semaphore, #tpu.memory_space<semaphore_mem>> -> memref<!tpu.dma_semaphore, #tpu.memory_space<semaphore_mem>>
    tpu.enqueue_indirect_dma source(%dma_start3A_470 : memref<8192x2048xf32, #tpu.memory_space<hbm>>) target(%dma_start3A_465 : memref<8x2048xf32, #tpu.memory_space<vmem>>) offsets(%dma_start3A_467 : memref<8xi32, #tpu.memory_space<vmem>>) semaphore(%dma_start3A_472 : memref<!tpu.dma_semaphore, #tpu.memory_space<semaphore_mem>>)
    %dma_wait3A_473 = arith.constant 1 : i32
    %dma_wait3A_474 = arith.constant 2 : i32
    %dma_wait3A_475 = arith.constant 0 : i32
    %dma_wait3A_476 = arith.constant 0 : i32
    %dma_wait3A_477 = tpu.memref_slice %arg6[%dma_wait3A_473, %dma_wait3A_475, %dma_wait3A_476] : memref<3x16x2048xf32, #tpu.memory_space<vmem>> -> memref<1x16x2048xf32, #tpu.memory_space<vmem>>
    %dma_wait3A_478 = tpu.memref_squeeze %dma_wait3A_477 : memref<1x16x2048xf32, #tpu.memory_space<vmem>> -> memref<16x2048xf32, #tpu.memory_space<vmem>>
    %dma_wait3A_479 = arith.constant 0 : i32
    %dma_wait3A_480 = arith.constant 0 : i32
    %dma_wait3A_481 = tpu.memref_slice %dma_wait3A_478[%dma_wait3A_479, %dma_wait3A_480] : memref<16x2048xf32, #tpu.memory_space<vmem>> -> memref<8x2048xf32, #tpu.memory_space<vmem>>
    %dma_wait3A_482 = arith.constant 64 : i32
    %dma_wait3A_483 = tpu.memref_slice %arg5[%dma_wait3A_482] : memref<256xi32, #tpu.memory_space<vmem>> -> memref<8xi32, #tpu.memory_space<vmem>>
    %dma_wait3A_484 = arith.constant 0 : i32
    %dma_wait3A_485 = arith.constant 0 : i32
    %dma_wait3A_486 = tpu.memref_slice %arg3[%dma_wait3A_484, %dma_wait3A_485] : memref<8192x2048xf32, #tpu.memory_space<hbm>> -> memref<8192x2048xf32, #tpu.memory_space<hbm>>
    %dma_wait3A_487 = tpu.memref_slice %arg7[%dma_wait3A_474] : memref<6x!tpu.dma_semaphore, #tpu.memory_space<semaphore_mem>> -> memref<1x!tpu.dma_semaphore, #tpu.memory_space<semaphore_mem>>
    %dma_wait3A_488 = tpu.memref_squeeze %dma_wait3A_487 : memref<1x!tpu.dma_semaphore, #tpu.memory_space<semaphore_mem>> -> memref<!tpu.dma_semaphore, #tpu.memory_space<semaphore_mem>>
    tpu.wait_indirect_dma semaphore(%dma_wait3A_488 : memref<!tpu.dma_semaphore, #tpu.memory_space<semaphore_mem>>) src(%dma_wait3A_486 : memref<8192x2048xf32, #tpu.memory_space<hbm>>) dst(%dma_wait3A_481 : memref<8x2048xf32, #tpu.memory_space<vmem>>)
    %dma_start3A_489 = arith.constant 0 : i32
    %dma_start3A_490 = arith.constant 1 : i32
    %dma_start3A_491 = arith.constant 0 : i32
    %dma_start3A_492 = arith.constant 0 : i32
    %dma_start3A_493 = tpu.memref_slice %arg6[%dma_start3A_489, %dma_start3A_491, %dma_start3A_492] : memref<3x16x2048xf32, #tpu.memory_space<vmem>> -> memref<1x16x2048xf32, #tpu.memory_space<vmem>>
    %dma_start3A_494 = tpu.memref_squeeze %dma_start3A_493 : memref<1x16x2048xf32, #tpu.memory_space<vmem>> -> memref<16x2048xf32, #tpu.memory_space<vmem>>
    %dma_start3A_495 = arith.constant 8 : i32
    %dma_start3A_496 = arith.constant 0 : i32
    %dma_start3A_497 = tpu.memref_slice %dma_start3A_494[%dma_start3A_495, %dma_start3A_496] : memref<16x2048xf32, #tpu.memory_space<vmem>> -> memref<8x2048xf32, #tpu.memory_space<vmem>>
    %dma_start3A_498 = arith.constant 104 : i32
    %dma_start3A_499 = tpu.memref_slice %arg5[%dma_start3A_498] : memref<256xi32, #tpu.memory_space<vmem>> -> memref<8xi32, #tpu.memory_space<vmem>>
    %dma_start3A_500 = arith.constant 0 : i32
    %dma_start3A_501 = arith.constant 0 : i32
    %dma_start3A_502 = tpu.memref_slice %arg3[%dma_start3A_500, %dma_start3A_501] : memref<8192x2048xf32, #tpu.memory_space<hbm>> -> memref<8192x2048xf32, #tpu.memory_space<hbm>>
    %dma_start3A_503 = tpu.memref_slice %arg7[%dma_start3A_490] : memref<6x!tpu.dma_semaphore, #tpu.memory_space<semaphore_mem>> -> memref<1x!tpu.dma_semaphore, #tpu.memory_space<semaphore_mem>>
    %dma_start3A_504 = tpu.memref_squeeze %dma_start3A_503 : memref<1x!tpu.dma_semaphore, #tpu.memory_space<semaphore_mem>> -> memref<!tpu.dma_semaphore, #tpu.memory_space<semaphore_mem>>
    tpu.enqueue_indirect_dma source(%dma_start3A_502 : memref<8192x2048xf32, #tpu.memory_space<hbm>>) target(%dma_start3A_497 : memref<8x2048xf32, #tpu.memory_space<vmem>>) offsets(%dma_start3A_499 : memref<8xi32, #tpu.memory_space<vmem>>) semaphore(%dma_start3A_504 : memref<!tpu.dma_semaphore, #tpu.memory_space<semaphore_mem>>)
    %dma_wait3A_505 = arith.constant 1 : i32
    %dma_wait3A_506 = arith.constant 3 : i32
    %dma_wait3A_507 = arith.constant 0 : i32
    %dma_wait3A_508 = arith.constant 0 : i32
    %dma_wait3A_509 = tpu.memref_slice %arg6[%dma_wait3A_505, %dma_wait3A_507, %dma_wait3A_508] : memref<3x16x2048xf32, #tpu.memory_space<vmem>> -> memref<1x16x2048xf32, #tpu.memory_space<vmem>>
    %dma_wait3A_510 = tpu.memref_squeeze %dma_wait3A_509 : memref<1x16x2048xf32, #tpu.memory_space<vmem>> -> memref<16x2048xf32, #tpu.memory_space<vmem>>
    %dma_wait3A_511 = arith.constant 8 : i32
    %dma_wait3A_512 = arith.constant 0 : i32
    %dma_wait3A_513 = tpu.memref_slice %dma_wait3A_510[%dma_wait3A_511, %dma_wait3A_512] : memref<16x2048xf32, #tpu.memory_space<vmem>> -> memref<8x2048xf32, #tpu.memory_space<vmem>>
    %dma_wait3A_514 = arith.constant 72 : i32
    %dma_wait3A_515 = tpu.memref_slice %arg5[%dma_wait3A_514] : memref<256xi32, #tpu.memory_space<vmem>> -> memref<8xi32, #tpu.memory_space<vmem>>
    %dma_wait3A_516 = arith.constant 0 : i32
    %dma_wait3A_517 = arith.constant 0 : i32
    %dma_wait3A_518 = tpu.memref_slice %arg3[%dma_wait3A_516, %dma_wait3A_517] : memref<8192x2048xf32, #tpu.memory_space<hbm>> -> memref<8192x2048xf32, #tpu.memory_space<hbm>>
    %dma_wait3A_519 = tpu.memref_slice %arg7[%dma_wait3A_506] : memref<6x!tpu.dma_semaphore, #tpu.memory_space<semaphore_mem>> -> memref<1x!tpu.dma_semaphore, #tpu.memory_space<semaphore_mem>>
    %dma_wait3A_520 = tpu.memref_squeeze %dma_wait3A_519 : memref<1x!tpu.dma_semaphore, #tpu.memory_space<semaphore_mem>> -> memref<!tpu.dma_semaphore, #tpu.memory_space<semaphore_mem>>
    tpu.wait_indirect_dma semaphore(%dma_wait3A_520 : memref<!tpu.dma_semaphore, #tpu.memory_space<semaphore_mem>>) src(%dma_wait3A_518 : memref<8192x2048xf32, #tpu.memory_space<hbm>>) dst(%dma_wait3A_513 : memref<8x2048xf32, #tpu.memory_space<vmem>>)
    %add3A_521 = arith.constant 64 : i32
    %add3A_522 = arith.addi %mul3A_2, %add3A_521 : i32
    %dma_start3A_523 = arith.constant 1 : i32
    %dma_start3A_524 = arith.constant 1 : i32
    %dma_start3A_525 = arith.constant 0 : i32
    %dma_start3A_526 = arith.constant 0 : i32
    %dma_start3A_527 = tpu.memref_slice %arg6[%dma_start3A_523, %dma_start3A_525, %dma_start3A_526] : memref<3x16x2048xf32, #tpu.memory_space<vmem>> -> memref<1x16x2048xf32, #tpu.memory_space<vmem>>
    %dma_start3A_528 = tpu.memref_squeeze %dma_start3A_527 : memref<1x16x2048xf32, #tpu.memory_space<vmem>> -> memref<16x2048xf32, #tpu.memory_space<vmem>>
    %dma_start3A_529 = arith.constant 0 : i32
    %dma_start3A_530 = tpu.memref_slice %arg4[%add3A_522, %dma_start3A_529] : memref<8192x2048xf32, #tpu.memory_space<hbm>> -> memref<16x2048xf32, #tpu.memory_space<hbm>>
    %dma_start3A_531 = tpu.memref_slice %arg8[%dma_start3A_524] : memref<3x!tpu.dma_semaphore, #tpu.memory_space<semaphore_mem>> -> memref<1x!tpu.dma_semaphore, #tpu.memory_space<semaphore_mem>>
    %dma_start3A_532 = tpu.memref_squeeze %dma_start3A_531 : memref<1x!tpu.dma_semaphore, #tpu.memory_space<semaphore_mem>> -> memref<!tpu.dma_semaphore, #tpu.memory_space<semaphore_mem>>
    %dma_start3A_533 = arith.constant 0 : i32
    %dma_start3A_534 = tpu.memref_slice %arg4[%add3A_522, %dma_start3A_533] : memref<8192x2048xf32, #tpu.memory_space<hbm>> -> memref<16x2048xf32, #tpu.memory_space<hbm>>
    %dma_start3A_535 = arith.constant 0 : i32
    %dma_start3A_536 = arith.constant 0 : i32
    %dma_start3A_537 = tpu.memref_slice %arg6[%dma_start3A_523, %dma_start3A_535, %dma_start3A_536] : memref<3x16x2048xf32, #tpu.memory_space<vmem>> -> memref<1x16x2048xf32, #tpu.memory_space<vmem>>
    %dma_start3A_538 = tpu.memref_squeeze %dma_start3A_537 : memref<1x16x2048xf32, #tpu.memory_space<vmem>> -> memref<16x2048xf32, #tpu.memory_space<vmem>>
    tpu.enqueue_dma source(%dma_start3A_538 : memref<16x2048xf32, #tpu.memory_space<vmem>>) target(%dma_start3A_534 : memref<16x2048xf32, #tpu.memory_space<hbm>>) target_semaphore(%dma_start3A_532 : memref<!tpu.dma_semaphore, #tpu.memory_space<semaphore_mem>>)
    %dma_wait3A_539 = arith.constant 1 : i32
    %dma_wait3A_540 = arith.constant 1 : i32
    %dma_wait3A_541 = arith.constant 0 : i32
    %dma_wait3A_542 = arith.constant 0 : i32
    %dma_wait3A_543 = tpu.memref_slice %arg6[%dma_wait3A_539, %dma_wait3A_541, %dma_wait3A_542] : memref<3x16x2048xf32, #tpu.memory_space<vmem>> -> memref<1x16x2048xf32, #tpu.memory_space<vmem>>
    %dma_wait3A_544 = tpu.memref_squeeze %dma_wait3A_543 : memref<1x16x2048xf32, #tpu.memory_space<vmem>> -> memref<16x2048xf32, #tpu.memory_space<vmem>>
    %dma_wait3A_545 = arith.constant 0 : i32
    %dma_wait3A_546 = tpu.memref_slice %arg4[%add3A_522, %dma_wait3A_545] : memref<8192x2048xf32, #tpu.memory_space<hbm>> -> memref<16x2048xf32, #tpu.memory_space<hbm>>
    %dma_wait3A_547 = tpu.memref_slice %arg8[%dma_wait3A_540] : memref<3x!tpu.dma_semaphore, #tpu.memory_space<semaphore_mem>> -> memref<1x!tpu.dma_semaphore, #tpu.memory_space<semaphore_mem>>
    %dma_wait3A_548 = tpu.memref_squeeze %dma_wait3A_547 : memref<1x!tpu.dma_semaphore, #tpu.memory_space<semaphore_mem>> -> memref<!tpu.dma_semaphore, #tpu.memory_space<semaphore_mem>>
    %dma_wait3A_549 = arith.constant 0 : i32
    %dma_wait3A_550 = tpu.memref_slice %arg4[%add3A_522, %dma_wait3A_549] : memref<8192x2048xf32, #tpu.memory_space<hbm>> -> memref<16x2048xf32, #tpu.memory_space<hbm>>
    %dma_wait3A_551 = arith.constant 0 : i32
    %dma_wait3A_552 = arith.constant 0 : i32
    %dma_wait3A_553 = tpu.memref_slice %arg6[%dma_wait3A_539, %dma_wait3A_551, %dma_wait3A_552] : memref<3x16x2048xf32, #tpu.memory_space<vmem>> -> memref<1x16x2048xf32, #tpu.memory_space<vmem>>
    %dma_wait3A_554 = tpu.memref_squeeze %dma_wait3A_553 : memref<1x16x2048xf32, #tpu.memory_space<vmem>> -> memref<16x2048xf32, #tpu.memory_space<vmem>>
    tpu.wait_dma2 semaphore(%dma_wait3A_548 : memref<!tpu.dma_semaphore, #tpu.memory_space<semaphore_mem>>) src(%dma_wait3A_554 : memref<16x2048xf32, #tpu.memory_space<vmem>>) dst(%dma_wait3A_550 : memref<16x2048xf32, #tpu.memory_space<hbm>>)
    %dma_start3A_555 = arith.constant 1 : i32
    %dma_start3A_556 = arith.constant 2 : i32
    %dma_start3A_557 = arith.constant 0 : i32
    %dma_start3A_558 = arith.constant 0 : i32
    %dma_start3A_559 = tpu.memref_slice %arg6[%dma_start3A_555, %dma_start3A_557, %dma_start3A_558] : memref<3x16x2048xf32, #tpu.memory_space<vmem>> -> memref<1x16x2048xf32, #tpu.memory_space<vmem>>
    %dma_start3A_560 = tpu.memref_squeeze %dma_start3A_559 : memref<1x16x2048xf32, #tpu.memory_space<vmem>> -> memref<16x2048xf32, #tpu.memory_space<vmem>>
    %dma_start3A_561 = arith.constant 0 : i32
    %dma_start3A_562 = arith.constant 0 : i32
    %dma_start3A_563 = tpu.memref_slice %dma_start3A_560[%dma_start3A_561, %dma_start3A_562] : memref<16x2048xf32, #tpu.memory_space<vmem>> -> memref<8x2048xf32, #tpu.memory_space<vmem>>
    %dma_start3A_564 = arith.constant 112 : i32
    %dma_start3A_565 = tpu.memref_slice %arg5[%dma_start3A_564] : memref<256xi32, #tpu.memory_space<vmem>> -> memref<8xi32, #tpu.memory_space<vmem>>
    %dma_start3A_566 = arith.constant 0 : i32
    %dma_start3A_567 = arith.constant 0 : i32
    %dma_start3A_568 = tpu.memref_slice %arg3[%dma_start3A_566, %dma_start3A_567] : memref<8192x2048xf32, #tpu.memory_space<hbm>> -> memref<8192x2048xf32, #tpu.memory_space<hbm>>
    %dma_start3A_569 = tpu.memref_slice %arg7[%dma_start3A_556] : memref<6x!tpu.dma_semaphore, #tpu.memory_space<semaphore_mem>> -> memref<1x!tpu.dma_semaphore, #tpu.memory_space<semaphore_mem>>
    %dma_start3A_570 = tpu.memref_squeeze %dma_start3A_569 : memref<1x!tpu.dma_semaphore, #tpu.memory_space<semaphore_mem>> -> memref<!tpu.dma_semaphore, #tpu.memory_space<semaphore_mem>>
    tpu.enqueue_indirect_dma source(%dma_start3A_568 : memref<8192x2048xf32, #tpu.memory_space<hbm>>) target(%dma_start3A_563 : memref<8x2048xf32, #tpu.memory_space<vmem>>) offsets(%dma_start3A_565 : memref<8xi32, #tpu.memory_space<vmem>>) semaphore(%dma_start3A_570 : memref<!tpu.dma_semaphore, #tpu.memory_space<semaphore_mem>>)
    %dma_wait3A_571 = arith.constant 2 : i32
    %dma_wait3A_572 = arith.constant 4 : i32
    %dma_wait3A_573 = arith.constant 0 : i32
    %dma_wait3A_574 = arith.constant 0 : i32
    %dma_wait3A_575 = tpu.memref_slice %arg6[%dma_wait3A_571, %dma_wait3A_573, %dma_wait3A_574] : memref<3x16x2048xf32, #tpu.memory_space<vmem>> -> memref<1x16x2048xf32, #tpu.memory_space<vmem>>
    %dma_wait3A_576 = tpu.memref_squeeze %dma_wait3A_575 : memref<1x16x2048xf32, #tpu.memory_space<vmem>> -> memref<16x2048xf32, #tpu.memory_space<vmem>>
    %dma_wait3A_577 = arith.constant 0 : i32
    %dma_wait3A_578 = arith.constant 0 : i32
    %dma_wait3A_579 = tpu.memref_slice %dma_wait3A_576[%dma_wait3A_577, %dma_wait3A_578] : memref<16x2048xf32, #tpu.memory_space<vmem>> -> memref<8x2048xf32, #tpu.memory_space<vmem>>
    %dma_wait3A_580 = arith.constant 80 : i32
    %dma_wait3A_581 = tpu.memref_slice %arg5[%dma_wait3A_580] : memref<256xi32, #tpu.memory_space<vmem>> -> memref<8xi32, #tpu.memory_space<vmem>>
    %dma_wait3A_582 = arith.constant 0 : i32
    %dma_wait3A_583 = arith.constant 0 : i32
    %dma_wait3A_584 = tpu.memref_slice %arg3[%dma_wait3A_582, %dma_wait3A_583] : memref<8192x2048xf32, #tpu.memory_space<hbm>> -> memref<8192x2048xf32, #tpu.memory_space<hbm>>
    %dma_wait3A_585 = tpu.memref_slice %arg7[%dma_wait3A_572] : memref<6x!tpu.dma_semaphore, #tpu.memory_space<semaphore_mem>> -> memref<1x!tpu.dma_semaphore, #tpu.memory_space<semaphore_mem>>
    %dma_wait3A_586 = tpu.memref_squeeze %dma_wait3A_585 : memref<1x!tpu.dma_semaphore, #tpu.memory_space<semaphore_mem>> -> memref<!tpu.dma_semaphore, #tpu.memory_space<semaphore_mem>>
    tpu.wait_indirect_dma semaphore(%dma_wait3A_586 : memref<!tpu.dma_semaphore, #tpu.memory_space<semaphore_mem>>) src(%dma_wait3A_584 : memref<8192x2048xf32, #tpu.memory_space<hbm>>) dst(%dma_wait3A_579 : memref<8x2048xf32, #tpu.memory_space<vmem>>)
    %dma_start3A_587 = arith.constant 1 : i32
    %dma_start3A_588 = arith.constant 3 : i32
    %dma_start3A_589 = arith.constant 0 : i32
    %dma_start3A_590 = arith.constant 0 : i32
    %dma_start3A_591 = tpu.memref_slice %arg6[%dma_start3A_587, %dma_start3A_589, %dma_start3A_590] : memref<3x16x2048xf32, #tpu.memory_space<vmem>> -> memref<1x16x2048xf32, #tpu.memory_space<vmem>>
    %dma_start3A_592 = tpu.memref_squeeze %dma_start3A_591 : memref<1x16x2048xf32, #tpu.memory_space<vmem>> -> memref<16x2048xf32, #tpu.memory_space<vmem>>
    %dma_start3A_593 = arith.constant 8 : i32
    %dma_start3A_594 = arith.constant 0 : i32
    %dma_start3A_595 = tpu.memref_slice %dma_start3A_592[%dma_start3A_593, %dma_start3A_594] : memref<16x2048xf32, #tpu.memory_space<vmem>> -> memref<8x2048xf32, #tpu.memory_space<vmem>>
    %dma_start3A_596 = arith.constant 120 : i32
    %dma_start3A_597 = tpu.memref_slice %arg5[%dma_start3A_596] : memref<256xi32, #tpu.memory_space<vmem>> -> memref<8xi32, #tpu.memory_space<vmem>>
    %dma_start3A_598 = arith.constant 0 : i32
    %dma_start3A_599 = arith.constant 0 : i32
    %dma_start3A_600 = tpu.memref_slice %arg3[%dma_start3A_598, %dma_start3A_599] : memref<8192x2048xf32, #tpu.memory_space<hbm>> -> memref<8192x2048xf32, #tpu.memory_space<hbm>>
    %dma_start3A_601 = tpu.memref_slice %arg7[%dma_start3A_588] : memref<6x!tpu.dma_semaphore, #tpu.memory_space<semaphore_mem>> -> memref<1x!tpu.dma_semaphore, #tpu.memory_space<semaphore_mem>>
    %dma_start3A_602 = tpu.memref_squeeze %dma_start3A_601 : memref<1x!tpu.dma_semaphore, #tpu.memory_space<semaphore_mem>> -> memref<!tpu.dma_semaphore, #tpu.memory_space<semaphore_mem>>
    tpu.enqueue_indirect_dma source(%dma_start3A_600 : memref<8192x2048xf32, #tpu.memory_space<hbm>>) target(%dma_start3A_595 : memref<8x2048xf32, #tpu.memory_space<vmem>>) offsets(%dma_start3A_597 : memref<8xi32, #tpu.memory_space<vmem>>) semaphore(%dma_start3A_602 : memref<!tpu.dma_semaphore, #tpu.memory_space<semaphore_mem>>)
    %dma_wait3A_603 = arith.constant 2 : i32
    %dma_wait3A_604 = arith.constant 5 : i32
    %dma_wait3A_605 = arith.constant 0 : i32
    %dma_wait3A_606 = arith.constant 0 : i32
    %dma_wait3A_607 = tpu.memref_slice %arg6[%dma_wait3A_603, %dma_wait3A_605, %dma_wait3A_606] : memref<3x16x2048xf32, #tpu.memory_space<vmem>> -> memref<1x16x2048xf32, #tpu.memory_space<vmem>>
    %dma_wait3A_608 = tpu.memref_squeeze %dma_wait3A_607 : memref<1x16x2048xf32, #tpu.memory_space<vmem>> -> memref<16x2048xf32, #tpu.memory_space<vmem>>
    %dma_wait3A_609 = arith.constant 8 : i32
    %dma_wait3A_610 = arith.constant 0 : i32
    %dma_wait3A_611 = tpu.memref_slice %dma_wait3A_608[%dma_wait3A_609, %dma_wait3A_610] : memref<16x2048xf32, #tpu.memory_space<vmem>> -> memref<8x2048xf32, #tpu.memory_space<vmem>>
    %dma_wait3A_612 = arith.constant 88 : i32
    %dma_wait3A_613 = tpu.memref_slice %arg5[%dma_wait3A_612] : memref<256xi32, #tpu.memory_space<vmem>> -> memref<8xi32, #tpu.memory_space<vmem>>
    %dma_wait3A_614 = arith.constant 0 : i32
    %dma_wait3A_615 = arith.constant 0 : i32
    %dma_wait3A_616 = tpu.memref_slice %arg3[%dma_wait3A_614, %dma_wait3A_615] : memref<8192x2048xf32, #tpu.memory_space<hbm>> -> memref<8192x2048xf32, #tpu.memory_space<hbm>>
    %dma_wait3A_617 = tpu.memref_slice %arg7[%dma_wait3A_604] : memref<6x!tpu.dma_semaphore, #tpu.memory_space<semaphore_mem>> -> memref<1x!tpu.dma_semaphore, #tpu.memory_space<semaphore_mem>>
    %dma_wait3A_618 = tpu.memref_squeeze %dma_wait3A_617 : memref<1x!tpu.dma_semaphore, #tpu.memory_space<semaphore_mem>> -> memref<!tpu.dma_semaphore, #tpu.memory_space<semaphore_mem>>
    tpu.wait_indirect_dma semaphore(%dma_wait3A_618 : memref<!tpu.dma_semaphore, #tpu.memory_space<semaphore_mem>>) src(%dma_wait3A_616 : memref<8192x2048xf32, #tpu.memory_space<hbm>>) dst(%dma_wait3A_611 : memref<8x2048xf32, #tpu.memory_space<vmem>>)
    %add3A_619 = arith.constant 80 : i32
    %add3A_620 = arith.addi %mul3A_2, %add3A_619 : i32
    %dma_start3A_621 = arith.constant 2 : i32
    %dma_start3A_622 = arith.constant 2 : i32
    %dma_start3A_623 = arith.constant 0 : i32
    %dma_start3A_624 = arith.constant 0 : i32
    %dma_start3A_625 = tpu.memref_slice %arg6[%dma_start3A_621, %dma_start3A_623, %dma_start3A_624] : memref<3x16x2048xf32, #tpu.memory_space<vmem>> -> memref<1x16x2048xf32, #tpu.memory_space<vmem>>
    %dma_start3A_626 = tpu.memref_squeeze %dma_start3A_625 : memref<1x16x2048xf32, #tpu.memory_space<vmem>> -> memref<16x2048xf32, #tpu.memory_space<vmem>>
    %dma_start3A_627 = arith.constant 0 : i32
    %dma_start3A_628 = tpu.memref_slice %arg4[%add3A_620, %dma_start3A_627] : memref<8192x2048xf32, #tpu.memory_space<hbm>> -> memref<16x2048xf32, #tpu.memory_space<hbm>>
    %dma_start3A_629 = tpu.memref_slice %arg8[%dma_start3A_622] : memref<3x!tpu.dma_semaphore, #tpu.memory_space<semaphore_mem>> -> memref<1x!tpu.dma_semaphore, #tpu.memory_space<semaphore_mem>>
    %dma_start3A_630 = tpu.memref_squeeze %dma_start3A_629 : memref<1x!tpu.dma_semaphore, #tpu.memory_space<semaphore_mem>> -> memref<!tpu.dma_semaphore, #tpu.memory_space<semaphore_mem>>
    %dma_start3A_631 = arith.constant 0 : i32
    %dma_start3A_632 = tpu.memref_slice %arg4[%add3A_620, %dma_start3A_631] : memref<8192x2048xf32, #tpu.memory_space<hbm>> -> memref<16x2048xf32, #tpu.memory_space<hbm>>
    %dma_start3A_633 = arith.constant 0 : i32
    %dma_start3A_634 = arith.constant 0 : i32
    %dma_start3A_635 = tpu.memref_slice %arg6[%dma_start3A_621, %dma_start3A_633, %dma_start3A_634] : memref<3x16x2048xf32, #tpu.memory_space<vmem>> -> memref<1x16x2048xf32, #tpu.memory_space<vmem>>
    %dma_start3A_636 = tpu.memref_squeeze %dma_start3A_635 : memref<1x16x2048xf32, #tpu.memory_space<vmem>> -> memref<16x2048xf32, #tpu.memory_space<vmem>>
    tpu.enqueue_dma source(%dma_start3A_636 : memref<16x2048xf32, #tpu.memory_space<vmem>>) target(%dma_start3A_632 : memref<16x2048xf32, #tpu.memory_space<hbm>>) target_semaphore(%dma_start3A_630 : memref<!tpu.dma_semaphore, #tpu.memory_space<semaphore_mem>>)
    %dma_wait3A_637 = arith.constant 2 : i32
    %dma_wait3A_638 = arith.constant 2 : i32
    %dma_wait3A_639 = arith.constant 0 : i32
    %dma_wait3A_640 = arith.constant 0 : i32
    %dma_wait3A_641 = tpu.memref_slice %arg6[%dma_wait3A_637, %dma_wait3A_639, %dma_wait3A_640] : memref<3x16x2048xf32, #tpu.memory_space<vmem>> -> memref<1x16x2048xf32, #tpu.memory_space<vmem>>
    %dma_wait3A_642 = tpu.memref_squeeze %dma_wait3A_641 : memref<1x16x2048xf32, #tpu.memory_space<vmem>> -> memref<16x2048xf32, #tpu.memory_space<vmem>>
    %dma_wait3A_643 = arith.constant 0 : i32
    %dma_wait3A_644 = tpu.memref_slice %arg4[%add3A_620, %dma_wait3A_643] : memref<8192x2048xf32, #tpu.memory_space<hbm>> -> memref<16x2048xf32, #tpu.memory_space<hbm>>
    %dma_wait3A_645 = tpu.memref_slice %arg8[%dma_wait3A_638] : memref<3x!tpu.dma_semaphore, #tpu.memory_space<semaphore_mem>> -> memref<1x!tpu.dma_semaphore, #tpu.memory_space<semaphore_mem>>
    %dma_wait3A_646 = tpu.memref_squeeze %dma_wait3A_645 : memref<1x!tpu.dma_semaphore, #tpu.memory_space<semaphore_mem>> -> memref<!tpu.dma_semaphore, #tpu.memory_space<semaphore_mem>>
    %dma_wait3A_647 = arith.constant 0 : i32
    %dma_wait3A_648 = tpu.memref_slice %arg4[%add3A_620, %dma_wait3A_647] : memref<8192x2048xf32, #tpu.memory_space<hbm>> -> memref<16x2048xf32, #tpu.memory_space<hbm>>
    %dma_wait3A_649 = arith.constant 0 : i32
    %dma_wait3A_650 = arith.constant 0 : i32
    %dma_wait3A_651 = tpu.memref_slice %arg6[%dma_wait3A_637, %dma_wait3A_649, %dma_wait3A_650] : memref<3x16x2048xf32, #tpu.memory_space<vmem>> -> memref<1x16x2048xf32, #tpu.memory_space<vmem>>
    %dma_wait3A_652 = tpu.memref_squeeze %dma_wait3A_651 : memref<1x16x2048xf32, #tpu.memory_space<vmem>> -> memref<16x2048xf32, #tpu.memory_space<vmem>>
    tpu.wait_dma2 semaphore(%dma_wait3A_646 : memref<!tpu.dma_semaphore, #tpu.memory_space<semaphore_mem>>) src(%dma_wait3A_652 : memref<16x2048xf32, #tpu.memory_space<vmem>>) dst(%dma_wait3A_648 : memref<16x2048xf32, #tpu.memory_space<hbm>>)
    %dma_start3A_653 = arith.constant 2 : i32
    %dma_start3A_654 = arith.constant 4 : i32
    %dma_start3A_655 = arith.constant 0 : i32
    %dma_start3A_656 = arith.constant 0 : i32
    %dma_start3A_657 = tpu.memref_slice %arg6[%dma_start3A_653, %dma_start3A_655, %dma_start3A_656] : memref<3x16x2048xf32, #tpu.memory_space<vmem>> -> memref<1x16x2048xf32, #tpu.memory_space<vmem>>
    %dma_start3A_658 = tpu.memref_squeeze %dma_start3A_657 : memref<1x16x2048xf32, #tpu.memory_space<vmem>> -> memref<16x2048xf32, #tpu.memory_space<vmem>>
    %dma_start3A_659 = arith.constant 0 : i32
    %dma_start3A_660 = arith.constant 0 : i32
    %dma_start3A_661 = tpu.memref_slice %dma_start3A_658[%dma_start3A_659, %dma_start3A_660] : memref<16x2048xf32, #tpu.memory_space<vmem>> -> memref<8x2048xf32, #tpu.memory_space<vmem>>
    %dma_start3A_662 = arith.constant 128 : i32
    %dma_start3A_663 = tpu.memref_slice %arg5[%dma_start3A_662] : memref<256xi32, #tpu.memory_space<vmem>> -> memref<8xi32, #tpu.memory_space<vmem>>
    %dma_start3A_664 = arith.constant 0 : i32
    %dma_start3A_665 = arith.constant 0 : i32
    %dma_start3A_666 = tpu.memref_slice %arg3[%dma_start3A_664, %dma_start3A_665] : memref<8192x2048xf32, #tpu.memory_space<hbm>> -> memref<8192x2048xf32, #tpu.memory_space<hbm>>
    %dma_start3A_667 = tpu.memref_slice %arg7[%dma_start3A_654] : memref<6x!tpu.dma_semaphore, #tpu.memory_space<semaphore_mem>> -> memref<1x!tpu.dma_semaphore, #tpu.memory_space<semaphore_mem>>
    %dma_start3A_668 = tpu.memref_squeeze %dma_start3A_667 : memref<1x!tpu.dma_semaphore, #tpu.memory_space<semaphore_mem>> -> memref<!tpu.dma_semaphore, #tpu.memory_space<semaphore_mem>>
    tpu.enqueue_indirect_dma source(%dma_start3A_666 : memref<8192x2048xf32, #tpu.memory_space<hbm>>) target(%dma_start3A_661 : memref<8x2048xf32, #tpu.memory_space<vmem>>) offsets(%dma_start3A_663 : memref<8xi32, #tpu.memory_space<vmem>>) semaphore(%dma_start3A_668 : memref<!tpu.dma_semaphore, #tpu.memory_space<semaphore_mem>>)
    %dma_wait3A_669 = arith.constant 0 : i32
    %dma_wait3A_670 = arith.constant 0 : i32
    %dma_wait3A_671 = arith.constant 0 : i32
    %dma_wait3A_672 = arith.constant 0 : i32
    %dma_wait3A_673 = tpu.memref_slice %arg6[%dma_wait3A_669, %dma_wait3A_671, %dma_wait3A_672] : memref<3x16x2048xf32, #tpu.memory_space<vmem>> -> memref<1x16x2048xf32, #tpu.memory_space<vmem>>
    %dma_wait3A_674 = tpu.memref_squeeze %dma_wait3A_673 : memref<1x16x2048xf32, #tpu.memory_space<vmem>> -> memref<16x2048xf32, #tpu.memory_space<vmem>>
    %dma_wait3A_675 = arith.constant 0 : i32
    %dma_wait3A_676 = arith.constant 0 : i32
    %dma_wait3A_677 = tpu.memref_slice %dma_wait3A_674[%dma_wait3A_675, %dma_wait3A_676] : memref<16x2048xf32, #tpu.memory_space<vmem>> -> memref<8x2048xf32, #tpu.memory_space<vmem>>
    %dma_wait3A_678 = arith.constant 96 : i32
    %dma_wait3A_679 = tpu.memref_slice %arg5[%dma_wait3A_678] : memref<256xi32, #tpu.memory_space<vmem>> -> memref<8xi32, #tpu.memory_space<vmem>>
    %dma_wait3A_680 = arith.constant 0 : i32
    %dma_wait3A_681 = arith.constant 0 : i32
    %dma_wait3A_682 = tpu.memref_slice %arg3[%dma_wait3A_680, %dma_wait3A_681] : memref<8192x2048xf32, #tpu.memory_space<hbm>> -> memref<8192x2048xf32, #tpu.memory_space<hbm>>
    %dma_wait3A_683 = tpu.memref_slice %arg7[%dma_wait3A_670] : memref<6x!tpu.dma_semaphore, #tpu.memory_space<semaphore_mem>> -> memref<1x!tpu.dma_semaphore, #tpu.memory_space<semaphore_mem>>
    %dma_wait3A_684 = tpu.memref_squeeze %dma_wait3A_683 : memref<1x!tpu.dma_semaphore, #tpu.memory_space<semaphore_mem>> -> memref<!tpu.dma_semaphore, #tpu.memory_space<semaphore_mem>>
    tpu.wait_indirect_dma semaphore(%dma_wait3A_684 : memref<!tpu.dma_semaphore, #tpu.memory_space<semaphore_mem>>) src(%dma_wait3A_682 : memref<8192x2048xf32, #tpu.memory_space<hbm>>) dst(%dma_wait3A_677 : memref<8x2048xf32, #tpu.memory_space<vmem>>)
    %dma_start3A_685 = arith.constant 2 : i32
    %dma_start3A_686 = arith.constant 5 : i32
    %dma_start3A_687 = arith.constant 0 : i32
    %dma_start3A_688 = arith.constant 0 : i32
    %dma_start3A_689 = tpu.memref_slice %arg6[%dma_start3A_685, %dma_start3A_687, %dma_start3A_688] : memref<3x16x2048xf32, #tpu.memory_space<vmem>> -> memref<1x16x2048xf32, #tpu.memory_space<vmem>>
    %dma_start3A_690 = tpu.memref_squeeze %dma_start3A_689 : memref<1x16x2048xf32, #tpu.memory_space<vmem>> -> memref<16x2048xf32, #tpu.memory_space<vmem>>
    %dma_start3A_691 = arith.constant 8 : i32
    %dma_start3A_692 = arith.constant 0 : i32
    %dma_start3A_693 = tpu.memref_slice %dma_start3A_690[%dma_start3A_691, %dma_start3A_692] : memref<16x2048xf32, #tpu.memory_space<vmem>> -> memref<8x2048xf32, #tpu.memory_space<vmem>>
    %dma_start3A_694 = arith.constant 136 : i32
    %dma_start3A_695 = tpu.memref_slice %arg5[%dma_start3A_694] : memref<256xi32, #tpu.memory_space<vmem>> -> memref<8xi32, #tpu.memory_space<vmem>>
    %dma_start3A_696 = arith.constant 0 : i32
    %dma_start3A_697 = arith.constant 0 : i32
    %dma_start3A_698 = tpu.memref_slice %arg3[%dma_start3A_696, %dma_start3A_697] : memref<8192x2048xf32, #tpu.memory_space<hbm>> -> memref<8192x2048xf32, #tpu.memory_space<hbm>>
    %dma_start3A_699 = tpu.memref_slice %arg7[%dma_start3A_686] : memref<6x!tpu.dma_semaphore, #tpu.memory_space<semaphore_mem>> -> memref<1x!tpu.dma_semaphore, #tpu.memory_space<semaphore_mem>>
    %dma_start3A_700 = tpu.memref_squeeze %dma_start3A_699 : memref<1x!tpu.dma_semaphore, #tpu.memory_space<semaphore_mem>> -> memref<!tpu.dma_semaphore, #tpu.memory_space<semaphore_mem>>
    tpu.enqueue_indirect_dma source(%dma_start3A_698 : memref<8192x2048xf32, #tpu.memory_space<hbm>>) target(%dma_start3A_693 : memref<8x2048xf32, #tpu.memory_space<vmem>>) offsets(%dma_start3A_695 : memref<8xi32, #tpu.memory_space<vmem>>) semaphore(%dma_start3A_700 : memref<!tpu.dma_semaphore, #tpu.memory_space<semaphore_mem>>)
    %dma_wait3A_701 = arith.constant 0 : i32
    %dma_wait3A_702 = arith.constant 1 : i32
    %dma_wait3A_703 = arith.constant 0 : i32
    %dma_wait3A_704 = arith.constant 0 : i32
    %dma_wait3A_705 = tpu.memref_slice %arg6[%dma_wait3A_701, %dma_wait3A_703, %dma_wait3A_704] : memref<3x16x2048xf32, #tpu.memory_space<vmem>> -> memref<1x16x2048xf32, #tpu.memory_space<vmem>>
    %dma_wait3A_706 = tpu.memref_squeeze %dma_wait3A_705 : memref<1x16x2048xf32, #tpu.memory_space<vmem>> -> memref<16x2048xf32, #tpu.memory_space<vmem>>
    %dma_wait3A_707 = arith.constant 8 : i32
    %dma_wait3A_708 = arith.constant 0 : i32
    %dma_wait3A_709 = tpu.memref_slice %dma_wait3A_706[%dma_wait3A_707, %dma_wait3A_708] : memref<16x2048xf32, #tpu.memory_space<vmem>> -> memref<8x2048xf32, #tpu.memory_space<vmem>>
    %dma_wait3A_710 = arith.constant 104 : i32
    %dma_wait3A_711 = tpu.memref_slice %arg5[%dma_wait3A_710] : memref<256xi32, #tpu.memory_space<vmem>> -> memref<8xi32, #tpu.memory_space<vmem>>
    %dma_wait3A_712 = arith.constant 0 : i32
    %dma_wait3A_713 = arith.constant 0 : i32
    %dma_wait3A_714 = tpu.memref_slice %arg3[%dma_wait3A_712, %dma_wait3A_713] : memref<8192x2048xf32, #tpu.memory_space<hbm>> -> memref<8192x2048xf32, #tpu.memory_space<hbm>>
    %dma_wait3A_715 = tpu.memref_slice %arg7[%dma_wait3A_702] : memref<6x!tpu.dma_semaphore, #tpu.memory_space<semaphore_mem>> -> memref<1x!tpu.dma_semaphore, #tpu.memory_space<semaphore_mem>>
    %dma_wait3A_716 = tpu.memref_squeeze %dma_wait3A_715 : memref<1x!tpu.dma_semaphore, #tpu.memory_space<semaphore_mem>> -> memref<!tpu.dma_semaphore, #tpu.memory_space<semaphore_mem>>
    tpu.wait_indirect_dma semaphore(%dma_wait3A_716 : memref<!tpu.dma_semaphore, #tpu.memory_space<semaphore_mem>>) src(%dma_wait3A_714 : memref<8192x2048xf32, #tpu.memory_space<hbm>>) dst(%dma_wait3A_709 : memref<8x2048xf32, #tpu.memory_space<vmem>>)
    %add3A_717 = arith.constant 96 : i32
    %add3A_718 = arith.addi %mul3A_2, %add3A_717 : i32
    %dma_start3A_719 = arith.constant 0 : i32
    %dma_start3A_720 = arith.constant 0 : i32
    %dma_start3A_721 = arith.constant 0 : i32
    %dma_start3A_722 = arith.constant 0 : i32
    %dma_start3A_723 = tpu.memref_slice %arg6[%dma_start3A_719, %dma_start3A_721, %dma_start3A_722] : memref<3x16x2048xf32, #tpu.memory_space<vmem>> -> memref<1x16x2048xf32, #tpu.memory_space<vmem>>
    %dma_start3A_724 = tpu.memref_squeeze %dma_start3A_723 : memref<1x16x2048xf32, #tpu.memory_space<vmem>> -> memref<16x2048xf32, #tpu.memory_space<vmem>>
    %dma_start3A_725 = arith.constant 0 : i32
    %dma_start3A_726 = tpu.memref_slice %arg4[%add3A_718, %dma_start3A_725] : memref<8192x2048xf32, #tpu.memory_space<hbm>> -> memref<16x2048xf32, #tpu.memory_space<hbm>>
    %dma_start3A_727 = tpu.memref_slice %arg8[%dma_start3A_720] : memref<3x!tpu.dma_semaphore, #tpu.memory_space<semaphore_mem>> -> memref<1x!tpu.dma_semaphore, #tpu.memory_space<semaphore_mem>>
    %dma_start3A_728 = tpu.memref_squeeze %dma_start3A_727 : memref<1x!tpu.dma_semaphore, #tpu.memory_space<semaphore_mem>> -> memref<!tpu.dma_semaphore, #tpu.memory_space<semaphore_mem>>
    %dma_start3A_729 = arith.constant 0 : i32
    %dma_start3A_730 = tpu.memref_slice %arg4[%add3A_718, %dma_start3A_729] : memref<8192x2048xf32, #tpu.memory_space<hbm>> -> memref<16x2048xf32, #tpu.memory_space<hbm>>
    %dma_start3A_731 = arith.constant 0 : i32
    %dma_start3A_732 = arith.constant 0 : i32
    %dma_start3A_733 = tpu.memref_slice %arg6[%dma_start3A_719, %dma_start3A_731, %dma_start3A_732] : memref<3x16x2048xf32, #tpu.memory_space<vmem>> -> memref<1x16x2048xf32, #tpu.memory_space<vmem>>
    %dma_start3A_734 = tpu.memref_squeeze %dma_start3A_733 : memref<1x16x2048xf32, #tpu.memory_space<vmem>> -> memref<16x2048xf32, #tpu.memory_space<vmem>>
    tpu.enqueue_dma source(%dma_start3A_734 : memref<16x2048xf32, #tpu.memory_space<vmem>>) target(%dma_start3A_730 : memref<16x2048xf32, #tpu.memory_space<hbm>>) target_semaphore(%dma_start3A_728 : memref<!tpu.dma_semaphore, #tpu.memory_space<semaphore_mem>>)
    %dma_wait3A_735 = arith.constant 0 : i32
    %dma_wait3A_736 = arith.constant 0 : i32
    %dma_wait3A_737 = arith.constant 0 : i32
    %dma_wait3A_738 = arith.constant 0 : i32
    %dma_wait3A_739 = tpu.memref_slice %arg6[%dma_wait3A_735, %dma_wait3A_737, %dma_wait3A_738] : memref<3x16x2048xf32, #tpu.memory_space<vmem>> -> memref<1x16x2048xf32, #tpu.memory_space<vmem>>
    %dma_wait3A_740 = tpu.memref_squeeze %dma_wait3A_739 : memref<1x16x2048xf32, #tpu.memory_space<vmem>> -> memref<16x2048xf32, #tpu.memory_space<vmem>>
    %dma_wait3A_741 = arith.constant 0 : i32
    %dma_wait3A_742 = tpu.memref_slice %arg4[%add3A_718, %dma_wait3A_741] : memref<8192x2048xf32, #tpu.memory_space<hbm>> -> memref<16x2048xf32, #tpu.memory_space<hbm>>
    %dma_wait3A_743 = tpu.memref_slice %arg8[%dma_wait3A_736] : memref<3x!tpu.dma_semaphore, #tpu.memory_space<semaphore_mem>> -> memref<1x!tpu.dma_semaphore, #tpu.memory_space<semaphore_mem>>
    %dma_wait3A_744 = tpu.memref_squeeze %dma_wait3A_743 : memref<1x!tpu.dma_semaphore, #tpu.memory_space<semaphore_mem>> -> memref<!tpu.dma_semaphore, #tpu.memory_space<semaphore_mem>>
    %dma_wait3A_745 = arith.constant 0 : i32
    %dma_wait3A_746 = tpu.memref_slice %arg4[%add3A_718, %dma_wait3A_745] : memref<8192x2048xf32, #tpu.memory_space<hbm>> -> memref<16x2048xf32, #tpu.memory_space<hbm>>
    %dma_wait3A_747 = arith.constant 0 : i32
    %dma_wait3A_748 = arith.constant 0 : i32
    %dma_wait3A_749 = tpu.memref_slice %arg6[%dma_wait3A_735, %dma_wait3A_747, %dma_wait3A_748] : memref<3x16x2048xf32, #tpu.memory_space<vmem>> -> memref<1x16x2048xf32, #tpu.memory_space<vmem>>
    %dma_wait3A_750 = tpu.memref_squeeze %dma_wait3A_749 : memref<1x16x2048xf32, #tpu.memory_space<vmem>> -> memref<16x2048xf32, #tpu.memory_space<vmem>>
    tpu.wait_dma2 semaphore(%dma_wait3A_744 : memref<!tpu.dma_semaphore, #tpu.memory_space<semaphore_mem>>) src(%dma_wait3A_750 : memref<16x2048xf32, #tpu.memory_space<vmem>>) dst(%dma_wait3A_746 : memref<16x2048xf32, #tpu.memory_space<hbm>>)
    %dma_start3A_751 = arith.constant 0 : i32
    %dma_start3A_752 = arith.constant 0 : i32
    %dma_start3A_753 = arith.constant 0 : i32
    %dma_start3A_754 = arith.constant 0 : i32
    %dma_start3A_755 = tpu.memref_slice %arg6[%dma_start3A_751, %dma_start3A_753, %dma_start3A_754] : memref<3x16x2048xf32, #tpu.memory_space<vmem>> -> memref<1x16x2048xf32, #tpu.memory_space<vmem>>
    %dma_start3A_756 = tpu.memref_squeeze %dma_start3A_755 : memref<1x16x2048xf32, #tpu.memory_space<vmem>> -> memref<16x2048xf32, #tpu.memory_space<vmem>>
    %dma_start3A_757 = arith.constant 0 : i32
    %dma_start3A_758 = arith.constant 0 : i32
    %dma_start3A_759 = tpu.memref_slice %dma_start3A_756[%dma_start3A_757, %dma_start3A_758] : memref<16x2048xf32, #tpu.memory_space<vmem>> -> memref<8x2048xf32, #tpu.memory_space<vmem>>
    %dma_start3A_760 = arith.constant 144 : i32
    %dma_start3A_761 = tpu.memref_slice %arg5[%dma_start3A_760] : memref<256xi32, #tpu.memory_space<vmem>> -> memref<8xi32, #tpu.memory_space<vmem>>
    %dma_start3A_762 = arith.constant 0 : i32
    %dma_start3A_763 = arith.constant 0 : i32
    %dma_start3A_764 = tpu.memref_slice %arg3[%dma_start3A_762, %dma_start3A_763] : memref<8192x2048xf32, #tpu.memory_space<hbm>> -> memref<8192x2048xf32, #tpu.memory_space<hbm>>
    %dma_start3A_765 = tpu.memref_slice %arg7[%dma_start3A_752] : memref<6x!tpu.dma_semaphore, #tpu.memory_space<semaphore_mem>> -> memref<1x!tpu.dma_semaphore, #tpu.memory_space<semaphore_mem>>
    %dma_start3A_766 = tpu.memref_squeeze %dma_start3A_765 : memref<1x!tpu.dma_semaphore, #tpu.memory_space<semaphore_mem>> -> memref<!tpu.dma_semaphore, #tpu.memory_space<semaphore_mem>>
    tpu.enqueue_indirect_dma source(%dma_start3A_764 : memref<8192x2048xf32, #tpu.memory_space<hbm>>) target(%dma_start3A_759 : memref<8x2048xf32, #tpu.memory_space<vmem>>) offsets(%dma_start3A_761 : memref<8xi32, #tpu.memory_space<vmem>>) semaphore(%dma_start3A_766 : memref<!tpu.dma_semaphore, #tpu.memory_space<semaphore_mem>>)
    %dma_wait3A_767 = arith.constant 1 : i32
    %dma_wait3A_768 = arith.constant 2 : i32
    %dma_wait3A_769 = arith.constant 0 : i32
    %dma_wait3A_770 = arith.constant 0 : i32
    %dma_wait3A_771 = tpu.memref_slice %arg6[%dma_wait3A_767, %dma_wait3A_769, %dma_wait3A_770] : memref<3x16x2048xf32, #tpu.memory_space<vmem>> -> memref<1x16x2048xf32, #tpu.memory_space<vmem>>
    %dma_wait3A_772 = tpu.memref_squeeze %dma_wait3A_771 : memref<1x16x2048xf32, #tpu.memory_space<vmem>> -> memref<16x2048xf32, #tpu.memory_space<vmem>>
    %dma_wait3A_773 = arith.constant 0 : i32
    %dma_wait3A_774 = arith.constant 0 : i32
    %dma_wait3A_775 = tpu.memref_slice %dma_wait3A_772[%dma_wait3A_773, %dma_wait3A_774] : memref<16x2048xf32, #tpu.memory_space<vmem>> -> memref<8x2048xf32, #tpu.memory_space<vmem>>
    %dma_wait3A_776 = arith.constant 112 : i32
    %dma_wait3A_777 = tpu.memref_slice %arg5[%dma_wait3A_776] : memref<256xi32, #tpu.memory_space<vmem>> -> memref<8xi32, #tpu.memory_space<vmem>>
    %dma_wait3A_778 = arith.constant 0 : i32
    %dma_wait3A_779 = arith.constant 0 : i32
    %dma_wait3A_780 = tpu.memref_slice %arg3[%dma_wait3A_778, %dma_wait3A_779] : memref<8192x2048xf32, #tpu.memory_space<hbm>> -> memref<8192x2048xf32, #tpu.memory_space<hbm>>
    %dma_wait3A_781 = tpu.memref_slice %arg7[%dma_wait3A_768] : memref<6x!tpu.dma_semaphore, #tpu.memory_space<semaphore_mem>> -> memref<1x!tpu.dma_semaphore, #tpu.memory_space<semaphore_mem>>
    %dma_wait3A_782 = tpu.memref_squeeze %dma_wait3A_781 : memref<1x!tpu.dma_semaphore, #tpu.memory_space<semaphore_mem>> -> memref<!tpu.dma_semaphore, #tpu.memory_space<semaphore_mem>>
    tpu.wait_indirect_dma semaphore(%dma_wait3A_782 : memref<!tpu.dma_semaphore, #tpu.memory_space<semaphore_mem>>) src(%dma_wait3A_780 : memref<8192x2048xf32, #tpu.memory_space<hbm>>) dst(%dma_wait3A_775 : memref<8x2048xf32, #tpu.memory_space<vmem>>)
    %dma_start3A_783 = arith.constant 0 : i32
    %dma_start3A_784 = arith.constant 1 : i32
    %dma_start3A_785 = arith.constant 0 : i32
    %dma_start3A_786 = arith.constant 0 : i32
    %dma_start3A_787 = tpu.memref_slice %arg6[%dma_start3A_783, %dma_start3A_785, %dma_start3A_786] : memref<3x16x2048xf32, #tpu.memory_space<vmem>> -> memref<1x16x2048xf32, #tpu.memory_space<vmem>>
    %dma_start3A_788 = tpu.memref_squeeze %dma_start3A_787 : memref<1x16x2048xf32, #tpu.memory_space<vmem>> -> memref<16x2048xf32, #tpu.memory_space<vmem>>
    %dma_start3A_789 = arith.constant 8 : i32
    %dma_start3A_790 = arith.constant 0 : i32
    %dma_start3A_791 = tpu.memref_slice %dma_start3A_788[%dma_start3A_789, %dma_start3A_790] : memref<16x2048xf32, #tpu.memory_space<vmem>> -> memref<8x2048xf32, #tpu.memory_space<vmem>>
    %dma_start3A_792 = arith.constant 152 : i32
    %dma_start3A_793 = tpu.memref_slice %arg5[%dma_start3A_792] : memref<256xi32, #tpu.memory_space<vmem>> -> memref<8xi32, #tpu.memory_space<vmem>>
    %dma_start3A_794 = arith.constant 0 : i32
    %dma_start3A_795 = arith.constant 0 : i32
    %dma_start3A_796 = tpu.memref_slice %arg3[%dma_start3A_794, %dma_start3A_795] : memref<8192x2048xf32, #tpu.memory_space<hbm>> -> memref<8192x2048xf32, #tpu.memory_space<hbm>>
    %dma_start3A_797 = tpu.memref_slice %arg7[%dma_start3A_784] : memref<6x!tpu.dma_semaphore, #tpu.memory_space<semaphore_mem>> -> memref<1x!tpu.dma_semaphore, #tpu.memory_space<semaphore_mem>>
    %dma_start3A_798 = tpu.memref_squeeze %dma_start3A_797 : memref<1x!tpu.dma_semaphore, #tpu.memory_space<semaphore_mem>> -> memref<!tpu.dma_semaphore, #tpu.memory_space<semaphore_mem>>
    tpu.enqueue_indirect_dma source(%dma_start3A_796 : memref<8192x2048xf32, #tpu.memory_space<hbm>>) target(%dma_start3A_791 : memref<8x2048xf32, #tpu.memory_space<vmem>>) offsets(%dma_start3A_793 : memref<8xi32, #tpu.memory_space<vmem>>) semaphore(%dma_start3A_798 : memref<!tpu.dma_semaphore, #tpu.memory_space<semaphore_mem>>)
    %dma_wait3A_799 = arith.constant 1 : i32
    %dma_wait3A_800 = arith.constant 3 : i32
    %dma_wait3A_801 = arith.constant 0 : i32
    %dma_wait3A_802 = arith.constant 0 : i32
    %dma_wait3A_803 = tpu.memref_slice %arg6[%dma_wait3A_799, %dma_wait3A_801, %dma_wait3A_802] : memref<3x16x2048xf32, #tpu.memory_space<vmem>> -> memref<1x16x2048xf32, #tpu.memory_space<vmem>>
    %dma_wait3A_804 = tpu.memref_squeeze %dma_wait3A_803 : memref<1x16x2048xf32, #tpu.memory_space<vmem>> -> memref<16x2048xf32, #tpu.memory_space<vmem>>
    %dma_wait3A_805 = arith.constant 8 : i32
    %dma_wait3A_806 = arith.constant 0 : i32
    %dma_wait3A_807 = tpu.memref_slice %dma_wait3A_804[%dma_wait3A_805, %dma_wait3A_806] : memref<16x2048xf32, #tpu.memory_space<vmem>> -> memref<8x2048xf32, #tpu.memory_space<vmem>>
    %dma_wait3A_808 = arith.constant 120 : i32
    %dma_wait3A_809 = tpu.memref_slice %arg5[%dma_wait3A_808] : memref<256xi32, #tpu.memory_space<vmem>> -> memref<8xi32, #tpu.memory_space<vmem>>
    %dma_wait3A_810 = arith.constant 0 : i32
    %dma_wait3A_811 = arith.constant 0 : i32
    %dma_wait3A_812 = tpu.memref_slice %arg3[%dma_wait3A_810, %dma_wait3A_811] : memref<8192x2048xf32, #tpu.memory_space<hbm>> -> memref<8192x2048xf32, #tpu.memory_space<hbm>>
    %dma_wait3A_813 = tpu.memref_slice %arg7[%dma_wait3A_800] : memref<6x!tpu.dma_semaphore, #tpu.memory_space<semaphore_mem>> -> memref<1x!tpu.dma_semaphore, #tpu.memory_space<semaphore_mem>>
    %dma_wait3A_814 = tpu.memref_squeeze %dma_wait3A_813 : memref<1x!tpu.dma_semaphore, #tpu.memory_space<semaphore_mem>> -> memref<!tpu.dma_semaphore, #tpu.memory_space<semaphore_mem>>
    tpu.wait_indirect_dma semaphore(%dma_wait3A_814 : memref<!tpu.dma_semaphore, #tpu.memory_space<semaphore_mem>>) src(%dma_wait3A_812 : memref<8192x2048xf32, #tpu.memory_space<hbm>>) dst(%dma_wait3A_807 : memref<8x2048xf32, #tpu.memory_space<vmem>>)
    %add3A_815 = arith.constant 112 : i32
    %add3A_816 = arith.addi %mul3A_2, %add3A_815 : i32
    %dma_start3A_817 = arith.constant 1 : i32
    %dma_start3A_818 = arith.constant 1 : i32
    %dma_start3A_819 = arith.constant 0 : i32
    %dma_start3A_820 = arith.constant 0 : i32
    %dma_start3A_821 = tpu.memref_slice %arg6[%dma_start3A_817, %dma_start3A_819, %dma_start3A_820] : memref<3x16x2048xf32, #tpu.memory_space<vmem>> -> memref<1x16x2048xf32, #tpu.memory_space<vmem>>
    %dma_start3A_822 = tpu.memref_squeeze %dma_start3A_821 : memref<1x16x2048xf32, #tpu.memory_space<vmem>> -> memref<16x2048xf32, #tpu.memory_space<vmem>>
    %dma_start3A_823 = arith.constant 0 : i32
    %dma_start3A_824 = tpu.memref_slice %arg4[%add3A_816, %dma_start3A_823] : memref<8192x2048xf32, #tpu.memory_space<hbm>> -> memref<16x2048xf32, #tpu.memory_space<hbm>>
    %dma_start3A_825 = tpu.memref_slice %arg8[%dma_start3A_818] : memref<3x!tpu.dma_semaphore, #tpu.memory_space<semaphore_mem>> -> memref<1x!tpu.dma_semaphore, #tpu.memory_space<semaphore_mem>>
    %dma_start3A_826 = tpu.memref_squeeze %dma_start3A_825 : memref<1x!tpu.dma_semaphore, #tpu.memory_space<semaphore_mem>> -> memref<!tpu.dma_semaphore, #tpu.memory_space<semaphore_mem>>
    %dma_start3A_827 = arith.constant 0 : i32
    %dma_start3A_828 = tpu.memref_slice %arg4[%add3A_816, %dma_start3A_827] : memref<8192x2048xf32, #tpu.memory_space<hbm>> -> memref<16x2048xf32, #tpu.memory_space<hbm>>
    %dma_start3A_829 = arith.constant 0 : i32
    %dma_start3A_830 = arith.constant 0 : i32
    %dma_start3A_831 = tpu.memref_slice %arg6[%dma_start3A_817, %dma_start3A_829, %dma_start3A_830] : memref<3x16x2048xf32, #tpu.memory_space<vmem>> -> memref<1x16x2048xf32, #tpu.memory_space<vmem>>
    %dma_start3A_832 = tpu.memref_squeeze %dma_start3A_831 : memref<1x16x2048xf32, #tpu.memory_space<vmem>> -> memref<16x2048xf32, #tpu.memory_space<vmem>>
    tpu.enqueue_dma source(%dma_start3A_832 : memref<16x2048xf32, #tpu.memory_space<vmem>>) target(%dma_start3A_828 : memref<16x2048xf32, #tpu.memory_space<hbm>>) target_semaphore(%dma_start3A_826 : memref<!tpu.dma_semaphore, #tpu.memory_space<semaphore_mem>>)
    %dma_wait3A_833 = arith.constant 1 : i32
    %dma_wait3A_834 = arith.constant 1 : i32
    %dma_wait3A_835 = arith.constant 0 : i32
    %dma_wait3A_836 = arith.constant 0 : i32
    %dma_wait3A_837 = tpu.memref_slice %arg6[%dma_wait3A_833, %dma_wait3A_835, %dma_wait3A_836] : memref<3x16x2048xf32, #tpu.memory_space<vmem>> -> memref<1x16x2048xf32, #tpu.memory_space<vmem>>
    %dma_wait3A_838 = tpu.memref_squeeze %dma_wait3A_837 : memref<1x16x2048xf32, #tpu.memory_space<vmem>> -> memref<16x2048xf32, #tpu.memory_space<vmem>>
    %dma_wait3A_839 = arith.constant 0 : i32
    %dma_wait3A_840 = tpu.memref_slice %arg4[%add3A_816, %dma_wait3A_839] : memref<8192x2048xf32, #tpu.memory_space<hbm>> -> memref<16x2048xf32, #tpu.memory_space<hbm>>
    %dma_wait3A_841 = tpu.memref_slice %arg8[%dma_wait3A_834] : memref<3x!tpu.dma_semaphore, #tpu.memory_space<semaphore_mem>> -> memref<1x!tpu.dma_semaphore, #tpu.memory_space<semaphore_mem>>
    %dma_wait3A_842 = tpu.memref_squeeze %dma_wait3A_841 : memref<1x!tpu.dma_semaphore, #tpu.memory_space<semaphore_mem>> -> memref<!tpu.dma_semaphore, #tpu.memory_space<semaphore_mem>>
    %dma_wait3A_843 = arith.constant 0 : i32
    %dma_wait3A_844 = tpu.memref_slice %arg4[%add3A_816, %dma_wait3A_843] : memref<8192x2048xf32, #tpu.memory_space<hbm>> -> memref<16x2048xf32, #tpu.memory_space<hbm>>
    %dma_wait3A_845 = arith.constant 0 : i32
    %dma_wait3A_846 = arith.constant 0 : i32
    %dma_wait3A_847 = tpu.memref_slice %arg6[%dma_wait3A_833, %dma_wait3A_845, %dma_wait3A_846] : memref<3x16x2048xf32, #tpu.memory_space<vmem>> -> memref<1x16x2048xf32, #tpu.memory_space<vmem>>
    %dma_wait3A_848 = tpu.memref_squeeze %dma_wait3A_847 : memref<1x16x2048xf32, #tpu.memory_space<vmem>> -> memref<16x2048xf32, #tpu.memory_space<vmem>>
    tpu.wait_dma2 semaphore(%dma_wait3A_842 : memref<!tpu.dma_semaphore, #tpu.memory_space<semaphore_mem>>) src(%dma_wait3A_848 : memref<16x2048xf32, #tpu.memory_space<vmem>>) dst(%dma_wait3A_844 : memref<16x2048xf32, #tpu.memory_space<hbm>>)
    %dma_start3A_849 = arith.constant 1 : i32
    %dma_start3A_850 = arith.constant 2 : i32
    %dma_start3A_851 = arith.constant 0 : i32
    %dma_start3A_852 = arith.constant 0 : i32
    %dma_start3A_853 = tpu.memref_slice %arg6[%dma_start3A_849, %dma_start3A_851, %dma_start3A_852] : memref<3x16x2048xf32, #tpu.memory_space<vmem>> -> memref<1x16x2048xf32, #tpu.memory_space<vmem>>
    %dma_start3A_854 = tpu.memref_squeeze %dma_start3A_853 : memref<1x16x2048xf32, #tpu.memory_space<vmem>> -> memref<16x2048xf32, #tpu.memory_space<vmem>>
    %dma_start3A_855 = arith.constant 0 : i32
    %dma_start3A_856 = arith.constant 0 : i32
    %dma_start3A_857 = tpu.memref_slice %dma_start3A_854[%dma_start3A_855, %dma_start3A_856] : memref<16x2048xf32, #tpu.memory_space<vmem>> -> memref<8x2048xf32, #tpu.memory_space<vmem>>
    %dma_start3A_858 = arith.constant 160 : i32
    %dma_start3A_859 = tpu.memref_slice %arg5[%dma_start3A_858] : memref<256xi32, #tpu.memory_space<vmem>> -> memref<8xi32, #tpu.memory_space<vmem>>
    %dma_start3A_860 = arith.constant 0 : i32
    %dma_start3A_861 = arith.constant 0 : i32
    %dma_start3A_862 = tpu.memref_slice %arg3[%dma_start3A_860, %dma_start3A_861] : memref<8192x2048xf32, #tpu.memory_space<hbm>> -> memref<8192x2048xf32, #tpu.memory_space<hbm>>
    %dma_start3A_863 = tpu.memref_slice %arg7[%dma_start3A_850] : memref<6x!tpu.dma_semaphore, #tpu.memory_space<semaphore_mem>> -> memref<1x!tpu.dma_semaphore, #tpu.memory_space<semaphore_mem>>
    %dma_start3A_864 = tpu.memref_squeeze %dma_start3A_863 : memref<1x!tpu.dma_semaphore, #tpu.memory_space<semaphore_mem>> -> memref<!tpu.dma_semaphore, #tpu.memory_space<semaphore_mem>>
    tpu.enqueue_indirect_dma source(%dma_start3A_862 : memref<8192x2048xf32, #tpu.memory_space<hbm>>) target(%dma_start3A_857 : memref<8x2048xf32, #tpu.memory_space<vmem>>) offsets(%dma_start3A_859 : memref<8xi32, #tpu.memory_space<vmem>>) semaphore(%dma_start3A_864 : memref<!tpu.dma_semaphore, #tpu.memory_space<semaphore_mem>>)
    %dma_wait3A_865 = arith.constant 2 : i32
    %dma_wait3A_866 = arith.constant 4 : i32
    %dma_wait3A_867 = arith.constant 0 : i32
    %dma_wait3A_868 = arith.constant 0 : i32
    %dma_wait3A_869 = tpu.memref_slice %arg6[%dma_wait3A_865, %dma_wait3A_867, %dma_wait3A_868] : memref<3x16x2048xf32, #tpu.memory_space<vmem>> -> memref<1x16x2048xf32, #tpu.memory_space<vmem>>
    %dma_wait3A_870 = tpu.memref_squeeze %dma_wait3A_869 : memref<1x16x2048xf32, #tpu.memory_space<vmem>> -> memref<16x2048xf32, #tpu.memory_space<vmem>>
    %dma_wait3A_871 = arith.constant 0 : i32
    %dma_wait3A_872 = arith.constant 0 : i32
    %dma_wait3A_873 = tpu.memref_slice %dma_wait3A_870[%dma_wait3A_871, %dma_wait3A_872] : memref<16x2048xf32, #tpu.memory_space<vmem>> -> memref<8x2048xf32, #tpu.memory_space<vmem>>
    %dma_wait3A_874 = arith.constant 128 : i32
    %dma_wait3A_875 = tpu.memref_slice %arg5[%dma_wait3A_874] : memref<256xi32, #tpu.memory_space<vmem>> -> memref<8xi32, #tpu.memory_space<vmem>>
    %dma_wait3A_876 = arith.constant 0 : i32
    %dma_wait3A_877 = arith.constant 0 : i32
    %dma_wait3A_878 = tpu.memref_slice %arg3[%dma_wait3A_876, %dma_wait3A_877] : memref<8192x2048xf32, #tpu.memory_space<hbm>> -> memref<8192x2048xf32, #tpu.memory_space<hbm>>
    %dma_wait3A_879 = tpu.memref_slice %arg7[%dma_wait3A_866] : memref<6x!tpu.dma_semaphore, #tpu.memory_space<semaphore_mem>> -> memref<1x!tpu.dma_semaphore, #tpu.memory_space<semaphore_mem>>
    %dma_wait3A_880 = tpu.memref_squeeze %dma_wait3A_879 : memref<1x!tpu.dma_semaphore, #tpu.memory_space<semaphore_mem>> -> memref<!tpu.dma_semaphore, #tpu.memory_space<semaphore_mem>>
    tpu.wait_indirect_dma semaphore(%dma_wait3A_880 : memref<!tpu.dma_semaphore, #tpu.memory_space<semaphore_mem>>) src(%dma_wait3A_878 : memref<8192x2048xf32, #tpu.memory_space<hbm>>) dst(%dma_wait3A_873 : memref<8x2048xf32, #tpu.memory_space<vmem>>)
    %dma_start3A_881 = arith.constant 1 : i32
    %dma_start3A_882 = arith.constant 3 : i32
    %dma_start3A_883 = arith.constant 0 : i32
    %dma_start3A_884 = arith.constant 0 : i32
    %dma_start3A_885 = tpu.memref_slice %arg6[%dma_start3A_881, %dma_start3A_883, %dma_start3A_884] : memref<3x16x2048xf32, #tpu.memory_space<vmem>> -> memref<1x16x2048xf32, #tpu.memory_space<vmem>>
    %dma_start3A_886 = tpu.memref_squeeze %dma_start3A_885 : memref<1x16x2048xf32, #tpu.memory_space<vmem>> -> memref<16x2048xf32, #tpu.memory_space<vmem>>
    %dma_start3A_887 = arith.constant 8 : i32
    %dma_start3A_888 = arith.constant 0 : i32
    %dma_start3A_889 = tpu.memref_slice %dma_start3A_886[%dma_start3A_887, %dma_start3A_888] : memref<16x2048xf32, #tpu.memory_space<vmem>> -> memref<8x2048xf32, #tpu.memory_space<vmem>>
    %dma_start3A_890 = arith.constant 168 : i32
    %dma_start3A_891 = tpu.memref_slice %arg5[%dma_start3A_890] : memref<256xi32, #tpu.memory_space<vmem>> -> memref<8xi32, #tpu.memory_space<vmem>>
    %dma_start3A_892 = arith.constant 0 : i32
    %dma_start3A_893 = arith.constant 0 : i32
    %dma_start3A_894 = tpu.memref_slice %arg3[%dma_start3A_892, %dma_start3A_893] : memref<8192x2048xf32, #tpu.memory_space<hbm>> -> memref<8192x2048xf32, #tpu.memory_space<hbm>>
    %dma_start3A_895 = tpu.memref_slice %arg7[%dma_start3A_882] : memref<6x!tpu.dma_semaphore, #tpu.memory_space<semaphore_mem>> -> memref<1x!tpu.dma_semaphore, #tpu.memory_space<semaphore_mem>>
    %dma_start3A_896 = tpu.memref_squeeze %dma_start3A_895 : memref<1x!tpu.dma_semaphore, #tpu.memory_space<semaphore_mem>> -> memref<!tpu.dma_semaphore, #tpu.memory_space<semaphore_mem>>
    tpu.enqueue_indirect_dma source(%dma_start3A_894 : memref<8192x2048xf32, #tpu.memory_space<hbm>>) target(%dma_start3A_889 : memref<8x2048xf32, #tpu.memory_space<vmem>>) offsets(%dma_start3A_891 : memref<8xi32, #tpu.memory_space<vmem>>) semaphore(%dma_start3A_896 : memref<!tpu.dma_semaphore, #tpu.memory_space<semaphore_mem>>)
    %dma_wait3A_897 = arith.constant 2 : i32
    %dma_wait3A_898 = arith.constant 5 : i32
    %dma_wait3A_899 = arith.constant 0 : i32
    %dma_wait3A_900 = arith.constant 0 : i32
    %dma_wait3A_901 = tpu.memref_slice %arg6[%dma_wait3A_897, %dma_wait3A_899, %dma_wait3A_900] : memref<3x16x2048xf32, #tpu.memory_space<vmem>> -> memref<1x16x2048xf32, #tpu.memory_space<vmem>>
    %dma_wait3A_902 = tpu.memref_squeeze %dma_wait3A_901 : memref<1x16x2048xf32, #tpu.memory_space<vmem>> -> memref<16x2048xf32, #tpu.memory_space<vmem>>
    %dma_wait3A_903 = arith.constant 8 : i32
    %dma_wait3A_904 = arith.constant 0 : i32
    %dma_wait3A_905 = tpu.memref_slice %dma_wait3A_902[%dma_wait3A_903, %dma_wait3A_904] : memref<16x2048xf32, #tpu.memory_space<vmem>> -> memref<8x2048xf32, #tpu.memory_space<vmem>>
    %dma_wait3A_906 = arith.constant 136 : i32
    %dma_wait3A_907 = tpu.memref_slice %arg5[%dma_wait3A_906] : memref<256xi32, #tpu.memory_space<vmem>> -> memref<8xi32, #tpu.memory_space<vmem>>
    %dma_wait3A_908 = arith.constant 0 : i32
    %dma_wait3A_909 = arith.constant 0 : i32
    %dma_wait3A_910 = tpu.memref_slice %arg3[%dma_wait3A_908, %dma_wait3A_909] : memref<8192x2048xf32, #tpu.memory_space<hbm>> -> memref<8192x2048xf32, #tpu.memory_space<hbm>>
    %dma_wait3A_911 = tpu.memref_slice %arg7[%dma_wait3A_898] : memref<6x!tpu.dma_semaphore, #tpu.memory_space<semaphore_mem>> -> memref<1x!tpu.dma_semaphore, #tpu.memory_space<semaphore_mem>>
    %dma_wait3A_912 = tpu.memref_squeeze %dma_wait3A_911 : memref<1x!tpu.dma_semaphore, #tpu.memory_space<semaphore_mem>> -> memref<!tpu.dma_semaphore, #tpu.memory_space<semaphore_mem>>
    tpu.wait_indirect_dma semaphore(%dma_wait3A_912 : memref<!tpu.dma_semaphore, #tpu.memory_space<semaphore_mem>>) src(%dma_wait3A_910 : memref<8192x2048xf32, #tpu.memory_space<hbm>>) dst(%dma_wait3A_905 : memref<8x2048xf32, #tpu.memory_space<vmem>>)
    %add3A_913 = arith.constant 128 : i32
    %add3A_914 = arith.addi %mul3A_2, %add3A_913 : i32
    %dma_start3A_915 = arith.constant 2 : i32
    %dma_start3A_916 = arith.constant 2 : i32
    %dma_start3A_917 = arith.constant 0 : i32
    %dma_start3A_918 = arith.constant 0 : i32
    %dma_start3A_919 = tpu.memref_slice %arg6[%dma_start3A_915, %dma_start3A_917, %dma_start3A_918] : memref<3x16x2048xf32, #tpu.memory_space<vmem>> -> memref<1x16x2048xf32, #tpu.memory_space<vmem>>
    %dma_start3A_920 = tpu.memref_squeeze %dma_start3A_919 : memref<1x16x2048xf32, #tpu.memory_space<vmem>> -> memref<16x2048xf32, #tpu.memory_space<vmem>>
    %dma_start3A_921 = arith.constant 0 : i32
    %dma_start3A_922 = tpu.memref_slice %arg4[%add3A_914, %dma_start3A_921] : memref<8192x2048xf32, #tpu.memory_space<hbm>> -> memref<16x2048xf32, #tpu.memory_space<hbm>>
    %dma_start3A_923 = tpu.memref_slice %arg8[%dma_start3A_916] : memref<3x!tpu.dma_semaphore, #tpu.memory_space<semaphore_mem>> -> memref<1x!tpu.dma_semaphore, #tpu.memory_space<semaphore_mem>>
    %dma_start3A_924 = tpu.memref_squeeze %dma_start3A_923 : memref<1x!tpu.dma_semaphore, #tpu.memory_space<semaphore_mem>> -> memref<!tpu.dma_semaphore, #tpu.memory_space<semaphore_mem>>
    %dma_start3A_925 = arith.constant 0 : i32
    %dma_start3A_926 = tpu.memref_slice %arg4[%add3A_914, %dma_start3A_925] : memref<8192x2048xf32, #tpu.memory_space<hbm>> -> memref<16x2048xf32, #tpu.memory_space<hbm>>
    %dma_start3A_927 = arith.constant 0 : i32
    %dma_start3A_928 = arith.constant 0 : i32
    %dma_start3A_929 = tpu.memref_slice %arg6[%dma_start3A_915, %dma_start3A_927, %dma_start3A_928] : memref<3x16x2048xf32, #tpu.memory_space<vmem>> -> memref<1x16x2048xf32, #tpu.memory_space<vmem>>
    %dma_start3A_930 = tpu.memref_squeeze %dma_start3A_929 : memref<1x16x2048xf32, #tpu.memory_space<vmem>> -> memref<16x2048xf32, #tpu.memory_space<vmem>>
    tpu.enqueue_dma source(%dma_start3A_930 : memref<16x2048xf32, #tpu.memory_space<vmem>>) target(%dma_start3A_926 : memref<16x2048xf32, #tpu.memory_space<hbm>>) target_semaphore(%dma_start3A_924 : memref<!tpu.dma_semaphore, #tpu.memory_space<semaphore_mem>>)
    %dma_wait3A_931 = arith.constant 2 : i32
    %dma_wait3A_932 = arith.constant 2 : i32
    %dma_wait3A_933 = arith.constant 0 : i32
    %dma_wait3A_934 = arith.constant 0 : i32
    %dma_wait3A_935 = tpu.memref_slice %arg6[%dma_wait3A_931, %dma_wait3A_933, %dma_wait3A_934] : memref<3x16x2048xf32, #tpu.memory_space<vmem>> -> memref<1x16x2048xf32, #tpu.memory_space<vmem>>
    %dma_wait3A_936 = tpu.memref_squeeze %dma_wait3A_935 : memref<1x16x2048xf32, #tpu.memory_space<vmem>> -> memref<16x2048xf32, #tpu.memory_space<vmem>>
    %dma_wait3A_937 = arith.constant 0 : i32
    %dma_wait3A_938 = tpu.memref_slice %arg4[%add3A_914, %dma_wait3A_937] : memref<8192x2048xf32, #tpu.memory_space<hbm>> -> memref<16x2048xf32, #tpu.memory_space<hbm>>
    %dma_wait3A_939 = tpu.memref_slice %arg8[%dma_wait3A_932] : memref<3x!tpu.dma_semaphore, #tpu.memory_space<semaphore_mem>> -> memref<1x!tpu.dma_semaphore, #tpu.memory_space<semaphore_mem>>
    %dma_wait3A_940 = tpu.memref_squeeze %dma_wait3A_939 : memref<1x!tpu.dma_semaphore, #tpu.memory_space<semaphore_mem>> -> memref<!tpu.dma_semaphore, #tpu.memory_space<semaphore_mem>>
    %dma_wait3A_941 = arith.constant 0 : i32
    %dma_wait3A_942 = tpu.memref_slice %arg4[%add3A_914, %dma_wait3A_941] : memref<8192x2048xf32, #tpu.memory_space<hbm>> -> memref<16x2048xf32, #tpu.memory_space<hbm>>
    %dma_wait3A_943 = arith.constant 0 : i32
    %dma_wait3A_944 = arith.constant 0 : i32
    %dma_wait3A_945 = tpu.memref_slice %arg6[%dma_wait3A_931, %dma_wait3A_943, %dma_wait3A_944] : memref<3x16x2048xf32, #tpu.memory_space<vmem>> -> memref<1x16x2048xf32, #tpu.memory_space<vmem>>
    %dma_wait3A_946 = tpu.memref_squeeze %dma_wait3A_945 : memref<1x16x2048xf32, #tpu.memory_space<vmem>> -> memref<16x2048xf32, #tpu.memory_space<vmem>>
    tpu.wait_dma2 semaphore(%dma_wait3A_940 : memref<!tpu.dma_semaphore, #tpu.memory_space<semaphore_mem>>) src(%dma_wait3A_946 : memref<16x2048xf32, #tpu.memory_space<vmem>>) dst(%dma_wait3A_942 : memref<16x2048xf32, #tpu.memory_space<hbm>>)
    %dma_start3A_947 = arith.constant 2 : i32
    %dma_start3A_948 = arith.constant 4 : i32
    %dma_start3A_949 = arith.constant 0 : i32
    %dma_start3A_950 = arith.constant 0 : i32
    %dma_start3A_951 = tpu.memref_slice %arg6[%dma_start3A_947, %dma_start3A_949, %dma_start3A_950] : memref<3x16x2048xf32, #tpu.memory_space<vmem>> -> memref<1x16x2048xf32, #tpu.memory_space<vmem>>
    %dma_start3A_952 = tpu.memref_squeeze %dma_start3A_951 : memref<1x16x2048xf32, #tpu.memory_space<vmem>> -> memref<16x2048xf32, #tpu.memory_space<vmem>>
    %dma_start3A_953 = arith.constant 0 : i32
    %dma_start3A_954 = arith.constant 0 : i32
    %dma_start3A_955 = tpu.memref_slice %dma_start3A_952[%dma_start3A_953, %dma_start3A_954] : memref<16x2048xf32, #tpu.memory_space<vmem>> -> memref<8x2048xf32, #tpu.memory_space<vmem>>
    %dma_start3A_956 = arith.constant 176 : i32
    %dma_start3A_957 = tpu.memref_slice %arg5[%dma_start3A_956] : memref<256xi32, #tpu.memory_space<vmem>> -> memref<8xi32, #tpu.memory_space<vmem>>
    %dma_start3A_958 = arith.constant 0 : i32
    %dma_start3A_959 = arith.constant 0 : i32
    %dma_start3A_960 = tpu.memref_slice %arg3[%dma_start3A_958, %dma_start3A_959] : memref<8192x2048xf32, #tpu.memory_space<hbm>> -> memref<8192x2048xf32, #tpu.memory_space<hbm>>
    %dma_start3A_961 = tpu.memref_slice %arg7[%dma_start3A_948] : memref<6x!tpu.dma_semaphore, #tpu.memory_space<semaphore_mem>> -> memref<1x!tpu.dma_semaphore, #tpu.memory_space<semaphore_mem>>
    %dma_start3A_962 = tpu.memref_squeeze %dma_start3A_961 : memref<1x!tpu.dma_semaphore, #tpu.memory_space<semaphore_mem>> -> memref<!tpu.dma_semaphore, #tpu.memory_space<semaphore_mem>>
    tpu.enqueue_indirect_dma source(%dma_start3A_960 : memref<8192x2048xf32, #tpu.memory_space<hbm>>) target(%dma_start3A_955 : memref<8x2048xf32, #tpu.memory_space<vmem>>) offsets(%dma_start3A_957 : memref<8xi32, #tpu.memory_space<vmem>>) semaphore(%dma_start3A_962 : memref<!tpu.dma_semaphore, #tpu.memory_space<semaphore_mem>>)
    %dma_wait3A_963 = arith.constant 0 : i32
    %dma_wait3A_964 = arith.constant 0 : i32
    %dma_wait3A_965 = arith.constant 0 : i32
    %dma_wait3A_966 = arith.constant 0 : i32
    %dma_wait3A_967 = tpu.memref_slice %arg6[%dma_wait3A_963, %dma_wait3A_965, %dma_wait3A_966] : memref<3x16x2048xf32, #tpu.memory_space<vmem>> -> memref<1x16x2048xf32, #tpu.memory_space<vmem>>
    %dma_wait3A_968 = tpu.memref_squeeze %dma_wait3A_967 : memref<1x16x2048xf32, #tpu.memory_space<vmem>> -> memref<16x2048xf32, #tpu.memory_space<vmem>>
    %dma_wait3A_969 = arith.constant 0 : i32
    %dma_wait3A_970 = arith.constant 0 : i32
    %dma_wait3A_971 = tpu.memref_slice %dma_wait3A_968[%dma_wait3A_969, %dma_wait3A_970] : memref<16x2048xf32, #tpu.memory_space<vmem>> -> memref<8x2048xf32, #tpu.memory_space<vmem>>
    %dma_wait3A_972 = arith.constant 144 : i32
    %dma_wait3A_973 = tpu.memref_slice %arg5[%dma_wait3A_972] : memref<256xi32, #tpu.memory_space<vmem>> -> memref<8xi32, #tpu.memory_space<vmem>>
    %dma_wait3A_974 = arith.constant 0 : i32
    %dma_wait3A_975 = arith.constant 0 : i32
    %dma_wait3A_976 = tpu.memref_slice %arg3[%dma_wait3A_974, %dma_wait3A_975] : memref<8192x2048xf32, #tpu.memory_space<hbm>> -> memref<8192x2048xf32, #tpu.memory_space<hbm>>
    %dma_wait3A_977 = tpu.memref_slice %arg7[%dma_wait3A_964] : memref<6x!tpu.dma_semaphore, #tpu.memory_space<semaphore_mem>> -> memref<1x!tpu.dma_semaphore, #tpu.memory_space<semaphore_mem>>
    %dma_wait3A_978 = tpu.memref_squeeze %dma_wait3A_977 : memref<1x!tpu.dma_semaphore, #tpu.memory_space<semaphore_mem>> -> memref<!tpu.dma_semaphore, #tpu.memory_space<semaphore_mem>>
    tpu.wait_indirect_dma semaphore(%dma_wait3A_978 : memref<!tpu.dma_semaphore, #tpu.memory_space<semaphore_mem>>) src(%dma_wait3A_976 : memref<8192x2048xf32, #tpu.memory_space<hbm>>) dst(%dma_wait3A_971 : memref<8x2048xf32, #tpu.memory_space<vmem>>)
    %dma_start3A_979 = arith.constant 2 : i32
    %dma_start3A_980 = arith.constant 5 : i32
    %dma_start3A_981 = arith.constant 0 : i32
    %dma_start3A_982 = arith.constant 0 : i32
    %dma_start3A_983 = tpu.memref_slice %arg6[%dma_start3A_979, %dma_start3A_981, %dma_start3A_982] : memref<3x16x2048xf32, #tpu.memory_space<vmem>> -> memref<1x16x2048xf32, #tpu.memory_space<vmem>>
    %dma_start3A_984 = tpu.memref_squeeze %dma_start3A_983 : memref<1x16x2048xf32, #tpu.memory_space<vmem>> -> memref<16x2048xf32, #tpu.memory_space<vmem>>
    %dma_start3A_985 = arith.constant 8 : i32
    %dma_start3A_986 = arith.constant 0 : i32
    %dma_start3A_987 = tpu.memref_slice %dma_start3A_984[%dma_start3A_985, %dma_start3A_986] : memref<16x2048xf32, #tpu.memory_space<vmem>> -> memref<8x2048xf32, #tpu.memory_space<vmem>>
    %dma_start3A_988 = arith.constant 184 : i32
    %dma_start3A_989 = tpu.memref_slice %arg5[%dma_start3A_988] : memref<256xi32, #tpu.memory_space<vmem>> -> memref<8xi32, #tpu.memory_space<vmem>>
    %dma_start3A_990 = arith.constant 0 : i32
    %dma_start3A_991 = arith.constant 0 : i32
    %dma_start3A_992 = tpu.memref_slice %arg3[%dma_start3A_990, %dma_start3A_991] : memref<8192x2048xf32, #tpu.memory_space<hbm>> -> memref<8192x2048xf32, #tpu.memory_space<hbm>>
    %dma_start3A_993 = tpu.memref_slice %arg7[%dma_start3A_980] : memref<6x!tpu.dma_semaphore, #tpu.memory_space<semaphore_mem>> -> memref<1x!tpu.dma_semaphore, #tpu.memory_space<semaphore_mem>>
    %dma_start3A_994 = tpu.memref_squeeze %dma_start3A_993 : memref<1x!tpu.dma_semaphore, #tpu.memory_space<semaphore_mem>> -> memref<!tpu.dma_semaphore, #tpu.memory_space<semaphore_mem>>
    tpu.enqueue_indirect_dma source(%dma_start3A_992 : memref<8192x2048xf32, #tpu.memory_space<hbm>>) target(%dma_start3A_987 : memref<8x2048xf32, #tpu.memory_space<vmem>>) offsets(%dma_start3A_989 : memref<8xi32, #tpu.memory_space<vmem>>) semaphore(%dma_start3A_994 : memref<!tpu.dma_semaphore, #tpu.memory_space<semaphore_mem>>)
    %dma_wait3A_995 = arith.constant 0 : i32
    %dma_wait3A_996 = arith.constant 1 : i32
    %dma_wait3A_997 = arith.constant 0 : i32
    %dma_wait3A_998 = arith.constant 0 : i32
    %dma_wait3A_999 = tpu.memref_slice %arg6[%dma_wait3A_995, %dma_wait3A_997, %dma_wait3A_998] : memref<3x16x2048xf32, #tpu.memory_space<vmem>> -> memref<1x16x2048xf32, #tpu.memory_space<vmem>>
    %dma_wait3A_1000 = tpu.memref_squeeze %dma_wait3A_999 : memref<1x16x2048xf32, #tpu.memory_space<vmem>> -> memref<16x2048xf32, #tpu.memory_space<vmem>>
    %dma_wait3A_1001 = arith.constant 8 : i32
    %dma_wait3A_1002 = arith.constant 0 : i32
    %dma_wait3A_1003 = tpu.memref_slice %dma_wait3A_1000[%dma_wait3A_1001, %dma_wait3A_1002] : memref<16x2048xf32, #tpu.memory_space<vmem>> -> memref<8x2048xf32, #tpu.memory_space<vmem>>
    %dma_wait3A_1004 = arith.constant 152 : i32
    %dma_wait3A_1005 = tpu.memref_slice %arg5[%dma_wait3A_1004] : memref<256xi32, #tpu.memory_space<vmem>> -> memref<8xi32, #tpu.memory_space<vmem>>
    %dma_wait3A_1006 = arith.constant 0 : i32
    %dma_wait3A_1007 = arith.constant 0 : i32
    %dma_wait3A_1008 = tpu.memref_slice %arg3[%dma_wait3A_1006, %dma_wait3A_1007] : memref<8192x2048xf32, #tpu.memory_space<hbm>> -> memref<8192x2048xf32, #tpu.memory_space<hbm>>
    %dma_wait3A_1009 = tpu.memref_slice %arg7[%dma_wait3A_996] : memref<6x!tpu.dma_semaphore, #tpu.memory_space<semaphore_mem>> -> memref<1x!tpu.dma_semaphore, #tpu.memory_space<semaphore_mem>>
    %dma_wait3A_1010 = tpu.memref_squeeze %dma_wait3A_1009 : memref<1x!tpu.dma_semaphore, #tpu.memory_space<semaphore_mem>> -> memref<!tpu.dma_semaphore, #tpu.memory_space<semaphore_mem>>
    tpu.wait_indirect_dma semaphore(%dma_wait3A_1010 : memref<!tpu.dma_semaphore, #tpu.memory_space<semaphore_mem>>) src(%dma_wait3A_1008 : memref<8192x2048xf32, #tpu.memory_space<hbm>>) dst(%dma_wait3A_1003 : memref<8x2048xf32, #tpu.memory_space<vmem>>)
    %add3A_1011 = arith.constant 144 : i32
    %add3A_1012 = arith.addi %mul3A_2, %add3A_1011 : i32
    %dma_start3A_1013 = arith.constant 0 : i32
    %dma_start3A_1014 = arith.constant 0 : i32
    %dma_start3A_1015 = arith.constant 0 : i32
    %dma_start3A_1016 = arith.constant 0 : i32
    %dma_start3A_1017 = tpu.memref_slice %arg6[%dma_start3A_1013, %dma_start3A_1015, %dma_start3A_1016] : memref<3x16x2048xf32, #tpu.memory_space<vmem>> -> memref<1x16x2048xf32, #tpu.memory_space<vmem>>
    %dma_start3A_1018 = tpu.memref_squeeze %dma_start3A_1017 : memref<1x16x2048xf32, #tpu.memory_space<vmem>> -> memref<16x2048xf32, #tpu.memory_space<vmem>>
    %dma_start3A_1019 = arith.constant 0 : i32
    %dma_start3A_1020 = tpu.memref_slice %arg4[%add3A_1012, %dma_start3A_1019] : memref<8192x2048xf32, #tpu.memory_space<hbm>> -> memref<16x2048xf32, #tpu.memory_space<hbm>>
    %dma_start3A_1021 = tpu.memref_slice %arg8[%dma_start3A_1014] : memref<3x!tpu.dma_semaphore, #tpu.memory_space<semaphore_mem>> -> memref<1x!tpu.dma_semaphore, #tpu.memory_space<semaphore_mem>>
    %dma_start3A_1022 = tpu.memref_squeeze %dma_start3A_1021 : memref<1x!tpu.dma_semaphore, #tpu.memory_space<semaphore_mem>> -> memref<!tpu.dma_semaphore, #tpu.memory_space<semaphore_mem>>
    %dma_start3A_1023 = arith.constant 0 : i32
    %dma_start3A_1024 = tpu.memref_slice %arg4[%add3A_1012, %dma_start3A_1023] : memref<8192x2048xf32, #tpu.memory_space<hbm>> -> memref<16x2048xf32, #tpu.memory_space<hbm>>
    %dma_start3A_1025 = arith.constant 0 : i32
    %dma_start3A_1026 = arith.constant 0 : i32
    %dma_start3A_1027 = tpu.memref_slice %arg6[%dma_start3A_1013, %dma_start3A_1025, %dma_start3A_1026] : memref<3x16x2048xf32, #tpu.memory_space<vmem>> -> memref<1x16x2048xf32, #tpu.memory_space<vmem>>
    %dma_start3A_1028 = tpu.memref_squeeze %dma_start3A_1027 : memref<1x16x2048xf32, #tpu.memory_space<vmem>> -> memref<16x2048xf32, #tpu.memory_space<vmem>>
    tpu.enqueue_dma source(%dma_start3A_1028 : memref<16x2048xf32, #tpu.memory_space<vmem>>) target(%dma_start3A_1024 : memref<16x2048xf32, #tpu.memory_space<hbm>>) target_semaphore(%dma_start3A_1022 : memref<!tpu.dma_semaphore, #tpu.memory_space<semaphore_mem>>)
    %dma_wait3A_1029 = arith.constant 0 : i32
    %dma_wait3A_1030 = arith.constant 0 : i32
    %dma_wait3A_1031 = arith.constant 0 : i32
    %dma_wait3A_1032 = arith.constant 0 : i32
    %dma_wait3A_1033 = tpu.memref_slice %arg6[%dma_wait3A_1029, %dma_wait3A_1031, %dma_wait3A_1032] : memref<3x16x2048xf32, #tpu.memory_space<vmem>> -> memref<1x16x2048xf32, #tpu.memory_space<vmem>>
    %dma_wait3A_1034 = tpu.memref_squeeze %dma_wait3A_1033 : memref<1x16x2048xf32, #tpu.memory_space<vmem>> -> memref<16x2048xf32, #tpu.memory_space<vmem>>
    %dma_wait3A_1035 = arith.constant 0 : i32
    %dma_wait3A_1036 = tpu.memref_slice %arg4[%add3A_1012, %dma_wait3A_1035] : memref<8192x2048xf32, #tpu.memory_space<hbm>> -> memref<16x2048xf32, #tpu.memory_space<hbm>>
    %dma_wait3A_1037 = tpu.memref_slice %arg8[%dma_wait3A_1030] : memref<3x!tpu.dma_semaphore, #tpu.memory_space<semaphore_mem>> -> memref<1x!tpu.dma_semaphore, #tpu.memory_space<semaphore_mem>>
    %dma_wait3A_1038 = tpu.memref_squeeze %dma_wait3A_1037 : memref<1x!tpu.dma_semaphore, #tpu.memory_space<semaphore_mem>> -> memref<!tpu.dma_semaphore, #tpu.memory_space<semaphore_mem>>
    %dma_wait3A_1039 = arith.constant 0 : i32
    %dma_wait3A_1040 = tpu.memref_slice %arg4[%add3A_1012, %dma_wait3A_1039] : memref<8192x2048xf32, #tpu.memory_space<hbm>> -> memref<16x2048xf32, #tpu.memory_space<hbm>>
    %dma_wait3A_1041 = arith.constant 0 : i32
    %dma_wait3A_1042 = arith.constant 0 : i32
    %dma_wait3A_1043 = tpu.memref_slice %arg6[%dma_wait3A_1029, %dma_wait3A_1041, %dma_wait3A_1042] : memref<3x16x2048xf32, #tpu.memory_space<vmem>> -> memref<1x16x2048xf32, #tpu.memory_space<vmem>>
    %dma_wait3A_1044 = tpu.memref_squeeze %dma_wait3A_1043 : memref<1x16x2048xf32, #tpu.memory_space<vmem>> -> memref<16x2048xf32, #tpu.memory_space<vmem>>
    tpu.wait_dma2 semaphore(%dma_wait3A_1038 : memref<!tpu.dma_semaphore, #tpu.memory_space<semaphore_mem>>) src(%dma_wait3A_1044 : memref<16x2048xf32, #tpu.memory_space<vmem>>) dst(%dma_wait3A_1040 : memref<16x2048xf32, #tpu.memory_space<hbm>>)
    %dma_start3A_1045 = arith.constant 0 : i32
    %dma_start3A_1046 = arith.constant 0 : i32
    %dma_start3A_1047 = arith.constant 0 : i32
    %dma_start3A_1048 = arith.constant 0 : i32
    %dma_start3A_1049 = tpu.memref_slice %arg6[%dma_start3A_1045, %dma_start3A_1047, %dma_start3A_1048] : memref<3x16x2048xf32, #tpu.memory_space<vmem>> -> memref<1x16x2048xf32, #tpu.memory_space<vmem>>
    %dma_start3A_1050 = tpu.memref_squeeze %dma_start3A_1049 : memref<1x16x2048xf32, #tpu.memory_space<vmem>> -> memref<16x2048xf32, #tpu.memory_space<vmem>>
    %dma_start3A_1051 = arith.constant 0 : i32
    %dma_start3A_1052 = arith.constant 0 : i32
    %dma_start3A_1053 = tpu.memref_slice %dma_start3A_1050[%dma_start3A_1051, %dma_start3A_1052] : memref<16x2048xf32, #tpu.memory_space<vmem>> -> memref<8x2048xf32, #tpu.memory_space<vmem>>
    %dma_start3A_1054 = arith.constant 192 : i32
    %dma_start3A_1055 = tpu.memref_slice %arg5[%dma_start3A_1054] : memref<256xi32, #tpu.memory_space<vmem>> -> memref<8xi32, #tpu.memory_space<vmem>>
    %dma_start3A_1056 = arith.constant 0 : i32
    %dma_start3A_1057 = arith.constant 0 : i32
    %dma_start3A_1058 = tpu.memref_slice %arg3[%dma_start3A_1056, %dma_start3A_1057] : memref<8192x2048xf32, #tpu.memory_space<hbm>> -> memref<8192x2048xf32, #tpu.memory_space<hbm>>
    %dma_start3A_1059 = tpu.memref_slice %arg7[%dma_start3A_1046] : memref<6x!tpu.dma_semaphore, #tpu.memory_space<semaphore_mem>> -> memref<1x!tpu.dma_semaphore, #tpu.memory_space<semaphore_mem>>
    %dma_start3A_1060 = tpu.memref_squeeze %dma_start3A_1059 : memref<1x!tpu.dma_semaphore, #tpu.memory_space<semaphore_mem>> -> memref<!tpu.dma_semaphore, #tpu.memory_space<semaphore_mem>>
    tpu.enqueue_indirect_dma source(%dma_start3A_1058 : memref<8192x2048xf32, #tpu.memory_space<hbm>>) target(%dma_start3A_1053 : memref<8x2048xf32, #tpu.memory_space<vmem>>) offsets(%dma_start3A_1055 : memref<8xi32, #tpu.memory_space<vmem>>) semaphore(%dma_start3A_1060 : memref<!tpu.dma_semaphore, #tpu.memory_space<semaphore_mem>>)
    %dma_wait3A_1061 = arith.constant 1 : i32
    %dma_wait3A_1062 = arith.constant 2 : i32
    %dma_wait3A_1063 = arith.constant 0 : i32
    %dma_wait3A_1064 = arith.constant 0 : i32
    %dma_wait3A_1065 = tpu.memref_slice %arg6[%dma_wait3A_1061, %dma_wait3A_1063, %dma_wait3A_1064] : memref<3x16x2048xf32, #tpu.memory_space<vmem>> -> memref<1x16x2048xf32, #tpu.memory_space<vmem>>
    %dma_wait3A_1066 = tpu.memref_squeeze %dma_wait3A_1065 : memref<1x16x2048xf32, #tpu.memory_space<vmem>> -> memref<16x2048xf32, #tpu.memory_space<vmem>>
    %dma_wait3A_1067 = arith.constant 0 : i32
    %dma_wait3A_1068 = arith.constant 0 : i32
    %dma_wait3A_1069 = tpu.memref_slice %dma_wait3A_1066[%dma_wait3A_1067, %dma_wait3A_1068] : memref<16x2048xf32, #tpu.memory_space<vmem>> -> memref<8x2048xf32, #tpu.memory_space<vmem>>
    %dma_wait3A_1070 = arith.constant 160 : i32
    %dma_wait3A_1071 = tpu.memref_slice %arg5[%dma_wait3A_1070] : memref<256xi32, #tpu.memory_space<vmem>> -> memref<8xi32, #tpu.memory_space<vmem>>
    %dma_wait3A_1072 = arith.constant 0 : i32
    %dma_wait3A_1073 = arith.constant 0 : i32
    %dma_wait3A_1074 = tpu.memref_slice %arg3[%dma_wait3A_1072, %dma_wait3A_1073] : memref<8192x2048xf32, #tpu.memory_space<hbm>> -> memref<8192x2048xf32, #tpu.memory_space<hbm>>
    %dma_wait3A_1075 = tpu.memref_slice %arg7[%dma_wait3A_1062] : memref<6x!tpu.dma_semaphore, #tpu.memory_space<semaphore_mem>> -> memref<1x!tpu.dma_semaphore, #tpu.memory_space<semaphore_mem>>
    %dma_wait3A_1076 = tpu.memref_squeeze %dma_wait3A_1075 : memref<1x!tpu.dma_semaphore, #tpu.memory_space<semaphore_mem>> -> memref<!tpu.dma_semaphore, #tpu.memory_space<semaphore_mem>>
    tpu.wait_indirect_dma semaphore(%dma_wait3A_1076 : memref<!tpu.dma_semaphore, #tpu.memory_space<semaphore_mem>>) src(%dma_wait3A_1074 : memref<8192x2048xf32, #tpu.memory_space<hbm>>) dst(%dma_wait3A_1069 : memref<8x2048xf32, #tpu.memory_space<vmem>>)
    %dma_start3A_1077 = arith.constant 0 : i32
    %dma_start3A_1078 = arith.constant 1 : i32
    %dma_start3A_1079 = arith.constant 0 : i32
    %dma_start3A_1080 = arith.constant 0 : i32
    %dma_start3A_1081 = tpu.memref_slice %arg6[%dma_start3A_1077, %dma_start3A_1079, %dma_start3A_1080] : memref<3x16x2048xf32, #tpu.memory_space<vmem>> -> memref<1x16x2048xf32, #tpu.memory_space<vmem>>
    %dma_start3A_1082 = tpu.memref_squeeze %dma_start3A_1081 : memref<1x16x2048xf32, #tpu.memory_space<vmem>> -> memref<16x2048xf32, #tpu.memory_space<vmem>>
    %dma_start3A_1083 = arith.constant 8 : i32
    %dma_start3A_1084 = arith.constant 0 : i32
    %dma_start3A_1085 = tpu.memref_slice %dma_start3A_1082[%dma_start3A_1083, %dma_start3A_1084] : memref<16x2048xf32, #tpu.memory_space<vmem>> -> memref<8x2048xf32, #tpu.memory_space<vmem>>
    %dma_start3A_1086 = arith.constant 200 : i32
    %dma_start3A_1087 = tpu.memref_slice %arg5[%dma_start3A_1086] : memref<256xi32, #tpu.memory_space<vmem>> -> memref<8xi32, #tpu.memory_space<vmem>>
    %dma_start3A_1088 = arith.constant 0 : i32
    %dma_start3A_1089 = arith.constant 0 : i32
    %dma_start3A_1090 = tpu.memref_slice %arg3[%dma_start3A_1088, %dma_start3A_1089] : memref<8192x2048xf32, #tpu.memory_space<hbm>> -> memref<8192x2048xf32, #tpu.memory_space<hbm>>
    %dma_start3A_1091 = tpu.memref_slice %arg7[%dma_start3A_1078] : memref<6x!tpu.dma_semaphore, #tpu.memory_space<semaphore_mem>> -> memref<1x!tpu.dma_semaphore, #tpu.memory_space<semaphore_mem>>
    %dma_start3A_1092 = tpu.memref_squeeze %dma_start3A_1091 : memref<1x!tpu.dma_semaphore, #tpu.memory_space<semaphore_mem>> -> memref<!tpu.dma_semaphore, #tpu.memory_space<semaphore_mem>>
    tpu.enqueue_indirect_dma source(%dma_start3A_1090 : memref<8192x2048xf32, #tpu.memory_space<hbm>>) target(%dma_start3A_1085 : memref<8x2048xf32, #tpu.memory_space<vmem>>) offsets(%dma_start3A_1087 : memref<8xi32, #tpu.memory_space<vmem>>) semaphore(%dma_start3A_1092 : memref<!tpu.dma_semaphore, #tpu.memory_space<semaphore_mem>>)
    %dma_wait3A_1093 = arith.constant 1 : i32
    %dma_wait3A_1094 = arith.constant 3 : i32
    %dma_wait3A_1095 = arith.constant 0 : i32
    %dma_wait3A_1096 = arith.constant 0 : i32
    %dma_wait3A_1097 = tpu.memref_slice %arg6[%dma_wait3A_1093, %dma_wait3A_1095, %dma_wait3A_1096] : memref<3x16x2048xf32, #tpu.memory_space<vmem>> -> memref<1x16x2048xf32, #tpu.memory_space<vmem>>
    %dma_wait3A_1098 = tpu.memref_squeeze %dma_wait3A_1097 : memref<1x16x2048xf32, #tpu.memory_space<vmem>> -> memref<16x2048xf32, #tpu.memory_space<vmem>>
    %dma_wait3A_1099 = arith.constant 8 : i32
    %dma_wait3A_1100 = arith.constant 0 : i32
    %dma_wait3A_1101 = tpu.memref_slice %dma_wait3A_1098[%dma_wait3A_1099, %dma_wait3A_1100] : memref<16x2048xf32, #tpu.memory_space<vmem>> -> memref<8x2048xf32, #tpu.memory_space<vmem>>
    %dma_wait3A_1102 = arith.constant 168 : i32
    %dma_wait3A_1103 = tpu.memref_slice %arg5[%dma_wait3A_1102] : memref<256xi32, #tpu.memory_space<vmem>> -> memref<8xi32, #tpu.memory_space<vmem>>
    %dma_wait3A_1104 = arith.constant 0 : i32
    %dma_wait3A_1105 = arith.constant 0 : i32
    %dma_wait3A_1106 = tpu.memref_slice %arg3[%dma_wait3A_1104, %dma_wait3A_1105] : memref<8192x2048xf32, #tpu.memory_space<hbm>> -> memref<8192x2048xf32, #tpu.memory_space<hbm>>
    %dma_wait3A_1107 = tpu.memref_slice %arg7[%dma_wait3A_1094] : memref<6x!tpu.dma_semaphore, #tpu.memory_space<semaphore_mem>> -> memref<1x!tpu.dma_semaphore, #tpu.memory_space<semaphore_mem>>
    %dma_wait3A_1108 = tpu.memref_squeeze %dma_wait3A_1107 : memref<1x!tpu.dma_semaphore, #tpu.memory_space<semaphore_mem>> -> memref<!tpu.dma_semaphore, #tpu.memory_space<semaphore_mem>>
    tpu.wait_indirect_dma semaphore(%dma_wait3A_1108 : memref<!tpu.dma_semaphore, #tpu.memory_space<semaphore_mem>>) src(%dma_wait3A_1106 : memref<8192x2048xf32, #tpu.memory_space<hbm>>) dst(%dma_wait3A_1101 : memref<8x2048xf32, #tpu.memory_space<vmem>>)
    %add3A_1109 = arith.constant 160 : i32
    %add3A_1110 = arith.addi %mul3A_2, %add3A_1109 : i32
    %dma_start3A_1111 = arith.constant 1 : i32
    %dma_start3A_1112 = arith.constant 1 : i32
    %dma_start3A_1113 = arith.constant 0 : i32
    %dma_start3A_1114 = arith.constant 0 : i32
    %dma_start3A_1115 = tpu.memref_slice %arg6[%dma_start3A_1111, %dma_start3A_1113, %dma_start3A_1114] : memref<3x16x2048xf32, #tpu.memory_space<vmem>> -> memref<1x16x2048xf32, #tpu.memory_space<vmem>>
    %dma_start3A_1116 = tpu.memref_squeeze %dma_start3A_1115 : memref<1x16x2048xf32, #tpu.memory_space<vmem>> -> memref<16x2048xf32, #tpu.memory_space<vmem>>
    %dma_start3A_1117 = arith.constant 0 : i32
    %dma_start3A_1118 = tpu.memref_slice %arg4[%add3A_1110, %dma_start3A_1117] : memref<8192x2048xf32, #tpu.memory_space<hbm>> -> memref<16x2048xf32, #tpu.memory_space<hbm>>
    %dma_start3A_1119 = tpu.memref_slice %arg8[%dma_start3A_1112] : memref<3x!tpu.dma_semaphore, #tpu.memory_space<semaphore_mem>> -> memref<1x!tpu.dma_semaphore, #tpu.memory_space<semaphore_mem>>
    %dma_start3A_1120 = tpu.memref_squeeze %dma_start3A_1119 : memref<1x!tpu.dma_semaphore, #tpu.memory_space<semaphore_mem>> -> memref<!tpu.dma_semaphore, #tpu.memory_space<semaphore_mem>>
    %dma_start3A_1121 = arith.constant 0 : i32
    %dma_start3A_1122 = tpu.memref_slice %arg4[%add3A_1110, %dma_start3A_1121] : memref<8192x2048xf32, #tpu.memory_space<hbm>> -> memref<16x2048xf32, #tpu.memory_space<hbm>>
    %dma_start3A_1123 = arith.constant 0 : i32
    %dma_start3A_1124 = arith.constant 0 : i32
    %dma_start3A_1125 = tpu.memref_slice %arg6[%dma_start3A_1111, %dma_start3A_1123, %dma_start3A_1124] : memref<3x16x2048xf32, #tpu.memory_space<vmem>> -> memref<1x16x2048xf32, #tpu.memory_space<vmem>>
    %dma_start3A_1126 = tpu.memref_squeeze %dma_start3A_1125 : memref<1x16x2048xf32, #tpu.memory_space<vmem>> -> memref<16x2048xf32, #tpu.memory_space<vmem>>
    tpu.enqueue_dma source(%dma_start3A_1126 : memref<16x2048xf32, #tpu.memory_space<vmem>>) target(%dma_start3A_1122 : memref<16x2048xf32, #tpu.memory_space<hbm>>) target_semaphore(%dma_start3A_1120 : memref<!tpu.dma_semaphore, #tpu.memory_space<semaphore_mem>>)
    %dma_wait3A_1127 = arith.constant 1 : i32
    %dma_wait3A_1128 = arith.constant 1 : i32
    %dma_wait3A_1129 = arith.constant 0 : i32
    %dma_wait3A_1130 = arith.constant 0 : i32
    %dma_wait3A_1131 = tpu.memref_slice %arg6[%dma_wait3A_1127, %dma_wait3A_1129, %dma_wait3A_1130] : memref<3x16x2048xf32, #tpu.memory_space<vmem>> -> memref<1x16x2048xf32, #tpu.memory_space<vmem>>
    %dma_wait3A_1132 = tpu.memref_squeeze %dma_wait3A_1131 : memref<1x16x2048xf32, #tpu.memory_space<vmem>> -> memref<16x2048xf32, #tpu.memory_space<vmem>>
    %dma_wait3A_1133 = arith.constant 0 : i32
    %dma_wait3A_1134 = tpu.memref_slice %arg4[%add3A_1110, %dma_wait3A_1133] : memref<8192x2048xf32, #tpu.memory_space<hbm>> -> memref<16x2048xf32, #tpu.memory_space<hbm>>
    %dma_wait3A_1135 = tpu.memref_slice %arg8[%dma_wait3A_1128] : memref<3x!tpu.dma_semaphore, #tpu.memory_space<semaphore_mem>> -> memref<1x!tpu.dma_semaphore, #tpu.memory_space<semaphore_mem>>
    %dma_wait3A_1136 = tpu.memref_squeeze %dma_wait3A_1135 : memref<1x!tpu.dma_semaphore, #tpu.memory_space<semaphore_mem>> -> memref<!tpu.dma_semaphore, #tpu.memory_space<semaphore_mem>>
    %dma_wait3A_1137 = arith.constant 0 : i32
    %dma_wait3A_1138 = tpu.memref_slice %arg4[%add3A_1110, %dma_wait3A_1137] : memref<8192x2048xf32, #tpu.memory_space<hbm>> -> memref<16x2048xf32, #tpu.memory_space<hbm>>
    %dma_wait3A_1139 = arith.constant 0 : i32
    %dma_wait3A_1140 = arith.constant 0 : i32
    %dma_wait3A_1141 = tpu.memref_slice %arg6[%dma_wait3A_1127, %dma_wait3A_1139, %dma_wait3A_1140] : memref<3x16x2048xf32, #tpu.memory_space<vmem>> -> memref<1x16x2048xf32, #tpu.memory_space<vmem>>
    %dma_wait3A_1142 = tpu.memref_squeeze %dma_wait3A_1141 : memref<1x16x2048xf32, #tpu.memory_space<vmem>> -> memref<16x2048xf32, #tpu.memory_space<vmem>>
    tpu.wait_dma2 semaphore(%dma_wait3A_1136 : memref<!tpu.dma_semaphore, #tpu.memory_space<semaphore_mem>>) src(%dma_wait3A_1142 : memref<16x2048xf32, #tpu.memory_space<vmem>>) dst(%dma_wait3A_1138 : memref<16x2048xf32, #tpu.memory_space<hbm>>)
    %dma_start3A_1143 = arith.constant 1 : i32
    %dma_start3A_1144 = arith.constant 2 : i32
    %dma_start3A_1145 = arith.constant 0 : i32
    %dma_start3A_1146 = arith.constant 0 : i32
    %dma_start3A_1147 = tpu.memref_slice %arg6[%dma_start3A_1143, %dma_start3A_1145, %dma_start3A_1146] : memref<3x16x2048xf32, #tpu.memory_space<vmem>> -> memref<1x16x2048xf32, #tpu.memory_space<vmem>>
    %dma_start3A_1148 = tpu.memref_squeeze %dma_start3A_1147 : memref<1x16x2048xf32, #tpu.memory_space<vmem>> -> memref<16x2048xf32, #tpu.memory_space<vmem>>
    %dma_start3A_1149 = arith.constant 0 : i32
    %dma_start3A_1150 = arith.constant 0 : i32
    %dma_start3A_1151 = tpu.memref_slice %dma_start3A_1148[%dma_start3A_1149, %dma_start3A_1150] : memref<16x2048xf32, #tpu.memory_space<vmem>> -> memref<8x2048xf32, #tpu.memory_space<vmem>>
    %dma_start3A_1152 = arith.constant 208 : i32
    %dma_start3A_1153 = tpu.memref_slice %arg5[%dma_start3A_1152] : memref<256xi32, #tpu.memory_space<vmem>> -> memref<8xi32, #tpu.memory_space<vmem>>
    %dma_start3A_1154 = arith.constant 0 : i32
    %dma_start3A_1155 = arith.constant 0 : i32
    %dma_start3A_1156 = tpu.memref_slice %arg3[%dma_start3A_1154, %dma_start3A_1155] : memref<8192x2048xf32, #tpu.memory_space<hbm>> -> memref<8192x2048xf32, #tpu.memory_space<hbm>>
    %dma_start3A_1157 = tpu.memref_slice %arg7[%dma_start3A_1144] : memref<6x!tpu.dma_semaphore, #tpu.memory_space<semaphore_mem>> -> memref<1x!tpu.dma_semaphore, #tpu.memory_space<semaphore_mem>>
    %dma_start3A_1158 = tpu.memref_squeeze %dma_start3A_1157 : memref<1x!tpu.dma_semaphore, #tpu.memory_space<semaphore_mem>> -> memref<!tpu.dma_semaphore, #tpu.memory_space<semaphore_mem>>
    tpu.enqueue_indirect_dma source(%dma_start3A_1156 : memref<8192x2048xf32, #tpu.memory_space<hbm>>) target(%dma_start3A_1151 : memref<8x2048xf32, #tpu.memory_space<vmem>>) offsets(%dma_start3A_1153 : memref<8xi32, #tpu.memory_space<vmem>>) semaphore(%dma_start3A_1158 : memref<!tpu.dma_semaphore, #tpu.memory_space<semaphore_mem>>)
    %dma_wait3A_1159 = arith.constant 2 : i32
    %dma_wait3A_1160 = arith.constant 4 : i32
    %dma_wait3A_1161 = arith.constant 0 : i32
    %dma_wait3A_1162 = arith.constant 0 : i32
    %dma_wait3A_1163 = tpu.memref_slice %arg6[%dma_wait3A_1159, %dma_wait3A_1161, %dma_wait3A_1162] : memref<3x16x2048xf32, #tpu.memory_space<vmem>> -> memref<1x16x2048xf32, #tpu.memory_space<vmem>>
    %dma_wait3A_1164 = tpu.memref_squeeze %dma_wait3A_1163 : memref<1x16x2048xf32, #tpu.memory_space<vmem>> -> memref<16x2048xf32, #tpu.memory_space<vmem>>
    %dma_wait3A_1165 = arith.constant 0 : i32
    %dma_wait3A_1166 = arith.constant 0 : i32
    %dma_wait3A_1167 = tpu.memref_slice %dma_wait3A_1164[%dma_wait3A_1165, %dma_wait3A_1166] : memref<16x2048xf32, #tpu.memory_space<vmem>> -> memref<8x2048xf32, #tpu.memory_space<vmem>>
    %dma_wait3A_1168 = arith.constant 176 : i32
    %dma_wait3A_1169 = tpu.memref_slice %arg5[%dma_wait3A_1168] : memref<256xi32, #tpu.memory_space<vmem>> -> memref<8xi32, #tpu.memory_space<vmem>>
    %dma_wait3A_1170 = arith.constant 0 : i32
    %dma_wait3A_1171 = arith.constant 0 : i32
    %dma_wait3A_1172 = tpu.memref_slice %arg3[%dma_wait3A_1170, %dma_wait3A_1171] : memref<8192x2048xf32, #tpu.memory_space<hbm>> -> memref<8192x2048xf32, #tpu.memory_space<hbm>>
    %dma_wait3A_1173 = tpu.memref_slice %arg7[%dma_wait3A_1160] : memref<6x!tpu.dma_semaphore, #tpu.memory_space<semaphore_mem>> -> memref<1x!tpu.dma_semaphore, #tpu.memory_space<semaphore_mem>>
    %dma_wait3A_1174 = tpu.memref_squeeze %dma_wait3A_1173 : memref<1x!tpu.dma_semaphore, #tpu.memory_space<semaphore_mem>> -> memref<!tpu.dma_semaphore, #tpu.memory_space<semaphore_mem>>
    tpu.wait_indirect_dma semaphore(%dma_wait3A_1174 : memref<!tpu.dma_semaphore, #tpu.memory_space<semaphore_mem>>) src(%dma_wait3A_1172 : memref<8192x2048xf32, #tpu.memory_space<hbm>>) dst(%dma_wait3A_1167 : memref<8x2048xf32, #tpu.memory_space<vmem>>)
    %dma_start3A_1175 = arith.constant 1 : i32
    %dma_start3A_1176 = arith.constant 3 : i32
    %dma_start3A_1177 = arith.constant 0 : i32
    %dma_start3A_1178 = arith.constant 0 : i32
    %dma_start3A_1179 = tpu.memref_slice %arg6[%dma_start3A_1175, %dma_start3A_1177, %dma_start3A_1178] : memref<3x16x2048xf32, #tpu.memory_space<vmem>> -> memref<1x16x2048xf32, #tpu.memory_space<vmem>>
    %dma_start3A_1180 = tpu.memref_squeeze %dma_start3A_1179 : memref<1x16x2048xf32, #tpu.memory_space<vmem>> -> memref<16x2048xf32, #tpu.memory_space<vmem>>
    %dma_start3A_1181 = arith.constant 8 : i32
    %dma_start3A_1182 = arith.constant 0 : i32
    %dma_start3A_1183 = tpu.memref_slice %dma_start3A_1180[%dma_start3A_1181, %dma_start3A_1182] : memref<16x2048xf32, #tpu.memory_space<vmem>> -> memref<8x2048xf32, #tpu.memory_space<vmem>>
    %dma_start3A_1184 = arith.constant 216 : i32
    %dma_start3A_1185 = tpu.memref_slice %arg5[%dma_start3A_1184] : memref<256xi32, #tpu.memory_space<vmem>> -> memref<8xi32, #tpu.memory_space<vmem>>
    %dma_start3A_1186 = arith.constant 0 : i32
    %dma_start3A_1187 = arith.constant 0 : i32
    %dma_start3A_1188 = tpu.memref_slice %arg3[%dma_start3A_1186, %dma_start3A_1187] : memref<8192x2048xf32, #tpu.memory_space<hbm>> -> memref<8192x2048xf32, #tpu.memory_space<hbm>>
    %dma_start3A_1189 = tpu.memref_slice %arg7[%dma_start3A_1176] : memref<6x!tpu.dma_semaphore, #tpu.memory_space<semaphore_mem>> -> memref<1x!tpu.dma_semaphore, #tpu.memory_space<semaphore_mem>>
    %dma_start3A_1190 = tpu.memref_squeeze %dma_start3A_1189 : memref<1x!tpu.dma_semaphore, #tpu.memory_space<semaphore_mem>> -> memref<!tpu.dma_semaphore, #tpu.memory_space<semaphore_mem>>
    tpu.enqueue_indirect_dma source(%dma_start3A_1188 : memref<8192x2048xf32, #tpu.memory_space<hbm>>) target(%dma_start3A_1183 : memref<8x2048xf32, #tpu.memory_space<vmem>>) offsets(%dma_start3A_1185 : memref<8xi32, #tpu.memory_space<vmem>>) semaphore(%dma_start3A_1190 : memref<!tpu.dma_semaphore, #tpu.memory_space<semaphore_mem>>)
    %dma_wait3A_1191 = arith.constant 2 : i32
    %dma_wait3A_1192 = arith.constant 5 : i32
    %dma_wait3A_1193 = arith.constant 0 : i32
    %dma_wait3A_1194 = arith.constant 0 : i32
    %dma_wait3A_1195 = tpu.memref_slice %arg6[%dma_wait3A_1191, %dma_wait3A_1193, %dma_wait3A_1194] : memref<3x16x2048xf32, #tpu.memory_space<vmem>> -> memref<1x16x2048xf32, #tpu.memory_space<vmem>>
    %dma_wait3A_1196 = tpu.memref_squeeze %dma_wait3A_1195 : memref<1x16x2048xf32, #tpu.memory_space<vmem>> -> memref<16x2048xf32, #tpu.memory_space<vmem>>
    %dma_wait3A_1197 = arith.constant 8 : i32
    %dma_wait3A_1198 = arith.constant 0 : i32
    %dma_wait3A_1199 = tpu.memref_slice %dma_wait3A_1196[%dma_wait3A_1197, %dma_wait3A_1198] : memref<16x2048xf32, #tpu.memory_space<vmem>> -> memref<8x2048xf32, #tpu.memory_space<vmem>>
    %dma_wait3A_1200 = arith.constant 184 : i32
    %dma_wait3A_1201 = tpu.memref_slice %arg5[%dma_wait3A_1200] : memref<256xi32, #tpu.memory_space<vmem>> -> memref<8xi32, #tpu.memory_space<vmem>>
    %dma_wait3A_1202 = arith.constant 0 : i32
    %dma_wait3A_1203 = arith.constant 0 : i32
    %dma_wait3A_1204 = tpu.memref_slice %arg3[%dma_wait3A_1202, %dma_wait3A_1203] : memref<8192x2048xf32, #tpu.memory_space<hbm>> -> memref<8192x2048xf32, #tpu.memory_space<hbm>>
    %dma_wait3A_1205 = tpu.memref_slice %arg7[%dma_wait3A_1192] : memref<6x!tpu.dma_semaphore, #tpu.memory_space<semaphore_mem>> -> memref<1x!tpu.dma_semaphore, #tpu.memory_space<semaphore_mem>>
    %dma_wait3A_1206 = tpu.memref_squeeze %dma_wait3A_1205 : memref<1x!tpu.dma_semaphore, #tpu.memory_space<semaphore_mem>> -> memref<!tpu.dma_semaphore, #tpu.memory_space<semaphore_mem>>
    tpu.wait_indirect_dma semaphore(%dma_wait3A_1206 : memref<!tpu.dma_semaphore, #tpu.memory_space<semaphore_mem>>) src(%dma_wait3A_1204 : memref<8192x2048xf32, #tpu.memory_space<hbm>>) dst(%dma_wait3A_1199 : memref<8x2048xf32, #tpu.memory_space<vmem>>)
    %add3A_1207 = arith.constant 176 : i32
    %add3A_1208 = arith.addi %mul3A_2, %add3A_1207 : i32
    %dma_start3A_1209 = arith.constant 2 : i32
    %dma_start3A_1210 = arith.constant 2 : i32
    %dma_start3A_1211 = arith.constant 0 : i32
    %dma_start3A_1212 = arith.constant 0 : i32
    %dma_start3A_1213 = tpu.memref_slice %arg6[%dma_start3A_1209, %dma_start3A_1211, %dma_start3A_1212] : memref<3x16x2048xf32, #tpu.memory_space<vmem>> -> memref<1x16x2048xf32, #tpu.memory_space<vmem>>
    %dma_start3A_1214 = tpu.memref_squeeze %dma_start3A_1213 : memref<1x16x2048xf32, #tpu.memory_space<vmem>> -> memref<16x2048xf32, #tpu.memory_space<vmem>>
    %dma_start3A_1215 = arith.constant 0 : i32
    %dma_start3A_1216 = tpu.memref_slice %arg4[%add3A_1208, %dma_start3A_1215] : memref<8192x2048xf32, #tpu.memory_space<hbm>> -> memref<16x2048xf32, #tpu.memory_space<hbm>>
    %dma_start3A_1217 = tpu.memref_slice %arg8[%dma_start3A_1210] : memref<3x!tpu.dma_semaphore, #tpu.memory_space<semaphore_mem>> -> memref<1x!tpu.dma_semaphore, #tpu.memory_space<semaphore_mem>>
    %dma_start3A_1218 = tpu.memref_squeeze %dma_start3A_1217 : memref<1x!tpu.dma_semaphore, #tpu.memory_space<semaphore_mem>> -> memref<!tpu.dma_semaphore, #tpu.memory_space<semaphore_mem>>
    %dma_start3A_1219 = arith.constant 0 : i32
    %dma_start3A_1220 = tpu.memref_slice %arg4[%add3A_1208, %dma_start3A_1219] : memref<8192x2048xf32, #tpu.memory_space<hbm>> -> memref<16x2048xf32, #tpu.memory_space<hbm>>
    %dma_start3A_1221 = arith.constant 0 : i32
    %dma_start3A_1222 = arith.constant 0 : i32
    %dma_start3A_1223 = tpu.memref_slice %arg6[%dma_start3A_1209, %dma_start3A_1221, %dma_start3A_1222] : memref<3x16x2048xf32, #tpu.memory_space<vmem>> -> memref<1x16x2048xf32, #tpu.memory_space<vmem>>
    %dma_start3A_1224 = tpu.memref_squeeze %dma_start3A_1223 : memref<1x16x2048xf32, #tpu.memory_space<vmem>> -> memref<16x2048xf32, #tpu.memory_space<vmem>>
    tpu.enqueue_dma source(%dma_start3A_1224 : memref<16x2048xf32, #tpu.memory_space<vmem>>) target(%dma_start3A_1220 : memref<16x2048xf32, #tpu.memory_space<hbm>>) target_semaphore(%dma_start3A_1218 : memref<!tpu.dma_semaphore, #tpu.memory_space<semaphore_mem>>)
    %dma_wait3A_1225 = arith.constant 2 : i32
    %dma_wait3A_1226 = arith.constant 2 : i32
    %dma_wait3A_1227 = arith.constant 0 : i32
    %dma_wait3A_1228 = arith.constant 0 : i32
    %dma_wait3A_1229 = tpu.memref_slice %arg6[%dma_wait3A_1225, %dma_wait3A_1227, %dma_wait3A_1228] : memref<3x16x2048xf32, #tpu.memory_space<vmem>> -> memref<1x16x2048xf32, #tpu.memory_space<vmem>>
    %dma_wait3A_1230 = tpu.memref_squeeze %dma_wait3A_1229 : memref<1x16x2048xf32, #tpu.memory_space<vmem>> -> memref<16x2048xf32, #tpu.memory_space<vmem>>
    %dma_wait3A_1231 = arith.constant 0 : i32
    %dma_wait3A_1232 = tpu.memref_slice %arg4[%add3A_1208, %dma_wait3A_1231] : memref<8192x2048xf32, #tpu.memory_space<hbm>> -> memref<16x2048xf32, #tpu.memory_space<hbm>>
    %dma_wait3A_1233 = tpu.memref_slice %arg8[%dma_wait3A_1226] : memref<3x!tpu.dma_semaphore, #tpu.memory_space<semaphore_mem>> -> memref<1x!tpu.dma_semaphore, #tpu.memory_space<semaphore_mem>>
    %dma_wait3A_1234 = tpu.memref_squeeze %dma_wait3A_1233 : memref<1x!tpu.dma_semaphore, #tpu.memory_space<semaphore_mem>> -> memref<!tpu.dma_semaphore, #tpu.memory_space<semaphore_mem>>
    %dma_wait3A_1235 = arith.constant 0 : i32
    %dma_wait3A_1236 = tpu.memref_slice %arg4[%add3A_1208, %dma_wait3A_1235] : memref<8192x2048xf32, #tpu.memory_space<hbm>> -> memref<16x2048xf32, #tpu.memory_space<hbm>>
    %dma_wait3A_1237 = arith.constant 0 : i32
    %dma_wait3A_1238 = arith.constant 0 : i32
    %dma_wait3A_1239 = tpu.memref_slice %arg6[%dma_wait3A_1225, %dma_wait3A_1237, %dma_wait3A_1238] : memref<3x16x2048xf32, #tpu.memory_space<vmem>> -> memref<1x16x2048xf32, #tpu.memory_space<vmem>>
    %dma_wait3A_1240 = tpu.memref_squeeze %dma_wait3A_1239 : memref<1x16x2048xf32, #tpu.memory_space<vmem>> -> memref<16x2048xf32, #tpu.memory_space<vmem>>
    tpu.wait_dma2 semaphore(%dma_wait3A_1234 : memref<!tpu.dma_semaphore, #tpu.memory_space<semaphore_mem>>) src(%dma_wait3A_1240 : memref<16x2048xf32, #tpu.memory_space<vmem>>) dst(%dma_wait3A_1236 : memref<16x2048xf32, #tpu.memory_space<hbm>>)
    %dma_start3A_1241 = arith.constant 2 : i32
    %dma_start3A_1242 = arith.constant 4 : i32
    %dma_start3A_1243 = arith.constant 0 : i32
    %dma_start3A_1244 = arith.constant 0 : i32
    %dma_start3A_1245 = tpu.memref_slice %arg6[%dma_start3A_1241, %dma_start3A_1243, %dma_start3A_1244] : memref<3x16x2048xf32, #tpu.memory_space<vmem>> -> memref<1x16x2048xf32, #tpu.memory_space<vmem>>
    %dma_start3A_1246 = tpu.memref_squeeze %dma_start3A_1245 : memref<1x16x2048xf32, #tpu.memory_space<vmem>> -> memref<16x2048xf32, #tpu.memory_space<vmem>>
    %dma_start3A_1247 = arith.constant 0 : i32
    %dma_start3A_1248 = arith.constant 0 : i32
    %dma_start3A_1249 = tpu.memref_slice %dma_start3A_1246[%dma_start3A_1247, %dma_start3A_1248] : memref<16x2048xf32, #tpu.memory_space<vmem>> -> memref<8x2048xf32, #tpu.memory_space<vmem>>
    %dma_start3A_1250 = arith.constant 224 : i32
    %dma_start3A_1251 = tpu.memref_slice %arg5[%dma_start3A_1250] : memref<256xi32, #tpu.memory_space<vmem>> -> memref<8xi32, #tpu.memory_space<vmem>>
    %dma_start3A_1252 = arith.constant 0 : i32
    %dma_start3A_1253 = arith.constant 0 : i32
    %dma_start3A_1254 = tpu.memref_slice %arg3[%dma_start3A_1252, %dma_start3A_1253] : memref<8192x2048xf32, #tpu.memory_space<hbm>> -> memref<8192x2048xf32, #tpu.memory_space<hbm>>
    %dma_start3A_1255 = tpu.memref_slice %arg7[%dma_start3A_1242] : memref<6x!tpu.dma_semaphore, #tpu.memory_space<semaphore_mem>> -> memref<1x!tpu.dma_semaphore, #tpu.memory_space<semaphore_mem>>
    %dma_start3A_1256 = tpu.memref_squeeze %dma_start3A_1255 : memref<1x!tpu.dma_semaphore, #tpu.memory_space<semaphore_mem>> -> memref<!tpu.dma_semaphore, #tpu.memory_space<semaphore_mem>>
    tpu.enqueue_indirect_dma source(%dma_start3A_1254 : memref<8192x2048xf32, #tpu.memory_space<hbm>>) target(%dma_start3A_1249 : memref<8x2048xf32, #tpu.memory_space<vmem>>) offsets(%dma_start3A_1251 : memref<8xi32, #tpu.memory_space<vmem>>) semaphore(%dma_start3A_1256 : memref<!tpu.dma_semaphore, #tpu.memory_space<semaphore_mem>>)
    %dma_wait3A_1257 = arith.constant 0 : i32
    %dma_wait3A_1258 = arith.constant 0 : i32
    %dma_wait3A_1259 = arith.constant 0 : i32
    %dma_wait3A_1260 = arith.constant 0 : i32
    %dma_wait3A_1261 = tpu.memref_slice %arg6[%dma_wait3A_1257, %dma_wait3A_1259, %dma_wait3A_1260] : memref<3x16x2048xf32, #tpu.memory_space<vmem>> -> memref<1x16x2048xf32, #tpu.memory_space<vmem>>
    %dma_wait3A_1262 = tpu.memref_squeeze %dma_wait3A_1261 : memref<1x16x2048xf32, #tpu.memory_space<vmem>> -> memref<16x2048xf32, #tpu.memory_space<vmem>>
    %dma_wait3A_1263 = arith.constant 0 : i32
    %dma_wait3A_1264 = arith.constant 0 : i32
    %dma_wait3A_1265 = tpu.memref_slice %dma_wait3A_1262[%dma_wait3A_1263, %dma_wait3A_1264] : memref<16x2048xf32, #tpu.memory_space<vmem>> -> memref<8x2048xf32, #tpu.memory_space<vmem>>
    %dma_wait3A_1266 = arith.constant 192 : i32
    %dma_wait3A_1267 = tpu.memref_slice %arg5[%dma_wait3A_1266] : memref<256xi32, #tpu.memory_space<vmem>> -> memref<8xi32, #tpu.memory_space<vmem>>
    %dma_wait3A_1268 = arith.constant 0 : i32
    %dma_wait3A_1269 = arith.constant 0 : i32
    %dma_wait3A_1270 = tpu.memref_slice %arg3[%dma_wait3A_1268, %dma_wait3A_1269] : memref<8192x2048xf32, #tpu.memory_space<hbm>> -> memref<8192x2048xf32, #tpu.memory_space<hbm>>
    %dma_wait3A_1271 = tpu.memref_slice %arg7[%dma_wait3A_1258] : memref<6x!tpu.dma_semaphore, #tpu.memory_space<semaphore_mem>> -> memref<1x!tpu.dma_semaphore, #tpu.memory_space<semaphore_mem>>
    %dma_wait3A_1272 = tpu.memref_squeeze %dma_wait3A_1271 : memref<1x!tpu.dma_semaphore, #tpu.memory_space<semaphore_mem>> -> memref<!tpu.dma_semaphore, #tpu.memory_space<semaphore_mem>>
    tpu.wait_indirect_dma semaphore(%dma_wait3A_1272 : memref<!tpu.dma_semaphore, #tpu.memory_space<semaphore_mem>>) src(%dma_wait3A_1270 : memref<8192x2048xf32, #tpu.memory_space<hbm>>) dst(%dma_wait3A_1265 : memref<8x2048xf32, #tpu.memory_space<vmem>>)
    %dma_start3A_1273 = arith.constant 2 : i32
    %dma_start3A_1274 = arith.constant 5 : i32
    %dma_start3A_1275 = arith.constant 0 : i32
    %dma_start3A_1276 = arith.constant 0 : i32
    %dma_start3A_1277 = tpu.memref_slice %arg6[%dma_start3A_1273, %dma_start3A_1275, %dma_start3A_1276] : memref<3x16x2048xf32, #tpu.memory_space<vmem>> -> memref<1x16x2048xf32, #tpu.memory_space<vmem>>
    %dma_start3A_1278 = tpu.memref_squeeze %dma_start3A_1277 : memref<1x16x2048xf32, #tpu.memory_space<vmem>> -> memref<16x2048xf32, #tpu.memory_space<vmem>>
    %dma_start3A_1279 = arith.constant 8 : i32
    %dma_start3A_1280 = arith.constant 0 : i32
    %dma_start3A_1281 = tpu.memref_slice %dma_start3A_1278[%dma_start3A_1279, %dma_start3A_1280] : memref<16x2048xf32, #tpu.memory_space<vmem>> -> memref<8x2048xf32, #tpu.memory_space<vmem>>
    %dma_start3A_1282 = arith.constant 232 : i32
    %dma_start3A_1283 = tpu.memref_slice %arg5[%dma_start3A_1282] : memref<256xi32, #tpu.memory_space<vmem>> -> memref<8xi32, #tpu.memory_space<vmem>>
    %dma_start3A_1284 = arith.constant 0 : i32
    %dma_start3A_1285 = arith.constant 0 : i32
    %dma_start3A_1286 = tpu.memref_slice %arg3[%dma_start3A_1284, %dma_start3A_1285] : memref<8192x2048xf32, #tpu.memory_space<hbm>> -> memref<8192x2048xf32, #tpu.memory_space<hbm>>
    %dma_start3A_1287 = tpu.memref_slice %arg7[%dma_start3A_1274] : memref<6x!tpu.dma_semaphore, #tpu.memory_space<semaphore_mem>> -> memref<1x!tpu.dma_semaphore, #tpu.memory_space<semaphore_mem>>
    %dma_start3A_1288 = tpu.memref_squeeze %dma_start3A_1287 : memref<1x!tpu.dma_semaphore, #tpu.memory_space<semaphore_mem>> -> memref<!tpu.dma_semaphore, #tpu.memory_space<semaphore_mem>>
    tpu.enqueue_indirect_dma source(%dma_start3A_1286 : memref<8192x2048xf32, #tpu.memory_space<hbm>>) target(%dma_start3A_1281 : memref<8x2048xf32, #tpu.memory_space<vmem>>) offsets(%dma_start3A_1283 : memref<8xi32, #tpu.memory_space<vmem>>) semaphore(%dma_start3A_1288 : memref<!tpu.dma_semaphore, #tpu.memory_space<semaphore_mem>>)
    %dma_wait3A_1289 = arith.constant 0 : i32
    %dma_wait3A_1290 = arith.constant 1 : i32
    %dma_wait3A_1291 = arith.constant 0 : i32
    %dma_wait3A_1292 = arith.constant 0 : i32
    %dma_wait3A_1293 = tpu.memref_slice %arg6[%dma_wait3A_1289, %dma_wait3A_1291, %dma_wait3A_1292] : memref<3x16x2048xf32, #tpu.memory_space<vmem>> -> memref<1x16x2048xf32, #tpu.memory_space<vmem>>
    %dma_wait3A_1294 = tpu.memref_squeeze %dma_wait3A_1293 : memref<1x16x2048xf32, #tpu.memory_space<vmem>> -> memref<16x2048xf32, #tpu.memory_space<vmem>>
    %dma_wait3A_1295 = arith.constant 8 : i32
    %dma_wait3A_1296 = arith.constant 0 : i32
    %dma_wait3A_1297 = tpu.memref_slice %dma_wait3A_1294[%dma_wait3A_1295, %dma_wait3A_1296] : memref<16x2048xf32, #tpu.memory_space<vmem>> -> memref<8x2048xf32, #tpu.memory_space<vmem>>
    %dma_wait3A_1298 = arith.constant 200 : i32
    %dma_wait3A_1299 = tpu.memref_slice %arg5[%dma_wait3A_1298] : memref<256xi32, #tpu.memory_space<vmem>> -> memref<8xi32, #tpu.memory_space<vmem>>
    %dma_wait3A_1300 = arith.constant 0 : i32
    %dma_wait3A_1301 = arith.constant 0 : i32
    %dma_wait3A_1302 = tpu.memref_slice %arg3[%dma_wait3A_1300, %dma_wait3A_1301] : memref<8192x2048xf32, #tpu.memory_space<hbm>> -> memref<8192x2048xf32, #tpu.memory_space<hbm>>
    %dma_wait3A_1303 = tpu.memref_slice %arg7[%dma_wait3A_1290] : memref<6x!tpu.dma_semaphore, #tpu.memory_space<semaphore_mem>> -> memref<1x!tpu.dma_semaphore, #tpu.memory_space<semaphore_mem>>
    %dma_wait3A_1304 = tpu.memref_squeeze %dma_wait3A_1303 : memref<1x!tpu.dma_semaphore, #tpu.memory_space<semaphore_mem>> -> memref<!tpu.dma_semaphore, #tpu.memory_space<semaphore_mem>>
    tpu.wait_indirect_dma semaphore(%dma_wait3A_1304 : memref<!tpu.dma_semaphore, #tpu.memory_space<semaphore_mem>>) src(%dma_wait3A_1302 : memref<8192x2048xf32, #tpu.memory_space<hbm>>) dst(%dma_wait3A_1297 : memref<8x2048xf32, #tpu.memory_space<vmem>>)
    %add3A_1305 = arith.constant 192 : i32
    %add3A_1306 = arith.addi %mul3A_2, %add3A_1305 : i32
    %dma_start3A_1307 = arith.constant 0 : i32
    %dma_start3A_1308 = arith.constant 0 : i32
    %dma_start3A_1309 = arith.constant 0 : i32
    %dma_start3A_1310 = arith.constant 0 : i32
    %dma_start3A_1311 = tpu.memref_slice %arg6[%dma_start3A_1307, %dma_start3A_1309, %dma_start3A_1310] : memref<3x16x2048xf32, #tpu.memory_space<vmem>> -> memref<1x16x2048xf32, #tpu.memory_space<vmem>>
    %dma_start3A_1312 = tpu.memref_squeeze %dma_start3A_1311 : memref<1x16x2048xf32, #tpu.memory_space<vmem>> -> memref<16x2048xf32, #tpu.memory_space<vmem>>
    %dma_start3A_1313 = arith.constant 0 : i32
    %dma_start3A_1314 = tpu.memref_slice %arg4[%add3A_1306, %dma_start3A_1313] : memref<8192x2048xf32, #tpu.memory_space<hbm>> -> memref<16x2048xf32, #tpu.memory_space<hbm>>
    %dma_start3A_1315 = tpu.memref_slice %arg8[%dma_start3A_1308] : memref<3x!tpu.dma_semaphore, #tpu.memory_space<semaphore_mem>> -> memref<1x!tpu.dma_semaphore, #tpu.memory_space<semaphore_mem>>
    %dma_start3A_1316 = tpu.memref_squeeze %dma_start3A_1315 : memref<1x!tpu.dma_semaphore, #tpu.memory_space<semaphore_mem>> -> memref<!tpu.dma_semaphore, #tpu.memory_space<semaphore_mem>>
    %dma_start3A_1317 = arith.constant 0 : i32
    %dma_start3A_1318 = tpu.memref_slice %arg4[%add3A_1306, %dma_start3A_1317] : memref<8192x2048xf32, #tpu.memory_space<hbm>> -> memref<16x2048xf32, #tpu.memory_space<hbm>>
    %dma_start3A_1319 = arith.constant 0 : i32
    %dma_start3A_1320 = arith.constant 0 : i32
    %dma_start3A_1321 = tpu.memref_slice %arg6[%dma_start3A_1307, %dma_start3A_1319, %dma_start3A_1320] : memref<3x16x2048xf32, #tpu.memory_space<vmem>> -> memref<1x16x2048xf32, #tpu.memory_space<vmem>>
    %dma_start3A_1322 = tpu.memref_squeeze %dma_start3A_1321 : memref<1x16x2048xf32, #tpu.memory_space<vmem>> -> memref<16x2048xf32, #tpu.memory_space<vmem>>
    tpu.enqueue_dma source(%dma_start3A_1322 : memref<16x2048xf32, #tpu.memory_space<vmem>>) target(%dma_start3A_1318 : memref<16x2048xf32, #tpu.memory_space<hbm>>) target_semaphore(%dma_start3A_1316 : memref<!tpu.dma_semaphore, #tpu.memory_space<semaphore_mem>>)
    %dma_wait3A_1323 = arith.constant 0 : i32
    %dma_wait3A_1324 = arith.constant 0 : i32
    %dma_wait3A_1325 = arith.constant 0 : i32
    %dma_wait3A_1326 = arith.constant 0 : i32
    %dma_wait3A_1327 = tpu.memref_slice %arg6[%dma_wait3A_1323, %dma_wait3A_1325, %dma_wait3A_1326] : memref<3x16x2048xf32, #tpu.memory_space<vmem>> -> memref<1x16x2048xf32, #tpu.memory_space<vmem>>
    %dma_wait3A_1328 = tpu.memref_squeeze %dma_wait3A_1327 : memref<1x16x2048xf32, #tpu.memory_space<vmem>> -> memref<16x2048xf32, #tpu.memory_space<vmem>>
    %dma_wait3A_1329 = arith.constant 0 : i32
    %dma_wait3A_1330 = tpu.memref_slice %arg4[%add3A_1306, %dma_wait3A_1329] : memref<8192x2048xf32, #tpu.memory_space<hbm>> -> memref<16x2048xf32, #tpu.memory_space<hbm>>
    %dma_wait3A_1331 = tpu.memref_slice %arg8[%dma_wait3A_1324] : memref<3x!tpu.dma_semaphore, #tpu.memory_space<semaphore_mem>> -> memref<1x!tpu.dma_semaphore, #tpu.memory_space<semaphore_mem>>
    %dma_wait3A_1332 = tpu.memref_squeeze %dma_wait3A_1331 : memref<1x!tpu.dma_semaphore, #tpu.memory_space<semaphore_mem>> -> memref<!tpu.dma_semaphore, #tpu.memory_space<semaphore_mem>>
    %dma_wait3A_1333 = arith.constant 0 : i32
    %dma_wait3A_1334 = tpu.memref_slice %arg4[%add3A_1306, %dma_wait3A_1333] : memref<8192x2048xf32, #tpu.memory_space<hbm>> -> memref<16x2048xf32, #tpu.memory_space<hbm>>
    %dma_wait3A_1335 = arith.constant 0 : i32
    %dma_wait3A_1336 = arith.constant 0 : i32
    %dma_wait3A_1337 = tpu.memref_slice %arg6[%dma_wait3A_1323, %dma_wait3A_1335, %dma_wait3A_1336] : memref<3x16x2048xf32, #tpu.memory_space<vmem>> -> memref<1x16x2048xf32, #tpu.memory_space<vmem>>
    %dma_wait3A_1338 = tpu.memref_squeeze %dma_wait3A_1337 : memref<1x16x2048xf32, #tpu.memory_space<vmem>> -> memref<16x2048xf32, #tpu.memory_space<vmem>>
    tpu.wait_dma2 semaphore(%dma_wait3A_1332 : memref<!tpu.dma_semaphore, #tpu.memory_space<semaphore_mem>>) src(%dma_wait3A_1338 : memref<16x2048xf32, #tpu.memory_space<vmem>>) dst(%dma_wait3A_1334 : memref<16x2048xf32, #tpu.memory_space<hbm>>)
    %dma_start3A_1339 = arith.constant 0 : i32
    %dma_start3A_1340 = arith.constant 0 : i32
    %dma_start3A_1341 = arith.constant 0 : i32
    %dma_start3A_1342 = arith.constant 0 : i32
    %dma_start3A_1343 = tpu.memref_slice %arg6[%dma_start3A_1339, %dma_start3A_1341, %dma_start3A_1342] : memref<3x16x2048xf32, #tpu.memory_space<vmem>> -> memref<1x16x2048xf32, #tpu.memory_space<vmem>>
    %dma_start3A_1344 = tpu.memref_squeeze %dma_start3A_1343 : memref<1x16x2048xf32, #tpu.memory_space<vmem>> -> memref<16x2048xf32, #tpu.memory_space<vmem>>
    %dma_start3A_1345 = arith.constant 0 : i32
    %dma_start3A_1346 = arith.constant 0 : i32
    %dma_start3A_1347 = tpu.memref_slice %dma_start3A_1344[%dma_start3A_1345, %dma_start3A_1346] : memref<16x2048xf32, #tpu.memory_space<vmem>> -> memref<8x2048xf32, #tpu.memory_space<vmem>>
    %dma_start3A_1348 = arith.constant 240 : i32
    %dma_start3A_1349 = tpu.memref_slice %arg5[%dma_start3A_1348] : memref<256xi32, #tpu.memory_space<vmem>> -> memref<8xi32, #tpu.memory_space<vmem>>
    %dma_start3A_1350 = arith.constant 0 : i32
    %dma_start3A_1351 = arith.constant 0 : i32
    %dma_start3A_1352 = tpu.memref_slice %arg3[%dma_start3A_1350, %dma_start3A_1351] : memref<8192x2048xf32, #tpu.memory_space<hbm>> -> memref<8192x2048xf32, #tpu.memory_space<hbm>>
    %dma_start3A_1353 = tpu.memref_slice %arg7[%dma_start3A_1340] : memref<6x!tpu.dma_semaphore, #tpu.memory_space<semaphore_mem>> -> memref<1x!tpu.dma_semaphore, #tpu.memory_space<semaphore_mem>>
    %dma_start3A_1354 = tpu.memref_squeeze %dma_start3A_1353 : memref<1x!tpu.dma_semaphore, #tpu.memory_space<semaphore_mem>> -> memref<!tpu.dma_semaphore, #tpu.memory_space<semaphore_mem>>
    tpu.enqueue_indirect_dma source(%dma_start3A_1352 : memref<8192x2048xf32, #tpu.memory_space<hbm>>) target(%dma_start3A_1347 : memref<8x2048xf32, #tpu.memory_space<vmem>>) offsets(%dma_start3A_1349 : memref<8xi32, #tpu.memory_space<vmem>>) semaphore(%dma_start3A_1354 : memref<!tpu.dma_semaphore, #tpu.memory_space<semaphore_mem>>)
    %dma_wait3A_1355 = arith.constant 1 : i32
    %dma_wait3A_1356 = arith.constant 2 : i32
    %dma_wait3A_1357 = arith.constant 0 : i32
    %dma_wait3A_1358 = arith.constant 0 : i32
    %dma_wait3A_1359 = tpu.memref_slice %arg6[%dma_wait3A_1355, %dma_wait3A_1357, %dma_wait3A_1358] : memref<3x16x2048xf32, #tpu.memory_space<vmem>> -> memref<1x16x2048xf32, #tpu.memory_space<vmem>>
    %dma_wait3A_1360 = tpu.memref_squeeze %dma_wait3A_1359 : memref<1x16x2048xf32, #tpu.memory_space<vmem>> -> memref<16x2048xf32, #tpu.memory_space<vmem>>
    %dma_wait3A_1361 = arith.constant 0 : i32
    %dma_wait3A_1362 = arith.constant 0 : i32
    %dma_wait3A_1363 = tpu.memref_slice %dma_wait3A_1360[%dma_wait3A_1361, %dma_wait3A_1362] : memref<16x2048xf32, #tpu.memory_space<vmem>> -> memref<8x2048xf32, #tpu.memory_space<vmem>>
    %dma_wait3A_1364 = arith.constant 208 : i32
    %dma_wait3A_1365 = tpu.memref_slice %arg5[%dma_wait3A_1364] : memref<256xi32, #tpu.memory_space<vmem>> -> memref<8xi32, #tpu.memory_space<vmem>>
    %dma_wait3A_1366 = arith.constant 0 : i32
    %dma_wait3A_1367 = arith.constant 0 : i32
    %dma_wait3A_1368 = tpu.memref_slice %arg3[%dma_wait3A_1366, %dma_wait3A_1367] : memref<8192x2048xf32, #tpu.memory_space<hbm>> -> memref<8192x2048xf32, #tpu.memory_space<hbm>>
    %dma_wait3A_1369 = tpu.memref_slice %arg7[%dma_wait3A_1356] : memref<6x!tpu.dma_semaphore, #tpu.memory_space<semaphore_mem>> -> memref<1x!tpu.dma_semaphore, #tpu.memory_space<semaphore_mem>>
    %dma_wait3A_1370 = tpu.memref_squeeze %dma_wait3A_1369 : memref<1x!tpu.dma_semaphore, #tpu.memory_space<semaphore_mem>> -> memref<!tpu.dma_semaphore, #tpu.memory_space<semaphore_mem>>
    tpu.wait_indirect_dma semaphore(%dma_wait3A_1370 : memref<!tpu.dma_semaphore, #tpu.memory_space<semaphore_mem>>) src(%dma_wait3A_1368 : memref<8192x2048xf32, #tpu.memory_space<hbm>>) dst(%dma_wait3A_1363 : memref<8x2048xf32, #tpu.memory_space<vmem>>)
    %dma_start3A_1371 = arith.constant 0 : i32
    %dma_start3A_1372 = arith.constant 1 : i32
    %dma_start3A_1373 = arith.constant 0 : i32
    %dma_start3A_1374 = arith.constant 0 : i32
    %dma_start3A_1375 = tpu.memref_slice %arg6[%dma_start3A_1371, %dma_start3A_1373, %dma_start3A_1374] : memref<3x16x2048xf32, #tpu.memory_space<vmem>> -> memref<1x16x2048xf32, #tpu.memory_space<vmem>>
    %dma_start3A_1376 = tpu.memref_squeeze %dma_start3A_1375 : memref<1x16x2048xf32, #tpu.memory_space<vmem>> -> memref<16x2048xf32, #tpu.memory_space<vmem>>
    %dma_start3A_1377 = arith.constant 8 : i32
    %dma_start3A_1378 = arith.constant 0 : i32
    %dma_start3A_1379 = tpu.memref_slice %dma_start3A_1376[%dma_start3A_1377, %dma_start3A_1378] : memref<16x2048xf32, #tpu.memory_space<vmem>> -> memref<8x2048xf32, #tpu.memory_space<vmem>>
    %dma_start3A_1380 = arith.constant 248 : i32
    %dma_start3A_1381 = tpu.memref_slice %arg5[%dma_start3A_1380] : memref<256xi32, #tpu.memory_space<vmem>> -> memref<8xi32, #tpu.memory_space<vmem>>
    %dma_start3A_1382 = arith.constant 0 : i32
    %dma_start3A_1383 = arith.constant 0 : i32
    %dma_start3A_1384 = tpu.memref_slice %arg3[%dma_start3A_1382, %dma_start3A_1383] : memref<8192x2048xf32, #tpu.memory_space<hbm>> -> memref<8192x2048xf32, #tpu.memory_space<hbm>>
    %dma_start3A_1385 = tpu.memref_slice %arg7[%dma_start3A_1372] : memref<6x!tpu.dma_semaphore, #tpu.memory_space<semaphore_mem>> -> memref<1x!tpu.dma_semaphore, #tpu.memory_space<semaphore_mem>>
    %dma_start3A_1386 = tpu.memref_squeeze %dma_start3A_1385 : memref<1x!tpu.dma_semaphore, #tpu.memory_space<semaphore_mem>> -> memref<!tpu.dma_semaphore, #tpu.memory_space<semaphore_mem>>
    tpu.enqueue_indirect_dma source(%dma_start3A_1384 : memref<8192x2048xf32, #tpu.memory_space<hbm>>) target(%dma_start3A_1379 : memref<8x2048xf32, #tpu.memory_space<vmem>>) offsets(%dma_start3A_1381 : memref<8xi32, #tpu.memory_space<vmem>>) semaphore(%dma_start3A_1386 : memref<!tpu.dma_semaphore, #tpu.memory_space<semaphore_mem>>)
    %dma_wait3A_1387 = arith.constant 1 : i32
    %dma_wait3A_1388 = arith.constant 3 : i32
    %dma_wait3A_1389 = arith.constant 0 : i32
    %dma_wait3A_1390 = arith.constant 0 : i32
    %dma_wait3A_1391 = tpu.memref_slice %arg6[%dma_wait3A_1387, %dma_wait3A_1389, %dma_wait3A_1390] : memref<3x16x2048xf32, #tpu.memory_space<vmem>> -> memref<1x16x2048xf32, #tpu.memory_space<vmem>>
    %dma_wait3A_1392 = tpu.memref_squeeze %dma_wait3A_1391 : memref<1x16x2048xf32, #tpu.memory_space<vmem>> -> memref<16x2048xf32, #tpu.memory_space<vmem>>
    %dma_wait3A_1393 = arith.constant 8 : i32
    %dma_wait3A_1394 = arith.constant 0 : i32
    %dma_wait3A_1395 = tpu.memref_slice %dma_wait3A_1392[%dma_wait3A_1393, %dma_wait3A_1394] : memref<16x2048xf32, #tpu.memory_space<vmem>> -> memref<8x2048xf32, #tpu.memory_space<vmem>>
    %dma_wait3A_1396 = arith.constant 216 : i32
    %dma_wait3A_1397 = tpu.memref_slice %arg5[%dma_wait3A_1396] : memref<256xi32, #tpu.memory_space<vmem>> -> memref<8xi32, #tpu.memory_space<vmem>>
    %dma_wait3A_1398 = arith.constant 0 : i32
    %dma_wait3A_1399 = arith.constant 0 : i32
    %dma_wait3A_1400 = tpu.memref_slice %arg3[%dma_wait3A_1398, %dma_wait3A_1399] : memref<8192x2048xf32, #tpu.memory_space<hbm>> -> memref<8192x2048xf32, #tpu.memory_space<hbm>>
    %dma_wait3A_1401 = tpu.memref_slice %arg7[%dma_wait3A_1388] : memref<6x!tpu.dma_semaphore, #tpu.memory_space<semaphore_mem>> -> memref<1x!tpu.dma_semaphore, #tpu.memory_space<semaphore_mem>>
    %dma_wait3A_1402 = tpu.memref_squeeze %dma_wait3A_1401 : memref<1x!tpu.dma_semaphore, #tpu.memory_space<semaphore_mem>> -> memref<!tpu.dma_semaphore, #tpu.memory_space<semaphore_mem>>
    tpu.wait_indirect_dma semaphore(%dma_wait3A_1402 : memref<!tpu.dma_semaphore, #tpu.memory_space<semaphore_mem>>) src(%dma_wait3A_1400 : memref<8192x2048xf32, #tpu.memory_space<hbm>>) dst(%dma_wait3A_1395 : memref<8x2048xf32, #tpu.memory_space<vmem>>)
    %add3A_1403 = arith.constant 208 : i32
    %add3A_1404 = arith.addi %mul3A_2, %add3A_1403 : i32
    %dma_start3A_1405 = arith.constant 1 : i32
    %dma_start3A_1406 = arith.constant 1 : i32
    %dma_start3A_1407 = arith.constant 0 : i32
    %dma_start3A_1408 = arith.constant 0 : i32
    %dma_start3A_1409 = tpu.memref_slice %arg6[%dma_start3A_1405, %dma_start3A_1407, %dma_start3A_1408] : memref<3x16x2048xf32, #tpu.memory_space<vmem>> -> memref<1x16x2048xf32, #tpu.memory_space<vmem>>
    %dma_start3A_1410 = tpu.memref_squeeze %dma_start3A_1409 : memref<1x16x2048xf32, #tpu.memory_space<vmem>> -> memref<16x2048xf32, #tpu.memory_space<vmem>>
    %dma_start3A_1411 = arith.constant 0 : i32
    %dma_start3A_1412 = tpu.memref_slice %arg4[%add3A_1404, %dma_start3A_1411] : memref<8192x2048xf32, #tpu.memory_space<hbm>> -> memref<16x2048xf32, #tpu.memory_space<hbm>>
    %dma_start3A_1413 = tpu.memref_slice %arg8[%dma_start3A_1406] : memref<3x!tpu.dma_semaphore, #tpu.memory_space<semaphore_mem>> -> memref<1x!tpu.dma_semaphore, #tpu.memory_space<semaphore_mem>>
    %dma_start3A_1414 = tpu.memref_squeeze %dma_start3A_1413 : memref<1x!tpu.dma_semaphore, #tpu.memory_space<semaphore_mem>> -> memref<!tpu.dma_semaphore, #tpu.memory_space<semaphore_mem>>
    %dma_start3A_1415 = arith.constant 0 : i32
    %dma_start3A_1416 = tpu.memref_slice %arg4[%add3A_1404, %dma_start3A_1415] : memref<8192x2048xf32, #tpu.memory_space<hbm>> -> memref<16x2048xf32, #tpu.memory_space<hbm>>
    %dma_start3A_1417 = arith.constant 0 : i32
    %dma_start3A_1418 = arith.constant 0 : i32
    %dma_start3A_1419 = tpu.memref_slice %arg6[%dma_start3A_1405, %dma_start3A_1417, %dma_start3A_1418] : memref<3x16x2048xf32, #tpu.memory_space<vmem>> -> memref<1x16x2048xf32, #tpu.memory_space<vmem>>
    %dma_start3A_1420 = tpu.memref_squeeze %dma_start3A_1419 : memref<1x16x2048xf32, #tpu.memory_space<vmem>> -> memref<16x2048xf32, #tpu.memory_space<vmem>>
    tpu.enqueue_dma source(%dma_start3A_1420 : memref<16x2048xf32, #tpu.memory_space<vmem>>) target(%dma_start3A_1416 : memref<16x2048xf32, #tpu.memory_space<hbm>>) target_semaphore(%dma_start3A_1414 : memref<!tpu.dma_semaphore, #tpu.memory_space<semaphore_mem>>)
    %dma_wait3A_1421 = arith.constant 2 : i32
    %dma_wait3A_1422 = arith.constant 4 : i32
    %dma_wait3A_1423 = arith.constant 0 : i32
    %dma_wait3A_1424 = arith.constant 0 : i32
    %dma_wait3A_1425 = tpu.memref_slice %arg6[%dma_wait3A_1421, %dma_wait3A_1423, %dma_wait3A_1424] : memref<3x16x2048xf32, #tpu.memory_space<vmem>> -> memref<1x16x2048xf32, #tpu.memory_space<vmem>>
    %dma_wait3A_1426 = tpu.memref_squeeze %dma_wait3A_1425 : memref<1x16x2048xf32, #tpu.memory_space<vmem>> -> memref<16x2048xf32, #tpu.memory_space<vmem>>
    %dma_wait3A_1427 = arith.constant 0 : i32
    %dma_wait3A_1428 = arith.constant 0 : i32
    %dma_wait3A_1429 = tpu.memref_slice %dma_wait3A_1426[%dma_wait3A_1427, %dma_wait3A_1428] : memref<16x2048xf32, #tpu.memory_space<vmem>> -> memref<8x2048xf32, #tpu.memory_space<vmem>>
    %dma_wait3A_1430 = arith.constant 224 : i32
    %dma_wait3A_1431 = tpu.memref_slice %arg5[%dma_wait3A_1430] : memref<256xi32, #tpu.memory_space<vmem>> -> memref<8xi32, #tpu.memory_space<vmem>>
    %dma_wait3A_1432 = arith.constant 0 : i32
    %dma_wait3A_1433 = arith.constant 0 : i32
    %dma_wait3A_1434 = tpu.memref_slice %arg3[%dma_wait3A_1432, %dma_wait3A_1433] : memref<8192x2048xf32, #tpu.memory_space<hbm>> -> memref<8192x2048xf32, #tpu.memory_space<hbm>>
    %dma_wait3A_1435 = tpu.memref_slice %arg7[%dma_wait3A_1422] : memref<6x!tpu.dma_semaphore, #tpu.memory_space<semaphore_mem>> -> memref<1x!tpu.dma_semaphore, #tpu.memory_space<semaphore_mem>>
    %dma_wait3A_1436 = tpu.memref_squeeze %dma_wait3A_1435 : memref<1x!tpu.dma_semaphore, #tpu.memory_space<semaphore_mem>> -> memref<!tpu.dma_semaphore, #tpu.memory_space<semaphore_mem>>
    tpu.wait_indirect_dma semaphore(%dma_wait3A_1436 : memref<!tpu.dma_semaphore, #tpu.memory_space<semaphore_mem>>) src(%dma_wait3A_1434 : memref<8192x2048xf32, #tpu.memory_space<hbm>>) dst(%dma_wait3A_1429 : memref<8x2048xf32, #tpu.memory_space<vmem>>)
    %dma_wait3A_1437 = arith.constant 2 : i32
    %dma_wait3A_1438 = arith.constant 5 : i32
    %dma_wait3A_1439 = arith.constant 0 : i32
    %dma_wait3A_1440 = arith.constant 0 : i32
    %dma_wait3A_1441 = tpu.memref_slice %arg6[%dma_wait3A_1437, %dma_wait3A_1439, %dma_wait3A_1440] : memref<3x16x2048xf32, #tpu.memory_space<vmem>> -> memref<1x16x2048xf32, #tpu.memory_space<vmem>>
    %dma_wait3A_1442 = tpu.memref_squeeze %dma_wait3A_1441 : memref<1x16x2048xf32, #tpu.memory_space<vmem>> -> memref<16x2048xf32, #tpu.memory_space<vmem>>
    %dma_wait3A_1443 = arith.constant 8 : i32
    %dma_wait3A_1444 = arith.constant 0 : i32
    %dma_wait3A_1445 = tpu.memref_slice %dma_wait3A_1442[%dma_wait3A_1443, %dma_wait3A_1444] : memref<16x2048xf32, #tpu.memory_space<vmem>> -> memref<8x2048xf32, #tpu.memory_space<vmem>>
    %dma_wait3A_1446 = arith.constant 232 : i32
    %dma_wait3A_1447 = tpu.memref_slice %arg5[%dma_wait3A_1446] : memref<256xi32, #tpu.memory_space<vmem>> -> memref<8xi32, #tpu.memory_space<vmem>>
    %dma_wait3A_1448 = arith.constant 0 : i32
    %dma_wait3A_1449 = arith.constant 0 : i32
    %dma_wait3A_1450 = tpu.memref_slice %arg3[%dma_wait3A_1448, %dma_wait3A_1449] : memref<8192x2048xf32, #tpu.memory_space<hbm>> -> memref<8192x2048xf32, #tpu.memory_space<hbm>>
    %dma_wait3A_1451 = tpu.memref_slice %arg7[%dma_wait3A_1438] : memref<6x!tpu.dma_semaphore, #tpu.memory_space<semaphore_mem>> -> memref<1x!tpu.dma_semaphore, #tpu.memory_space<semaphore_mem>>
    %dma_wait3A_1452 = tpu.memref_squeeze %dma_wait3A_1451 : memref<1x!tpu.dma_semaphore, #tpu.memory_space<semaphore_mem>> -> memref<!tpu.dma_semaphore, #tpu.memory_space<semaphore_mem>>
    tpu.wait_indirect_dma semaphore(%dma_wait3A_1452 : memref<!tpu.dma_semaphore, #tpu.memory_space<semaphore_mem>>) src(%dma_wait3A_1450 : memref<8192x2048xf32, #tpu.memory_space<hbm>>) dst(%dma_wait3A_1445 : memref<8x2048xf32, #tpu.memory_space<vmem>>)
    %add3A_1453 = arith.constant 224 : i32
    %add3A_1454 = arith.addi %mul3A_2, %add3A_1453 : i32
    %dma_start3A_1455 = arith.constant 2 : i32
    %dma_start3A_1456 = arith.constant 2 : i32
    %dma_start3A_1457 = arith.constant 0 : i32
    %dma_start3A_1458 = arith.constant 0 : i32
    %dma_start3A_1459 = tpu.memref_slice %arg6[%dma_start3A_1455, %dma_start3A_1457, %dma_start3A_1458] : memref<3x16x2048xf32, #tpu.memory_space<vmem>> -> memref<1x16x2048xf32, #tpu.memory_space<vmem>>
    %dma_start3A_1460 = tpu.memref_squeeze %dma_start3A_1459 : memref<1x16x2048xf32, #tpu.memory_space<vmem>> -> memref<16x2048xf32, #tpu.memory_space<vmem>>
    %dma_start3A_1461 = arith.constant 0 : i32
    %dma_start3A_1462 = tpu.memref_slice %arg4[%add3A_1454, %dma_start3A_1461] : memref<8192x2048xf32, #tpu.memory_space<hbm>> -> memref<16x2048xf32, #tpu.memory_space<hbm>>
    %dma_start3A_1463 = tpu.memref_slice %arg8[%dma_start3A_1456] : memref<3x!tpu.dma_semaphore, #tpu.memory_space<semaphore_mem>> -> memref<1x!tpu.dma_semaphore, #tpu.memory_space<semaphore_mem>>
    %dma_start3A_1464 = tpu.memref_squeeze %dma_start3A_1463 : memref<1x!tpu.dma_semaphore, #tpu.memory_space<semaphore_mem>> -> memref<!tpu.dma_semaphore, #tpu.memory_space<semaphore_mem>>
    %dma_start3A_1465 = arith.constant 0 : i32
    %dma_start3A_1466 = tpu.memref_slice %arg4[%add3A_1454, %dma_start3A_1465] : memref<8192x2048xf32, #tpu.memory_space<hbm>> -> memref<16x2048xf32, #tpu.memory_space<hbm>>
    %dma_start3A_1467 = arith.constant 0 : i32
    %dma_start3A_1468 = arith.constant 0 : i32
    %dma_start3A_1469 = tpu.memref_slice %arg6[%dma_start3A_1455, %dma_start3A_1467, %dma_start3A_1468] : memref<3x16x2048xf32, #tpu.memory_space<vmem>> -> memref<1x16x2048xf32, #tpu.memory_space<vmem>>
    %dma_start3A_1470 = tpu.memref_squeeze %dma_start3A_1469 : memref<1x16x2048xf32, #tpu.memory_space<vmem>> -> memref<16x2048xf32, #tpu.memory_space<vmem>>
    tpu.enqueue_dma source(%dma_start3A_1470 : memref<16x2048xf32, #tpu.memory_space<vmem>>) target(%dma_start3A_1466 : memref<16x2048xf32, #tpu.memory_space<hbm>>) target_semaphore(%dma_start3A_1464 : memref<!tpu.dma_semaphore, #tpu.memory_space<semaphore_mem>>)
    %dma_wait3A_1471 = arith.constant 0 : i32
    %dma_wait3A_1472 = arith.constant 0 : i32
    %dma_wait3A_1473 = arith.constant 0 : i32
    %dma_wait3A_1474 = arith.constant 0 : i32
    %dma_wait3A_1475 = tpu.memref_slice %arg6[%dma_wait3A_1471, %dma_wait3A_1473, %dma_wait3A_1474] : memref<3x16x2048xf32, #tpu.memory_space<vmem>> -> memref<1x16x2048xf32, #tpu.memory_space<vmem>>
    %dma_wait3A_1476 = tpu.memref_squeeze %dma_wait3A_1475 : memref<1x16x2048xf32, #tpu.memory_space<vmem>> -> memref<16x2048xf32, #tpu.memory_space<vmem>>
    %dma_wait3A_1477 = arith.constant 0 : i32
    %dma_wait3A_1478 = arith.constant 0 : i32
    %dma_wait3A_1479 = tpu.memref_slice %dma_wait3A_1476[%dma_wait3A_1477, %dma_wait3A_1478] : memref<16x2048xf32, #tpu.memory_space<vmem>> -> memref<8x2048xf32, #tpu.memory_space<vmem>>
    %dma_wait3A_1480 = arith.constant 240 : i32
    %dma_wait3A_1481 = tpu.memref_slice %arg5[%dma_wait3A_1480] : memref<256xi32, #tpu.memory_space<vmem>> -> memref<8xi32, #tpu.memory_space<vmem>>
    %dma_wait3A_1482 = arith.constant 0 : i32
    %dma_wait3A_1483 = arith.constant 0 : i32
    %dma_wait3A_1484 = tpu.memref_slice %arg3[%dma_wait3A_1482, %dma_wait3A_1483] : memref<8192x2048xf32, #tpu.memory_space<hbm>> -> memref<8192x2048xf32, #tpu.memory_space<hbm>>
    %dma_wait3A_1485 = tpu.memref_slice %arg7[%dma_wait3A_1472] : memref<6x!tpu.dma_semaphore, #tpu.memory_space<semaphore_mem>> -> memref<1x!tpu.dma_semaphore, #tpu.memory_space<semaphore_mem>>
    %dma_wait3A_1486 = tpu.memref_squeeze %dma_wait3A_1485 : memref<1x!tpu.dma_semaphore, #tpu.memory_space<semaphore_mem>> -> memref<!tpu.dma_semaphore, #tpu.memory_space<semaphore_mem>>
    tpu.wait_indirect_dma semaphore(%dma_wait3A_1486 : memref<!tpu.dma_semaphore, #tpu.memory_space<semaphore_mem>>) src(%dma_wait3A_1484 : memref<8192x2048xf32, #tpu.memory_space<hbm>>) dst(%dma_wait3A_1479 : memref<8x2048xf32, #tpu.memory_space<vmem>>)
    %dma_wait3A_1487 = arith.constant 0 : i32
    %dma_wait3A_1488 = arith.constant 1 : i32
    %dma_wait3A_1489 = arith.constant 0 : i32
    %dma_wait3A_1490 = arith.constant 0 : i32
    %dma_wait3A_1491 = tpu.memref_slice %arg6[%dma_wait3A_1487, %dma_wait3A_1489, %dma_wait3A_1490] : memref<3x16x2048xf32, #tpu.memory_space<vmem>> -> memref<1x16x2048xf32, #tpu.memory_space<vmem>>
    %dma_wait3A_1492 = tpu.memref_squeeze %dma_wait3A_1491 : memref<1x16x2048xf32, #tpu.memory_space<vmem>> -> memref<16x2048xf32, #tpu.memory_space<vmem>>
    %dma_wait3A_1493 = arith.constant 8 : i32
    %dma_wait3A_1494 = arith.constant 0 : i32
    %dma_wait3A_1495 = tpu.memref_slice %dma_wait3A_1492[%dma_wait3A_1493, %dma_wait3A_1494] : memref<16x2048xf32, #tpu.memory_space<vmem>> -> memref<8x2048xf32, #tpu.memory_space<vmem>>
    %dma_wait3A_1496 = arith.constant 248 : i32
    %dma_wait3A_1497 = tpu.memref_slice %arg5[%dma_wait3A_1496] : memref<256xi32, #tpu.memory_space<vmem>> -> memref<8xi32, #tpu.memory_space<vmem>>
    %dma_wait3A_1498 = arith.constant 0 : i32
    %dma_wait3A_1499 = arith.constant 0 : i32
    %dma_wait3A_1500 = tpu.memref_slice %arg3[%dma_wait3A_1498, %dma_wait3A_1499] : memref<8192x2048xf32, #tpu.memory_space<hbm>> -> memref<8192x2048xf32, #tpu.memory_space<hbm>>
    %dma_wait3A_1501 = tpu.memref_slice %arg7[%dma_wait3A_1488] : memref<6x!tpu.dma_semaphore, #tpu.memory_space<semaphore_mem>> -> memref<1x!tpu.dma_semaphore, #tpu.memory_space<semaphore_mem>>
    %dma_wait3A_1502 = tpu.memref_squeeze %dma_wait3A_1501 : memref<1x!tpu.dma_semaphore, #tpu.memory_space<semaphore_mem>> -> memref<!tpu.dma_semaphore, #tpu.memory_space<semaphore_mem>>
    tpu.wait_indirect_dma semaphore(%dma_wait3A_1502 : memref<!tpu.dma_semaphore, #tpu.memory_space<semaphore_mem>>) src(%dma_wait3A_1500 : memref<8192x2048xf32, #tpu.memory_space<hbm>>) dst(%dma_wait3A_1495 : memref<8x2048xf32, #tpu.memory_space<vmem>>)
    %add3A_1503 = arith.constant 240 : i32
    %add3A_1504 = arith.addi %mul3A_2, %add3A_1503 : i32
    %dma_start3A_1505 = arith.constant 0 : i32
    %dma_start3A_1506 = arith.constant 0 : i32
    %dma_start3A_1507 = arith.constant 0 : i32
    %dma_start3A_1508 = arith.constant 0 : i32
    %dma_start3A_1509 = tpu.memref_slice %arg6[%dma_start3A_1505, %dma_start3A_1507, %dma_start3A_1508] : memref<3x16x2048xf32, #tpu.memory_space<vmem>> -> memref<1x16x2048xf32, #tpu.memory_space<vmem>>
    %dma_start3A_1510 = tpu.memref_squeeze %dma_start3A_1509 : memref<1x16x2048xf32, #tpu.memory_space<vmem>> -> memref<16x2048xf32, #tpu.memory_space<vmem>>
    %dma_start3A_1511 = arith.constant 0 : i32
    %dma_start3A_1512 = tpu.memref_slice %arg4[%add3A_1504, %dma_start3A_1511] : memref<8192x2048xf32, #tpu.memory_space<hbm>> -> memref<16x2048xf32, #tpu.memory_space<hbm>>
    %dma_start3A_1513 = tpu.memref_slice %arg8[%dma_start3A_1506] : memref<3x!tpu.dma_semaphore, #tpu.memory_space<semaphore_mem>> -> memref<1x!tpu.dma_semaphore, #tpu.memory_space<semaphore_mem>>
    %dma_start3A_1514 = tpu.memref_squeeze %dma_start3A_1513 : memref<1x!tpu.dma_semaphore, #tpu.memory_space<semaphore_mem>> -> memref<!tpu.dma_semaphore, #tpu.memory_space<semaphore_mem>>
    %dma_start3A_1515 = arith.constant 0 : i32
    %dma_start3A_1516 = tpu.memref_slice %arg4[%add3A_1504, %dma_start3A_1515] : memref<8192x2048xf32, #tpu.memory_space<hbm>> -> memref<16x2048xf32, #tpu.memory_space<hbm>>
    %dma_start3A_1517 = arith.constant 0 : i32
    %dma_start3A_1518 = arith.constant 0 : i32
    %dma_start3A_1519 = tpu.memref_slice %arg6[%dma_start3A_1505, %dma_start3A_1517, %dma_start3A_1518] : memref<3x16x2048xf32, #tpu.memory_space<vmem>> -> memref<1x16x2048xf32, #tpu.memory_space<vmem>>
    %dma_start3A_1520 = tpu.memref_squeeze %dma_start3A_1519 : memref<1x16x2048xf32, #tpu.memory_space<vmem>> -> memref<16x2048xf32, #tpu.memory_space<vmem>>
    tpu.enqueue_dma source(%dma_start3A_1520 : memref<16x2048xf32, #tpu.memory_space<vmem>>) target(%dma_start3A_1516 : memref<16x2048xf32, #tpu.memory_space<hbm>>) target_semaphore(%dma_start3A_1514 : memref<!tpu.dma_semaphore, #tpu.memory_space<semaphore_mem>>)
    %dma_wait3A_1521 = arith.constant 1 : i32
    %dma_wait3A_1522 = arith.constant 1 : i32
    %dma_wait3A_1523 = arith.constant 0 : i32
    %dma_wait3A_1524 = arith.constant 0 : i32
    %dma_wait3A_1525 = tpu.memref_slice %arg6[%dma_wait3A_1521, %dma_wait3A_1523, %dma_wait3A_1524] : memref<3x16x2048xf32, #tpu.memory_space<vmem>> -> memref<1x16x2048xf32, #tpu.memory_space<vmem>>
    %dma_wait3A_1526 = tpu.memref_squeeze %dma_wait3A_1525 : memref<1x16x2048xf32, #tpu.memory_space<vmem>> -> memref<16x2048xf32, #tpu.memory_space<vmem>>
    %dma_wait3A_1527 = arith.constant 0 : i32
    %dma_wait3A_1528 = tpu.memref_slice %arg4[%add3A_1404, %dma_wait3A_1527] : memref<8192x2048xf32, #tpu.memory_space<hbm>> -> memref<16x2048xf32, #tpu.memory_space<hbm>>
    %dma_wait3A_1529 = tpu.memref_slice %arg8[%dma_wait3A_1522] : memref<3x!tpu.dma_semaphore, #tpu.memory_space<semaphore_mem>> -> memref<1x!tpu.dma_semaphore, #tpu.memory_space<semaphore_mem>>
    %dma_wait3A_1530 = tpu.memref_squeeze %dma_wait3A_1529 : memref<1x!tpu.dma_semaphore, #tpu.memory_space<semaphore_mem>> -> memref<!tpu.dma_semaphore, #tpu.memory_space<semaphore_mem>>
    %dma_wait3A_1531 = arith.constant 0 : i32
    %dma_wait3A_1532 = tpu.memref_slice %arg4[%add3A_1404, %dma_wait3A_1531] : memref<8192x2048xf32, #tpu.memory_space<hbm>> -> memref<16x2048xf32, #tpu.memory_space<hbm>>
    %dma_wait3A_1533 = arith.constant 0 : i32
    %dma_wait3A_1534 = arith.constant 0 : i32
    %dma_wait3A_1535 = tpu.memref_slice %arg6[%dma_wait3A_1521, %dma_wait3A_1533, %dma_wait3A_1534] : memref<3x16x2048xf32, #tpu.memory_space<vmem>> -> memref<1x16x2048xf32, #tpu.memory_space<vmem>>
    %dma_wait3A_1536 = tpu.memref_squeeze %dma_wait3A_1535 : memref<1x16x2048xf32, #tpu.memory_space<vmem>> -> memref<16x2048xf32, #tpu.memory_space<vmem>>
    tpu.wait_dma2 semaphore(%dma_wait3A_1530 : memref<!tpu.dma_semaphore, #tpu.memory_space<semaphore_mem>>) src(%dma_wait3A_1536 : memref<16x2048xf32, #tpu.memory_space<vmem>>) dst(%dma_wait3A_1532 : memref<16x2048xf32, #tpu.memory_space<hbm>>)
    %dma_wait3A_1537 = arith.constant 2 : i32
    %dma_wait3A_1538 = arith.constant 2 : i32
    %dma_wait3A_1539 = arith.constant 0 : i32
    %dma_wait3A_1540 = arith.constant 0 : i32
    %dma_wait3A_1541 = tpu.memref_slice %arg6[%dma_wait3A_1537, %dma_wait3A_1539, %dma_wait3A_1540] : memref<3x16x2048xf32, #tpu.memory_space<vmem>> -> memref<1x16x2048xf32, #tpu.memory_space<vmem>>
    %dma_wait3A_1542 = tpu.memref_squeeze %dma_wait3A_1541 : memref<1x16x2048xf32, #tpu.memory_space<vmem>> -> memref<16x2048xf32, #tpu.memory_space<vmem>>
    %dma_wait3A_1543 = arith.constant 0 : i32
    %dma_wait3A_1544 = tpu.memref_slice %arg4[%add3A_1454, %dma_wait3A_1543] : memref<8192x2048xf32, #tpu.memory_space<hbm>> -> memref<16x2048xf32, #tpu.memory_space<hbm>>
    %dma_wait3A_1545 = tpu.memref_slice %arg8[%dma_wait3A_1538] : memref<3x!tpu.dma_semaphore, #tpu.memory_space<semaphore_mem>> -> memref<1x!tpu.dma_semaphore, #tpu.memory_space<semaphore_mem>>
    %dma_wait3A_1546 = tpu.memref_squeeze %dma_wait3A_1545 : memref<1x!tpu.dma_semaphore, #tpu.memory_space<semaphore_mem>> -> memref<!tpu.dma_semaphore, #tpu.memory_space<semaphore_mem>>
    %dma_wait3A_1547 = arith.constant 0 : i32
    %dma_wait3A_1548 = tpu.memref_slice %arg4[%add3A_1454, %dma_wait3A_1547] : memref<8192x2048xf32, #tpu.memory_space<hbm>> -> memref<16x2048xf32, #tpu.memory_space<hbm>>
    %dma_wait3A_1549 = arith.constant 0 : i32
    %dma_wait3A_1550 = arith.constant 0 : i32
    %dma_wait3A_1551 = tpu.memref_slice %arg6[%dma_wait3A_1537, %dma_wait3A_1549, %dma_wait3A_1550] : memref<3x16x2048xf32, #tpu.memory_space<vmem>> -> memref<1x16x2048xf32, #tpu.memory_space<vmem>>
    %dma_wait3A_1552 = tpu.memref_squeeze %dma_wait3A_1551 : memref<1x16x2048xf32, #tpu.memory_space<vmem>> -> memref<16x2048xf32, #tpu.memory_space<vmem>>
    tpu.wait_dma2 semaphore(%dma_wait3A_1546 : memref<!tpu.dma_semaphore, #tpu.memory_space<semaphore_mem>>) src(%dma_wait3A_1552 : memref<16x2048xf32, #tpu.memory_space<vmem>>) dst(%dma_wait3A_1548 : memref<16x2048xf32, #tpu.memory_space<hbm>>)
    %dma_wait3A_1553 = arith.constant 0 : i32
    %dma_wait3A_1554 = arith.constant 0 : i32
    %dma_wait3A_1555 = arith.constant 0 : i32
    %dma_wait3A_1556 = arith.constant 0 : i32
    %dma_wait3A_1557 = tpu.memref_slice %arg6[%dma_wait3A_1553, %dma_wait3A_1555, %dma_wait3A_1556] : memref<3x16x2048xf32, #tpu.memory_space<vmem>> -> memref<1x16x2048xf32, #tpu.memory_space<vmem>>
    %dma_wait3A_1558 = tpu.memref_squeeze %dma_wait3A_1557 : memref<1x16x2048xf32, #tpu.memory_space<vmem>> -> memref<16x2048xf32, #tpu.memory_space<vmem>>
    %dma_wait3A_1559 = arith.constant 0 : i32
    %dma_wait3A_1560 = tpu.memref_slice %arg4[%add3A_1504, %dma_wait3A_1559] : memref<8192x2048xf32, #tpu.memory_space<hbm>> -> memref<16x2048xf32, #tpu.memory_space<hbm>>
    %dma_wait3A_1561 = tpu.memref_slice %arg8[%dma_wait3A_1554] : memref<3x!tpu.dma_semaphore, #tpu.memory_space<semaphore_mem>> -> memref<1x!tpu.dma_semaphore, #tpu.memory_space<semaphore_mem>>
    %dma_wait3A_1562 = tpu.memref_squeeze %dma_wait3A_1561 : memref<1x!tpu.dma_semaphore, #tpu.memory_space<semaphore_mem>> -> memref<!tpu.dma_semaphore, #tpu.memory_space<semaphore_mem>>
    %dma_wait3A_1563 = arith.constant 0 : i32
    %dma_wait3A_1564 = tpu.memref_slice %arg4[%add3A_1504, %dma_wait3A_1563] : memref<8192x2048xf32, #tpu.memory_space<hbm>> -> memref<16x2048xf32, #tpu.memory_space<hbm>>
    %dma_wait3A_1565 = arith.constant 0 : i32
    %dma_wait3A_1566 = arith.constant 0 : i32
    %dma_wait3A_1567 = tpu.memref_slice %arg6[%dma_wait3A_1553, %dma_wait3A_1565, %dma_wait3A_1566] : memref<3x16x2048xf32, #tpu.memory_space<vmem>> -> memref<1x16x2048xf32, #tpu.memory_space<vmem>>
    %dma_wait3A_1568 = tpu.memref_squeeze %dma_wait3A_1567 : memref<1x16x2048xf32, #tpu.memory_space<vmem>> -> memref<16x2048xf32, #tpu.memory_space<vmem>>
    tpu.wait_dma2 semaphore(%dma_wait3A_1562 : memref<!tpu.dma_semaphore, #tpu.memory_space<semaphore_mem>>) src(%dma_wait3A_1568 : memref<16x2048xf32, #tpu.memory_space<vmem>>) dst(%dma_wait3A_1564 : memref<16x2048xf32, #tpu.memory_space<hbm>>)
    return
  }
}

</mosaic_0001>

<sc_bundles>
// kernel: sc_row_permute.3.cloned.1.call-start
scs
__scs_entry_jumppad:
0x0: {  	(pc) =	sbr.rel $0x88, $3  }
0x1: {  	(tag) =	ssettag $0x0;
	lr =	simm.s32 $0x1  }
0x2: {  	[smem:$0x3F9F] =	sst lr;
	_ =	strace $0xD0000000  }
0x3: {  	_ = 	snop  }
0x4: {  	_ = 	snop  }
0x5: {  	_ = 	snop  }
0x6: {  	_ = 	snop  }
0x7: {  	_ = 	snop  }
__scs_overlays_trampoline_lowered:
0x8: {  	[smem:$0x3FAE] =	sst s0  }
0x9: {  	[smem:$0x3FAF] =	sst s1  }
0xa: {  	[smem:$0x3FB0] =	sst s2  }
0xb: {  	[smem:$0x3FB1] =	sst s3  }
0xc: {  	[smem:$0x3FB2] =	sst s4  }
0xd: {  	[smem:$0x3FB3] =	sst s5  }
0xe: {  	[smem:$0x3FB4] =	sst s6  }
0xf: {  	[smem:$0x3FB5] =	sst s7  }
0x10: {  	[smem:$0x3FB6] =	sst s8  }
0x11: {  	[smem:$0x3FB7] =	sst s9;
	s0 =	simm.s32 @!p0 $0x0  }
0x12: {  	s1 =	sld [smem:$0x3F9D];
	s0 =	simm.s32 @p0 $0x1  }
0x13: {  	[smem:$0x3FB8] =	sst s0;
	s0 =	simm.s32 @!p1 $0x0  }
0x14: {  	s2 =	sld [smem:$0x3F9C];
	s0 =	simm.s32 @p1 $0x1  }
0x15: {  	[smem:$0x3FB9] =	sst s0;
	s0 =	simm.s32 @!p2 $0x0  }
0x16: {  	s3 =	sld [smem:$0x3FDB];
	s0 =	simm.s32 @p2 $0x1  }
0x17: {  	s4 =	simm.s32 $0x1BF5;
	[smem:$0x3FBB] =	sst s0  }
0x18: {  	s0 =	sld [smem:$0x3F9E];
	_ =	swait.ge [sflag:s4], $0x0  }
0x19: {  	s7 =	sld [smem:$0x3F9F]  }
0x1a: {  	s8 =	sadd.s32 $0xFFFFE003, lr  }
0x1b: {  	s9 =	sadd.s32 $0xFFFFFEF7, lr;
	s5 =	simm.s32 $0xFFFFFFFF;
	p2 =	slt.u32 s8, $0xFFFFF086  }
0x1c: {  	p1 =	slt.u32 s9, $0xF7A;
	s5 =	simm.s32 @!p2 $0x0  }
0x1d: {  	s5 =	simm.s32 @p1 $0x1;
	p0 =	seq.s32 s7, s2  }
0x1e: {  	s7 =	smul.u32 @!p0 $0xF7A, s2;
	p2 =	seq.s32 @!p0 s5, $0x0  }
0x1f: {  	s9 =	smul.u32 $0xF7A, s1;
	s8 =	simm.s32 @!p0 $0x1BF5;
	p2 =	por !p2, p0  }
0x20: {  	[sflag:s8] =	ssyncset.s32 @!p0 $0xFFFFF086;
	s6 =	sadd.s32 @!p0 s3, s7;
	s7 =	simm.s32 @!p0 $0x108  }
0x21: {  	s3 =	sadd.s32 s3, s9;
	s6 =	sadd.s32 @!p0 $0x88, s6;
	s7 =	simm.s32 @p2 $0x1082  }
0x22: {  	[simem:s7], [sflag:s8] =	dma.local @!p0 [hbm:s6], $0xF7A  }
0x23: {  	s9 =	sor.u32 $0xD0000000, s2;
	s6 =	simm.s32 $0x108;
	_ =	swait.ge @!p0 [sflag:s8], $0x0  }
0x24: {  	s3 =	sadd.s32 $0x88, s3;
	s6 =	simm.s32 @!p1 $0x1082;
	[sflag:s4] =	ssyncset.s32 $0xFFFFF086  }
0x25: {  	[simem:s6], [sflag:s4] =	dma.local [hbm:s3], $0xF7A  }
0x26: {  	[smem:$0x3F9F] =	sst s1;
	(tag) =	ssettag s2;
	_ =	strace s9  }
0x27: {  	s1 =	sld [smem:$0x3FAF]  }
0x28: {  	s2 =	sld [smem:$0x3FB0]  }
0x29: {  	s4 =	sld [smem:$0x3FB2]  }
0x2a: {  	p0 =	seq.s32 s5, $0x0;
	s5 =	sld [smem:$0x3FB3]  }
0x2b: {  	s6 =	sld [smem:$0x3FB4]  }
0x2c: {  	s7 =	sld [smem:$0x3FB5]  }
0x2d: {  	s3 =	simm.s32 $0x108;
	s8 =	sld [smem:$0x3FB6]  }
0x2e: {  	s3 =	simm.s32 @!p0 $0x1082;
	s9 =	sld [smem:$0x3FB7]  }
0x2f: {  	lr =	sadd.s32 s0, s3;
	s0 =	sld [smem:$0x3FAE]  }
0x30: {  	s3 =	sld [smem:$0x3FB1]  }
0x31: {  	[smem:$0x3FBA] =	sst s10  }
0x32: {  	s10 =	sld [smem:$0x3FB8];
	_ =	sdelay $0x3  }
0x33: {  	p0 =	seq.s32 s10, $0x1;
	s10 =	sld [smem:$0x3FBA];
	_ =	sdelay $0x3  }
0x34: {  	[smem:$0x3FBA] =	sst s10  }
0x35: {  	s10 =	sld [smem:$0x3FB9];
	_ =	sdelay $0x3  }
0x36: {  	p1 =	seq.s32 s10, $0x1;
	s10 =	sld [smem:$0x3FBA];
	_ =	sdelay $0x3  }
0x37: {  	[smem:$0x3FBA] =	sst s10  }
0x38: {  	s10 =	sld [smem:$0x3FBB]  }
0x39: {  	_ = 	snop;
	(pc) =	sbr.ind lr, $3  }
0x3a: {  	_ = 	snop  }
0x3b: {  	_ = 	snop  }
0x3c: {  	p2 =	seq.s32 s10, $0x1;
	s10 =	sld [smem:$0x3FBA]  }
0x3d: {  	_ =	shalt  }
0x3e: {  	_ =	shalt  }
0x3f: {  	_ =	shalt  }
0x40: {  	_ =	shalt  }
0x41: {  	_ =	shalt  }
0x42: {  	_ =	shalt  }
0x43: {  	_ =	shalt  }
0x44: {  	_ =	shalt  }
0x45: {  	_ =	shalt  }
0x46: {  	_ =	shalt  }
0x47: {  	_ =	shalt  }
0x48: {  	_ =	shalt  }
0x49: {  	_ =	shalt  }
0x4a: {  	_ =	shalt  }
0x4b: {  	_ =	shalt  }
0x4c: {  	_ =	shalt  }
0x4d: {  	_ =	shalt  }
0x4e: {  	_ =	shalt  }
0x4f: {  	_ =	shalt  }
0x50: {  	_ =	shalt  }
0x51: {  	_ =	shalt  }
0x52: {  	_ =	shalt  }
0x53: {  	_ =	shalt  }
0x54: {  	_ =	shalt  }
0x55: {  	_ =	shalt  }
0x56: {  	_ =	shalt  }
0x57: {  	_ =	shalt  }
0x58: {  	_ =	shalt  }
0x59: {  	_ =	shalt  }
0x5a: {  	_ =	shalt  }
0x5b: {  	_ =	shalt  }
0x5c: {  	_ =	shalt  }
0x5d: {  	_ =	shalt  }
0x5e: {  	_ =	shalt  }
0x5f: {  	_ =	shalt  }
0x60: {  	_ =	shalt  }
0x61: {  	_ =	shalt  }
0x62: {  	_ =	shalt  }
0x63: {  	_ =	shalt  }
0x64: {  	_ =	shalt  }
0x65: {  	_ =	shalt  }
0x66: {  	_ =	shalt  }
0x67: {  	_ =	shalt  }
0x68: {  	_ =	shalt  }
0x69: {  	_ =	shalt  }
0x6a: {  	_ =	shalt  }
0x6b: {  	_ =	shalt  }
0x6c: {  	_ =	shalt  }
0x6d: {  	_ =	shalt  }
0x6e: {  	_ =	shalt  }
0x6f: {  	_ =	shalt  }
0x70: {  	_ =	shalt  }
0x71: {  	_ =	shalt  }
0x72: {  	_ =	shalt  }
0x73: {  	_ =	shalt  }
0x74: {  	_ =	shalt  }
0x75: {  	_ =	shalt  }
0x76: {  	_ =	shalt  }
0x77: {  	_ =	shalt  }
0x78: {  	_ =	shalt  }
0x79: {  	_ =	shalt  }
0x7a: {  	_ =	shalt  }
0x7b: {  	_ =	shalt  }
0x7c: {  	_ =	shalt  }
0x7d: {  	_ =	shalt  }
0x7e: {  	_ =	shalt  }
0x7f: {  	_ =	shalt  }
0x80: {  	_ =	shalt  }
0x81: {  	_ =	shalt  }
0x82: {  	_ =	shalt  }
0x83: {  	_ =	shalt  }
0x84: {  	_ =	shalt  }
0x85: {  	_ =	shalt  }
0x86: {  	_ =	shalt  }
0x87: {  	_ =	shalt  }
.Lfunc_end0:
.L_simem_size_0:
called_computation_lowered:
.L_overlay_start_0:
0x88: {  	s2 =	sld [smem:$0x3FD9]  }
0x89: {  	s3 =	sld [smem:$0x3FFE];
	_ =	sdelay $0x1  }
0x8a: {  	s1 =	srdreg.scid  }
0x8b: {  	s0 =	sand.u32 $0x1, s1  }
0x8c: {  	s17 =	sshll.u32 s0, $0xA;
	s2 =	sadd.s32 s3, s2  }
0x8d: {  	s2 =	sadd.s32 s2, s17  }
0x8e: {  	[smem:$0x3FC6] =	sst s2  }
0x8f: {  	_ = 	snop  }
0x90: {  	s2 =	sld [smem:$0x3FC8]  }
0x91: {  	s18 =	sld [smem:$0x3FD0];
	(tm) =	ssettm $0x1  }
0x92: {  	s4 =	sld [smem:$0x3FFB];
	_ =	sdelay $0x3  }
0x93: {  	_ =	strace s4  }
0x94: {  	s4 =	sld [smem:$0x3FFC];
	_ =	sdelay $0x3  }
0x95: {  	_ =	strace s4  }
0x96: {  	s4 =	sld [smem:$0x3FFD];
	_ =	sdelay $0x3  }
0x97: {  	_ =	strace s4  }
0x98: {  	_ =	strace $0x8FFFFFFF  }
0x99: {  	s19 =	sld [smem:$0x3FDB];
	_ =	sdelay $0x1  }
0x9a: {  	s5 =	simm.s32 $_scs_section_size  }
0x9b: {  	s6 =	simm.s32 $_size__tile_overlayer_lowered;
	s7 =	simm.s32 $_tile_overlayer_lowered  }
0x9c: {  	s22 =	simm.s32 $0x1BFF;
	s21 =	sshll.u32 s7, $0x1;
	s4 =	sadd.s32 s5, s19  }
0x9d: {  	s8 =	simm.s32 $0x0;
	s20 =	sshll.u32 s6, $0x1;
	s6 =	sadd.s32 s21, s4  }
0x9e: {  	[timem:s8], [sflag:s22] =	dma.local [hbm:s6], s20  }
0x9f: {  	_ =	swait.ge [sflag:s22], s20  }
0xa0: {  	s5 =	ssub.s32 $0x0, s20;
	[sflag:s22] =	ssyncset.done $0x0  }
0xa1: {  	[sflag:s22] =	ssyncadd.s32 s5;
	_ =	sdelay $0x1  }
0xa2: {  	s23 =	simm.s32 $0x1B8B  }
0xa3: {  	_ =	swait.ge [sflag:s23], $0x1  }
0xa4: {  	[sflag:s23] =	ssyncset.done $0x0  }
0xa5: {  	s25 =	simm.s32 $0x1B8E;
	s24 =	sld [smem:$0x3FFE];
	[sflag:s23] =	ssyncadd.s32 $0xFFFFFFFF  }
0xa6: {  	s26 =	simm.s32 $execute0_lowered;
	[smem:$0x3FD2] =	sst s25  }
0xa7: {  	s6 =	sshll.u32 s26, $0x1;
	_ =	strace $0x80000046;
	[dreg:$0x1] =	wrdreg $0xFFFFFFFF  }
0xa8: {  	s28 =	simm.s32 $_size_execute0_lowered;
	s4 =	sadd.s32 s4, s6;
	[dreg:$0x0] =	wrdreg $0x0  }
0xa9: {  	s6 =	sshll.u32 s28, $0x1;
	[dreg:$0x2] =	wrdreg s4  }
0xaa: {  	[dreg:$0x3] =	wrdreg s6  }
0xab: {  	[dreg:$0x4] =	wrdreg $0xC0  }
0xac: {  	_ =	task [dreg:s8], $0x5FFFF  }
0xad: {  	[dreg:$0x1] =	wrdreg $0xFFFFFFFF  }
0xae: {  	[dreg:$0x0] =	wrdreg $0x60  }
0xaf: {  	[dreg:$0x2] =	wrdreg s24  }
0xb0: {  	[dreg:$0x3] =	wrdreg s2  }
0xb1: {  	[dreg:$0x4] =	wrdreg s18  }
0xb2: {  	[dreg:$0x5] =	wrdreg $0x9  }
0xb3: {  	_ =	task.clear_ibuf [dreg:s8], $0x6FFFF;
	_ =	strace $0x90000046  }
0xb4: {  	s29 =	simm.s32 $0x9;
	_ =	strace $0x80000048  }
0xb5: {  	_ =	swait.ge [sflag:s29], $0x1  }
0xb6: {  	[sflag:s29] =	ssyncadd.s32 $0xFFFFFFFF  }
0xb7: {  	_ =	strace $0x90000048  }
0xb8: {  	_ =	sfence  }
0xb9: {  	s30 =	sld [smem:$0x0];
	_ =	sdelay $0x2  }
0xba: {  	s31 =	sshll.u32 s1, $0xD;
	s1 =	sshrl.u32 s1, $0x2  }
0xbb: {  	s3 =	sand.u32 $0x4000, s31;
	s1 =	sadd.s32 s1, s30  }
0xbc: {  	s0 =	sor.u32 s3, s0;
	s1 =	sshll.u32 s1, $0x11  }
0xbd: {  	s0 =	sor.u32 s1, s0  }
0xbe: {  	s0 =	sadd.s32 $0x8F2B, s0  }
0xbf: {  	[sflag:s0] =	ssyncadd.remote.s32 $0x1  }
0xc0: {  	_ =	sfence.sel $0xFFFF  }
0xc1: {  	[dreg:$0x0] =	wrdreg $0xFFFFFFFF;
	(pc) =	sbr.abs _section_cstart, $3  }
0xc2: {  	[dreg:$0x1] =	wrdreg $0xFFFFFFFF  }
0xc3: {  	_ =	task.clear_ibuf [dreg:s8], $0x2FFFF;
	_ =	strace $0x9FFFFFFF  }
0xc4: {  	(tm) =	ssettm $0x7FFFFFFF  }
0xc5: {  	_ =	shalt  }
tec
execute0_lowered:
.L_overlay_start_1:
0x0: {  	(tag) =	ssettag $0x1  }
0x1: {  	s0 =	srdreg.scid  }
0x2: {  	s1 =	rddreg [dreg:$0x0];
	s3 =	stileid.u32;
	s0 =	sand.u32 $0x1, s0  }
0x3: {  	s2 =	rddreg [dreg:$0x1];
	s3 =	sshll.u32 s3, $0x9;
	s4 =	sshll.u32 s0, $0x8  }
0x4: {  	s5 =	rddreg [dreg:$0x2];
	s4 =	sor.u32 s4, s3  }
0x5: {  	s3 =	simm.s32 $0x0;
	s6 =	sshrl.u32 s4, $0x3;
	s4 =	sshll.u32 s4, $0x8  }
0x6: {  	[smem:$0x7FF] =	sst s3;
	s1 =	sadd.s32 s6, s1;
	s12 =	sadd.s32 s5, s4  }
0x7: {  	_ =	strace $0x80000047;
	s1 =	sadd.s32 $0x400, s1;
	[dreg:$0x14] =	wrdreg s12  }
0x8: {  	s15 =	sadd.s32 $0x1000, s12;
	[dreg:$0x4] =	wrdreg s1  }
0x9: {  	s16 =	sadd.s32 $0x2000, s12;
	[dreg:$0x5] =	wrdreg s15  }
0xa: {  	s17 =	sadd.s32 $0x3000, s12;
	[dreg:$0x6] =	wrdreg s16  }
0xb: {  	s13 =	simm.s32 $0x3;
	s18 =	sadd.s32 $0x4000, s12;
	[dreg:$0x7] =	wrdreg s17  }
0xc: {  	s7 =	sadd.s32 $0x300, s2;
	s19 =	sadd.s32 $0x5000, s12;
	[dreg:$0x8] =	wrdreg s18  }
0xd: {  	s8 =	sadd.s32 $0x400, s2;
	s20 =	sadd.s32 $0x6000, s12;
	[dreg:$0x9] =	wrdreg s19  }
0xe: {  	s9 =	sadd.s32 $0x500, s2;
	s22 =	sadd.s32 $0x7000, s12;
	[dreg:$0xa] =	wrdreg s20  }
0xf: {  	s10 =	sadd.s32 $0x600, s2;
	s23 =	sadd.s32 $0x8000, s12;
	[dreg:$0xb] =	wrdreg s22  }
0x10: {  	s11 =	sadd.s32 $0x700, s2;
	s24 =	sadd.s32 $0x9000, s12;
	[dreg:$0xc] =	wrdreg s23  }
0x11: {  	s0 =	ssub.s32 $0x2, s0;
	s25 =	sadd.s32 $0xA000, s12;
	[dreg:$0xd] =	wrdreg s24  }
0x12: {  	s21 =	sshrl.u32 s0, $0x1;
	s26 =	sadd.s32 $0xB000, s12;
	[dreg:$0xe] =	wrdreg s25  }
0x13: {  	s0 =	ssub.s32 s0, s21;
	s28 =	sadd.s32 $0xC000, s12;
	[dreg:$0xf] =	wrdreg s26  }
0x14: {  	s5 =	sadd.s32 $0x100, s2;
	s29 =	sadd.s32 $0xD000, s12;
	[dreg:$0x10] =	wrdreg s28  }
0x15: {  	s6 =	sadd.s32 $0x200, s2;
	s30 =	sadd.s32 $0xE000, s12;
	[dreg:$0x11] =	wrdreg s29  }
0x16: {  	s4 =	simm.s32 $0x2;
	s31 =	sadd.s32 $0xF000, s12;
	[dreg:$0x12] =	wrdreg s30  }
0x17: {  	v0 =	vlaneseq.u32;
	s12 =	smax.u32 s0, $0x1;
	s0 =	simm.s32 $0x1;
	[dreg:$0x13] =	wrdreg s31  }
0x18: {  	v1 =	vshrl.u32 v0, $0x3;
	s1 =	simm.s32 $0x7;
	s16 =	simm.s32 $0x4;
	s17 =	simm.s32 $0x8  }
0x19: {  	vm0 =	vmmov $0xffff;
	v0 =	vand.u32 $0x7, v0;
	v1 =	vmul.u32 $0x8, v1;
	s18 =	simm.s32 $0x5;
	s19 =	simm.s32 $0x6;
	s20 =	simm.s32 $0x9  }
.LBB2_1:
0x1a: {  	[dreg:$0x15] =	wrdreg s12  }
0x1b: {  	s21 =	rddreg [dreg:$0x4];
	s12 =	simm.s32 $0xA  }
0x1c: {  	[tilespmem:s3], [sflag:$0xA] =	stream.linear.gather [hbm4b:s21+s3], $0x100, $0x38;
	[tilespmem:$0x18100] =	vst v63  }
0x1d: {  	_ =	swait.ge [sflag:s12], $0x100  }
0x1e: {  	[sflag:s12] =	ssyncset.done $0x0  }
0x1f: {  	[sflag:s12] =	ssyncadd.s32 $0xFFFFFF00  }
0x20: {  	v2 =	vld.msk [tilespmem:$0x0], $0xff;
	_ =	sdelay $0x4  }
0x21: {  	v3 =	vshll.u32 v2, $0x4  }
0x22: {  	v2 =	vand.u32 $0x7, v2;
	v3 =	vand.u32 $0xFFFFFF80, v3  }
0x23: {  	v2 =	vor.u32 v2, v3  }
0x24: {  	v2 =	vperm.xlane v2, v0;
	_ =	sdelay $0x1  }
0x25: {  	v2 =	vadd.s32 v1, v2;
	_ =	sdelay $0x3  }
0x26: {  	s14 =	simm.s32 $0x100  }
0x27: {  	[tilespmem:s14], [sflag:$0x1] =	stream.indirect_vreg.gather [hbm4b:s2+s3], $0x80, v2, vm0, $0xb8;
	[tilespmem:$0x18100] =	vst v63  }
0x28: {  	s15 =	simm.s32 $0x900  }
0x29: {  	[tilespmem:s15], [sflag:$0x1] =	stream.indirect_vreg.gather [hbm4b:s5+s3], $0x80, v2, vm0, $0xb8;
	[tilespmem:$0x18100] =	vst v63  }
0x2a: {  	s22 =	simm.s32 $0x1100  }
0x2b: {  	[tilespmem:s22], [sflag:$0x1] =	stream.indirect_vreg.gather [hbm4b:s6+s3], $0x80, v2, vm0, $0xb8;
	[tilespmem:$0x18100] =	vst v63  }
0x2c: {  	s23 =	simm.s32 $0x1900  }
0x2d: {  	[tilespmem:s23], [sflag:$0x1] =	stream.indirect_vreg.gather [hbm4b:s7+s3], $0x80, v2, vm0, $0xb8;
	[tilespmem:$0x18100] =	vst v63  }
0x2e: {  	s24 =	simm.s32 $0x2100  }
0x2f: {  	[tilespmem:s24], [sflag:$0x1] =	stream.indirect_vreg.gather [hbm4b:s8+s3], $0x80, v2, vm0, $0xb8;
	[tilespmem:$0x18100] =	vst v63  }
0x30: {  	s25 =	simm.s32 $0x2900  }
0x31: {  	[tilespmem:s25], [sflag:$0x1] =	stream.indirect_vreg.gather [hbm4b:s9+s3], $0x80, v2, vm0, $0xb8;
	[tilespmem:$0x18100] =	vst v63  }
0x32: {  	s29 =	simm.s32 $0x3100  }
0x33: {  	[tilespmem:s29], [sflag:$0x1] =	stream.indirect_vreg.gather [hbm4b:s10+s3], $0x80, v2, vm0, $0xb8;
	[tilespmem:$0x18100] =	vst v63  }
0x34: {  	s30 =	simm.s32 $0x3900  }
0x35: {  	[tilespmem:s30], [sflag:$0x1] =	stream.indirect_vreg.gather [hbm4b:s11+s3], $0x80, v2, vm0, $0xb8;
	[tilespmem:$0x18100] =	vst v63  }
0x36: {  	v2 =	vld.msk [tilespmem:$0x8], $0xff;
	_ =	sdelay $0x4  }
0x37: {  	v3 =	vshll.u32 v2, $0x4  }
0x38: {  	v2 =	vand.u32 $0x7, v2;
	v3 =	vand.u32 $0xFFFFFF80, v3  }
0x39: {  	v2 =	vor.u32 v2, v3  }
0x3a: {  	v2 =	vperm.xlane v2, v0;
	_ =	sdelay $0x1  }
0x3b: {  	v2 =	vadd.s32 v1, v2;
	_ =	sdelay $0x3  }
0x3c: {  	s31 =	simm.s32 $0x4100  }
0x3d: {  	[tilespmem:s31], [sflag:$0x2] =	stream.indirect_vreg.gather [hbm4b:s2+s3], $0x80, v2, vm0, $0xb8;
	[tilespmem:$0x18100] =	vst v63  }
0x3e: {  	s12 =	simm.s32 $0x4900  }
0x3f: {  	[tilespmem:s12], [sflag:$0x2] =	stream.indirect_vreg.gather [hbm4b:s5+s3], $0x80, v2, vm0, $0xb8;
	[tilespmem:$0x18100] =	vst v63  }
0x40: {  	s14 =	simm.s32 $0x5100  }
0x41: {  	[tilespmem:s14], [sflag:$0x2] =	stream.indirect_vreg.gather [hbm4b:s6+s3], $0x80, v2, vm0, $0xb8;
	[tilespmem:$0x18100] =	vst v63  }
0x42: {  	s15 =	simm.s32 $0x5900  }
0x43: {  	[tilespmem:s15], [sflag:$0x2] =	stream.indirect_vreg.gather [hbm4b:s7+s3], $0x80, v2, vm0, $0xb8;
	[tilespmem:$0x18100] =	vst v63  }
0x44: {  	s31 =	simm.s32 $0x6100  }
0x45: {  	[tilespmem:s31], [sflag:$0x2] =	stream.indirect_vreg.gather [hbm4b:s8+s3], $0x80, v2, vm0, $0xb8;
	[tilespmem:$0x18100] =	vst v63  }
0x46: {  	s12 =	simm.s32 $0x6900  }
0x47: {  	[tilespmem:s12], [sflag:$0x2] =	stream.indirect_vreg.gather [hbm4b:s9+s3], $0x80, v2, vm0, $0xb8;
	[tilespmem:$0x18100] =	vst v63  }
0x48: {  	s14 =	simm.s32 $0x7100  }
0x49: {  	[tilespmem:s14], [sflag:$0x2] =	stream.indirect_vreg.gather [hbm4b:s10+s3], $0x80, v2, vm0, $0xb8;
	[tilespmem:$0x18100] =	vst v63  }
0x4a: {  	s15 =	simm.s32 $0x7900  }
0x4b: {  	[tilespmem:s15], [sflag:$0x2] =	stream.indirect_vreg.gather [hbm4b:s11+s3], $0x80, v2, vm0, $0xb8;
	[tilespmem:$0x18100] =	vst v63  }
0x4c: {  	v2 =	vld.msk [tilespmem:$0x10], $0xff;
	_ =	sdelay $0x4  }
0x4d: {  	v3 =	vshll.u32 v2, $0x4  }
0x4e: {  	v2 =	vand.u32 $0x7, v2;
	v3 =	vand.u32 $0xFFFFFF80, v3  }
0x4f: {  	v2 =	vor.u32 v2, v3  }
0x50: {  	v2 =	vperm.xlane v2, v0;
	_ =	sdelay $0x1  }
0x51: {  	v2 =	vadd.s32 v1, v2;
	_ =	sdelay $0x3  }
0x52: {  	s14 =	simm.s32 $0x8100  }
0x53: {  	[tilespmem:s14], [sflag:$0x3] =	stream.indirect_vreg.gather [hbm4b:s2+s3], $0x80, v2, vm0, $0xb8;
	[tilespmem:$0x18100] =	vst v63  }
0x54: {  	s21 =	simm.s32 $0x8900  }
0x55: {  	[tilespmem:s21], [sflag:$0x3] =	stream.indirect_vreg.gather [hbm4b:s5+s3], $0x80, v2, vm0, $0xb8;
	[tilespmem:$0x18100] =	vst v63  }
0x56: {  	s12 =	simm.s32 $0x9100  }
0x57: {  	[tilespmem:s12], [sflag:$0x3] =	stream.indirect_vreg.gather [hbm4b:s6+s3], $0x80, v2, vm0, $0xb8;
	[tilespmem:$0x18100] =	vst v63  }
0x58: {  	s15 =	simm.s32 $0x9900  }
0x59: {  	[tilespmem:s15], [sflag:$0x3] =	stream.indirect_vreg.gather [hbm4b:s7+s3], $0x80, v2, vm0, $0xb8;
	[tilespmem:$0x18100] =	vst v63  }
0x5a: {  	s21 =	simm.s32 $0xA100  }
0x5b: {  	[tilespmem:s21], [sflag:$0x3] =	stream.indirect_vreg.gather [hbm4b:s8+s3], $0x80, v2, vm0, $0xb8;
	[tilespmem:$0x18100] =	vst v63  }
0x5c: {  	s12 =	simm.s32 $0xA900  }
0x5d: {  	[tilespmem:s12], [sflag:$0x3] =	stream.indirect_vreg.gather [hbm4b:s9+s3], $0x80, v2, vm0, $0xb8;
	[tilespmem:$0x18100] =	vst v63  }
0x5e: {  	s15 =	simm.s32 $0xB100  }
0x5f: {  	[tilespmem:s15], [sflag:$0x3] =	stream.indirect_vreg.gather [hbm4b:s10+s3], $0x80, v2, vm0, $0xb8;
	[tilespmem:$0x18100] =	vst v63  }
0x60: {  	s21 =	simm.s32 $0xB900  }
0x61: {  	[tilespmem:s21], [sflag:$0x3] =	stream.indirect_vreg.gather [hbm4b:s11+s3], $0x80, v2, vm0, $0xb8;
	[tilespmem:$0x18100] =	vst v63  }
0x62: {  	v2 =	vld.msk [tilespmem:$0x18], $0xff;
	_ =	sdelay $0x4  }
0x63: {  	v3 =	vshll.u32 v2, $0x4  }
0x64: {  	v2 =	vand.u32 $0x7, v2;
	v3 =	vand.u32 $0xFFFFFF80, v3  }
0x65: {  	v2 =	vor.u32 v2, v3  }
0x66: {  	v2 =	vperm.xlane v2, v0;
	_ =	sdelay $0x1  }
0x67: {  	v2 =	vadd.s32 v1, v2;
	_ =	sdelay $0x3  }
0x68: {  	s12 =	simm.s32 $0xC100  }
0x69: {  	[tilespmem:s12], [sflag:$0x4] =	stream.indirect_vreg.gather [hbm4b:s2+s3], $0x80, v2, vm0, $0xb8;
	[tilespmem:$0x18100] =	vst v63  }
0x6a: {  	s15 =	simm.s32 $0xC900  }
0x6b: {  	[tilespmem:s15], [sflag:$0x4] =	stream.indirect_vreg.gather [hbm4b:s5+s3], $0x80, v2, vm0, $0xb8;
	[tilespmem:$0x18100] =	vst v63  }
0x6c: {  	s21 =	simm.s32 $0xD100  }
0x6d: {  	[tilespmem:s21], [sflag:$0x4] =	stream.indirect_vreg.gather [hbm4b:s6+s3], $0x80, v2, vm0, $0xb8;
	[tilespmem:$0x18100] =	vst v63  }
0x6e: {  	s12 =	simm.s32 $0xD900  }
0x6f: {  	[tilespmem:s12], [sflag:$0x4] =	stream.indirect_vreg.gather [hbm4b:s7+s3], $0x80, v2, vm0, $0xb8;
	[tilespmem:$0x18100] =	vst v63  }
0x70: {  	s15 =	simm.s32 $0xE100  }
0x71: {  	[tilespmem:s15], [sflag:$0x4] =	stream.indirect_vreg.gather [hbm4b:s8+s3], $0x80, v2, vm0, $0xb8;
	[tilespmem:$0x18100] =	vst v63  }
0x72: {  	s21 =	simm.s32 $0xE900  }
0x73: {  	[tilespmem:s21], [sflag:$0x4] =	stream.indirect_vreg.gather [hbm4b:s9+s3], $0x80, v2, vm0, $0xb8;
	[tilespmem:$0x18100] =	vst v63  }
0x74: {  	s12 =	simm.s32 $0xF100  }
0x75: {  	[tilespmem:s12], [sflag:$0x4] =	stream.indirect_vreg.gather [hbm4b:s10+s3], $0x80, v2, vm0, $0xb8;
	[tilespmem:$0x18100] =	vst v63  }
0x76: {  	s15 =	simm.s32 $0xF900  }
0x77: {  	[tilespmem:s15], [sflag:$0x4] =	stream.indirect_vreg.gather [hbm4b:s11+s3], $0x80, v2, vm0, $0xb8;
	[tilespmem:$0x18100] =	vst v63  }
0x78: {  	v2 =	vld.msk [tilespmem:$0x20], $0xff;
	_ =	sdelay $0x4  }
0x79: {  	v3 =	vshll.u32 v2, $0x4  }
0x7a: {  	v2 =	vand.u32 $0x7, v2;
	v3 =	vand.u32 $0xFFFFFF80, v3  }
0x7b: {  	v2 =	vor.u32 v2, v3  }
0x7c: {  	v2 =	vperm.xlane v2, v0;
	_ =	sdelay $0x1  }
0x7d: {  	v2 =	vadd.s32 v1, v2;
	_ =	sdelay $0x3  }
0x7e: {  	s21 =	simm.s32 $0x10100  }
0x7f: {  	[tilespmem:s21], [sflag:$0x5] =	stream.indirect_vreg.gather [hbm4b:s2+s3], $0x80, v2, vm0, $0xb8;
	[tilespmem:$0x18100] =	vst v63  }
0x80: {  	s14 =	simm.s32 $0x10900  }
0x81: {  	[tilespmem:s14], [sflag:$0x5] =	stream.indirect_vreg.gather [hbm4b:s5+s3], $0x80, v2, vm0, $0xb8;
	[tilespmem:$0x18100] =	vst v63  }
0x82: {  	s12 =	simm.s32 $0x11100  }
0x83: {  	[tilespmem:s12], [sflag:$0x5] =	stream.indirect_vreg.gather [hbm4b:s6+s3], $0x80, v2, vm0, $0xb8;
	[tilespmem:$0x18100] =	vst v63  }
0x84: {  	s14 =	simm.s32 $0x11900  }
0x85: {  	[tilespmem:s14], [sflag:$0x5] =	stream.indirect_vreg.gather [hbm4b:s7+s3], $0x80, v2, vm0, $0xb8;
	[tilespmem:$0x18100] =	vst v63  }
0x86: {  	s12 =	simm.s32 $0x12100  }
0x87: {  	[tilespmem:s12], [sflag:$0x5] =	stream.indirect_vreg.gather [hbm4b:s8+s3], $0x80, v2, vm0, $0xb8;
	[tilespmem:$0x18100] =	vst v63  }
0x88: {  	s14 =	simm.s32 $0x12900  }
0x89: {  	[tilespmem:s14], [sflag:$0x5] =	stream.indirect_vreg.gather [hbm4b:s9+s3], $0x80, v2, vm0, $0xb8;
	[tilespmem:$0x18100] =	vst v63  }
0x8a: {  	s12 =	simm.s32 $0x13100  }
0x8b: {  	[tilespmem:s12], [sflag:$0x5] =	stream.indirect_vreg.gather [hbm4b:s10+s3], $0x80, v2, vm0, $0xb8;
	[tilespmem:$0x18100] =	vst v63  }
0x8c: {  	s14 =	simm.s32 $0x13900  }
0x8d: {  	[tilespmem:s14], [sflag:$0x5] =	stream.indirect_vreg.gather [hbm4b:s11+s3], $0x80, v2, vm0, $0xb8;
	[tilespmem:$0x18100] =	vst v63  }
0x8e: {  	_ =	swait.ge [sflag:s0], $0x4000  }
0x8f: {  	[sflag:s0] =	ssyncset.done $0x0  }
0x90: {  	[sflag:s0] =	ssyncadd.s32 $0xFFFFC000  }
0x91: {  	v2 =	vld.msk [tilespmem:$0x28], $0xff;
	_ =	sdelay $0x4  }
0x92: {  	v3 =	vshll.u32 v2, $0x4  }
0x93: {  	v2 =	vand.u32 $0x7, v2;
	v3 =	vand.u32 $0xFFFFFF80, v3  }
0x94: {  	v2 =	vor.u32 v2, v3  }
0x95: {  	v2 =	vperm.xlane v2, v0;
	_ =	sdelay $0x1  }
0x96: {  	v2 =	vadd.s32 v1, v2;
	_ =	sdelay $0x3  }
0x97: {  	s12 =	simm.s32 $0x14100  }
0x98: {  	[tilespmem:s12], [sflag:$0x6] =	stream.indirect_vreg.gather [hbm4b:s2+s3], $0x80, v2, vm0, $0xb8;
	[tilespmem:$0x18100] =	vst v63  }
0x99: {  	s14 =	simm.s32 $0x14900  }
0x9a: {  	[tilespmem:s14], [sflag:$0x6] =	stream.indirect_vreg.gather [hbm4b:s5+s3], $0x80, v2, vm0, $0xb8;
	[tilespmem:$0x18100] =	vst v63  }
0x9b: {  	s12 =	simm.s32 $0x15100  }
0x9c: {  	[tilespmem:s12], [sflag:$0x6] =	stream.indirect_vreg.gather [hbm4b:s6+s3], $0x80, v2, vm0, $0xb8;
	[tilespmem:$0x18100] =	vst v63  }
0x9d: {  	s14 =	simm.s32 $0x15900  }
0x9e: {  	[tilespmem:s14], [sflag:$0x6] =	stream.indirect_vreg.gather [hbm4b:s7+s3], $0x80, v2, vm0, $0xb8;
	[tilespmem:$0x18100] =	vst v63  }
0x9f: {  	s12 =	simm.s32 $0x16100  }
0xa0: {  	[tilespmem:s12], [sflag:$0x6] =	stream.indirect_vreg.gather [hbm4b:s8+s3], $0x80, v2, vm0, $0xb8;
	[tilespmem:$0x18100] =	vst v63  }
0xa1: {  	s14 =	simm.s32 $0x16900  }
0xa2: {  	[tilespmem:s14], [sflag:$0x6] =	stream.indirect_vreg.gather [hbm4b:s9+s3], $0x80, v2, vm0, $0xb8;
	[tilespmem:$0x18100] =	vst v63  }
0xa3: {  	s12 =	simm.s32 $0x17100  }
0xa4: {  	[tilespmem:s12], [sflag:$0x6] =	stream.indirect_vreg.gather [hbm4b:s10+s3], $0x80, v2, vm0, $0xb8;
	[tilespmem:$0x18100] =	vst v63  }
0xa5: {  	s14 =	simm.s32 $0x17900  }
0xa6: {  	[tilespmem:s14], [sflag:$0x6] =	stream.indirect_vreg.gather [hbm4b:s11+s3], $0x80, v2, vm0, $0xb8;
	[tilespmem:$0x18100] =	vst v63  }
0xa7: {  	_ =	swait.ge [sflag:s4], $0x4000  }
0xa8: {  	[sflag:s4] =	ssyncset.done $0x0  }
0xa9: {  	s14 =	simm.s32 $0x100;
	s12 =	rddreg [dreg:$0x14];
	[sflag:s4] =	ssyncadd.s32 $0xFFFFC000  }
0xaa: {  	[hbm4b:s12+s3] =	stream.linear.scatter [tilespmem:s14], [sflag:$0x7], $0x8000, $0x38;
	[tilespmem:$0x18100] =	vst v63  }
0xab: {  	_ =	swait.ge [sflag:s1], $0x8000  }
0xac: {  	[sflag:s1] =	ssyncset.done $0x0  }
0xad: {  	[sflag:s1] =	ssyncadd.s32 $0xFFFF8000  }
0xae: {  	v2 =	vld.msk [tilespmem:$0x30], $0xff;
	_ =	sdelay $0x4  }
0xaf: {  	v3 =	vshll.u32 v2, $0x4  }
0xb0: {  	v2 =	vand.u32 $0x7, v2;
	v3 =	vand.u32 $0xFFFFFF80, v3  }
0xb1: {  	v2 =	vor.u32 v2, v3  }
0xb2: {  	v2 =	vperm.xlane v2, v0;
	_ =	sdelay $0x1  }
0xb3: {  	v2 =	vadd.s32 v1, v2;
	_ =	sdelay $0x4  }
0xb4: {  	[tilespmem:s14], [sflag:$0x1] =	stream.indirect_vreg.gather [hbm4b:s2+s3], $0x80, v2, vm0, $0xb8;
	[tilespmem:$0x18100] =	vst v63  }
0xb5: {  	s26 =	simm.s32 $0x900  }
0xb6: {  	[tilespmem:s26], [sflag:$0x1] =	stream.indirect_vreg.gather [hbm4b:s5+s3], $0x80, v2, vm0, $0xb8;
	[tilespmem:$0x18100] =	vst v63  }
0xb7: {  	s28 =	simm.s32 $0x1100  }
0xb8: {  	[tilespmem:s28], [sflag:$0x1] =	stream.indirect_vreg.gather [hbm4b:s6+s3], $0x80, v2, vm0, $0xb8;
	[tilespmem:$0x18100] =	vst v63  }
0xb9: {  	s22 =	simm.s32 $0x1900  }
0xba: {  	[tilespmem:s22], [sflag:$0x1] =	stream.indirect_vreg.gather [hbm4b:s7+s3], $0x80, v2, vm0, $0xb8;
	[tilespmem:$0x18100] =	vst v63  }
0xbb: {  	s23 =	simm.s32 $0x2100  }
0xbc: {  	[tilespmem:s23], [sflag:$0x1] =	stream.indirect_vreg.gather [hbm4b:s8+s3], $0x80, v2, vm0, $0xb8;
	[tilespmem:$0x18100] =	vst v63  }
0xbd: {  	s24 =	simm.s32 $0x2900  }
0xbe: {  	[tilespmem:s24], [sflag:$0x1] =	stream.indirect_vreg.gather [hbm4b:s9+s3], $0x80, v2, vm0, $0xb8;
	[tilespmem:$0x18100] =	vst v63  }
0xbf: {  	s25 =	simm.s32 $0x3100  }
0xc0: {  	[tilespmem:s25], [sflag:$0x1] =	stream.indirect_vreg.gather [hbm4b:s10+s3], $0x80, v2, vm0, $0xb8;
	[tilespmem:$0x18100] =	vst v63  }
0xc1: {  	s29 =	simm.s32 $0x3900  }
0xc2: {  	[tilespmem:s29], [sflag:$0x1] =	stream.indirect_vreg.gather [hbm4b:s11+s3], $0x80, v2, vm0, $0xb8;
	[tilespmem:$0x18100] =	vst v63  }
0xc3: {  	_ =	swait.ge [sflag:s13], $0x4000  }
0xc4: {  	[sflag:s13] =	ssyncset.done $0x0  }
0xc5: {  	[sflag:s13] =	ssyncadd.s32 $0xFFFFC000  }
0xc6: {  	v2 =	vld.msk [tilespmem:$0x38], $0xff;
	_ =	sdelay $0x4  }
0xc7: {  	v3 =	vshll.u32 v2, $0x4  }
0xc8: {  	v2 =	vand.u32 $0x7, v2;
	v3 =	vand.u32 $0xFFFFFF80, v3  }
0xc9: {  	v2 =	vor.u32 v2, v3  }
0xca: {  	v2 =	vperm.xlane v2, v0;
	_ =	sdelay $0x1  }
0xcb: {  	v2 =	vadd.s32 v1, v2;
	_ =	sdelay $0x3  }
0xcc: {  	s30 =	simm.s32 $0x4100  }
0xcd: {  	[tilespmem:s30], [sflag:$0x2] =	stream.indirect_vreg.gather [hbm4b:s2+s3], $0x80, v2, vm0, $0xb8;
	[tilespmem:$0x18100] =	vst v63  }
0xce: {  	s28 =	simm.s32 $0x4900  }
0xcf: {  	[tilespmem:s28], [sflag:$0x2] =	stream.indirect_vreg.gather [hbm4b:s5+s3], $0x80, v2, vm0, $0xb8;
	[tilespmem:$0x18100] =	vst v63  }
0xd0: {  	s29 =	simm.s32 $0x5100  }
0xd1: {  	[tilespmem:s29], [sflag:$0x2] =	stream.indirect_vreg.gather [hbm4b:s6+s3], $0x80, v2, vm0, $0xb8;
	[tilespmem:$0x18100] =	vst v63  }
0xd2: {  	s30 =	simm.s32 $0x5900  }
0xd3: {  	[tilespmem:s30], [sflag:$0x2] =	stream.indirect_vreg.gather [hbm4b:s7+s3], $0x80, v2, vm0, $0xb8;
	[tilespmem:$0x18100] =	vst v63  }
0xd4: {  	s14 =	simm.s32 $0x6100  }
0xd5: {  	[tilespmem:s14], [sflag:$0x2] =	stream.indirect_vreg.gather [hbm4b:s8+s3], $0x80, v2, vm0, $0xb8;
	[tilespmem:$0x18100] =	vst v63  }
0xd6: {  	s21 =	simm.s32 $0x6900  }
0xd7: {  	[tilespmem:s21], [sflag:$0x2] =	stream.indirect_vreg.gather [hbm4b:s9+s3], $0x80, v2, vm0, $0xb8;
	[tilespmem:$0x18100] =	vst v63  }
0xd8: {  	s22 =	simm.s32 $0x7100  }
0xd9: {  	[tilespmem:s22], [sflag:$0x2] =	stream.indirect_vreg.gather [hbm4b:s10+s3], $0x80, v2, vm0, $0xb8;
	[tilespmem:$0x18100] =	vst v63  }
0xda: {  	s31 =	simm.s32 $0x7900  }
0xdb: {  	[tilespmem:s31], [sflag:$0x2] =	stream.indirect_vreg.gather [hbm4b:s11+s3], $0x80, v2, vm0, $0xb8;
	[tilespmem:$0x18100] =	vst v63  }
0xdc: {  	_ =	swait.ge [sflag:s16], $0x4000  }
0xdd: {  	[sflag:s16] =	ssyncset.done $0x0  }
0xde: {  	s24 =	simm.s32 $0x8100;
	s23 =	rddreg [dreg:$0x5];
	[sflag:s16] =	ssyncadd.s32 $0xFFFFC000  }
0xdf: {  	[hbm4b:s23+s3] =	stream.linear.scatter [tilespmem:s24], [sflag:$0x8], $0x8000, $0x38;
	[tilespmem:$0x18100] =	vst v63  }
0xe0: {  	_ =	swait.ge [sflag:s17], $0x8000  }
0xe1: {  	[sflag:s17] =	ssyncset.done $0x0  }
0xe2: {  	[sflag:s17] =	ssyncadd.s32 $0xFFFF8000  }
0xe3: {  	v2 =	vld.msk [tilespmem:$0x40], $0xff;
	_ =	sdelay $0x4  }
0xe4: {  	v3 =	vshll.u32 v2, $0x4  }
0xe5: {  	v2 =	vand.u32 $0x7, v2;
	v3 =	vand.u32 $0xFFFFFF80, v3  }
0xe6: {  	v2 =	vor.u32 v2, v3  }
0xe7: {  	v2 =	vperm.xlane v2, v0;
	_ =	sdelay $0x1  }
0xe8: {  	v2 =	vadd.s32 v1, v2;
	_ =	sdelay $0x4  }
0xe9: {  	[tilespmem:s24], [sflag:$0x3] =	stream.indirect_vreg.gather [hbm4b:s2+s3], $0x80, v2, vm0, $0xb8;
	[tilespmem:$0x18100] =	vst v63  }
0xea: {  	s29 =	simm.s32 $0x8900  }
0xeb: {  	[tilespmem:s29], [sflag:$0x3] =	stream.indirect_vreg.gather [hbm4b:s5+s3], $0x80, v2, vm0, $0xb8;
	[tilespmem:$0x18100] =	vst v63  }
0xec: {  	s30 =	simm.s32 $0x9100  }
0xed: {  	[tilespmem:s30], [sflag:$0x3] =	stream.indirect_vreg.gather [hbm4b:s6+s3], $0x80, v2, vm0, $0xb8;
	[tilespmem:$0x18100] =	vst v63  }
0xee: {  	s25 =	simm.s32 $0x9900  }
0xef: {  	[tilespmem:s25], [sflag:$0x3] =	stream.indirect_vreg.gather [hbm4b:s7+s3], $0x80, v2, vm0, $0xb8;
	[tilespmem:$0x18100] =	vst v63  }
0xf0: {  	s26 =	simm.s32 $0xA100  }
0xf1: {  	[tilespmem:s26], [sflag:$0x3] =	stream.indirect_vreg.gather [hbm4b:s8+s3], $0x80, v2, vm0, $0xb8;
	[tilespmem:$0x18100] =	vst v63  }
0xf2: {  	s14 =	simm.s32 $0xA900  }
0xf3: {  	[tilespmem:s14], [sflag:$0x3] =	stream.indirect_vreg.gather [hbm4b:s9+s3], $0x80, v2, vm0, $0xb8;
	[tilespmem:$0x18100] =	vst v63  }
0xf4: {  	s28 =	simm.s32 $0xB100  }
0xf5: {  	[tilespmem:s28], [sflag:$0x3] =	stream.indirect_vreg.gather [hbm4b:s10+s3], $0x80, v2, vm0, $0xb8;
	[tilespmem:$0x18100] =	vst v63  }
0xf6: {  	s31 =	simm.s32 $0xB900  }
0xf7: {  	[tilespmem:s31], [sflag:$0x3] =	stream.indirect_vreg.gather [hbm4b:s11+s3], $0x80, v2, vm0, $0xb8;
	[tilespmem:$0x18100] =	vst v63  }
0xf8: {  	_ =	swait.ge [sflag:s18], $0x4000  }
0xf9: {  	[sflag:s18] =	ssyncset.done $0x0  }
0xfa: {  	[sflag:s18] =	ssyncadd.s32 $0xFFFFC000  }
0xfb: {  	v2 =	vld.msk [tilespmem:$0x48], $0xff;
	_ =	sdelay $0x4  }
0xfc: {  	v3 =	vshll.u32 v2, $0x4  }
0xfd: {  	v2 =	vand.u32 $0x7, v2;
	v3 =	vand.u32 $0xFFFFFF80, v3  }
0xfe: {  	v2 =	vor.u32 v2, v3  }
0xff: {  	v2 =	vperm.xlane v2, v0;
	_ =	sdelay $0x1  }
0x100: {  	v2 =	vadd.s32 v1, v2;
	_ =	sdelay $0x3  }
0x101: {  	s31 =	simm.s32 $0xC100  }
0x102: {  	[tilespmem:s31], [sflag:$0x4] =	stream.indirect_vreg.gather [hbm4b:s2+s3], $0x80, v2, vm0, $0xb8;
	[tilespmem:$0x18100] =	vst v63  }
0x103: {  	s28 =	simm.s32 $0xC900  }
0x104: {  	[tilespmem:s28], [sflag:$0x4] =	stream.indirect_vreg.gather [hbm4b:s5+s3], $0x80, v2, vm0, $0xb8;
	[tilespmem:$0x18100] =	vst v63  }
0x105: {  	s22 =	simm.s32 $0xD100  }
0x106: {  	[tilespmem:s22], [sflag:$0x4] =	stream.indirect_vreg.gather [hbm4b:s6+s3], $0x80, v2, vm0, $0xb8;
	[tilespmem:$0x18100] =	vst v63  }
0x107: {  	s23 =	simm.s32 $0xD900  }
0x108: {  	[tilespmem:s23], [sflag:$0x4] =	stream.indirect_vreg.gather [hbm4b:s7+s3], $0x80, v2, vm0, $0xb8;
	[tilespmem:$0x18100] =	vst v63  }
0x109: {  	s24 =	simm.s32 $0xE100  }
0x10a: {  	[tilespmem:s24], [sflag:$0x4] =	stream.indirect_vreg.gather [hbm4b:s8+s3], $0x80, v2, vm0, $0xb8;
	[tilespmem:$0x18100] =	vst v63  }
0x10b: {  	s25 =	simm.s32 $0xE900  }
0x10c: {  	[tilespmem:s25], [sflag:$0x4] =	stream.indirect_vreg.gather [hbm4b:s9+s3], $0x80, v2, vm0, $0xb8;
	[tilespmem:$0x18100] =	vst v63  }
0x10d: {  	s26 =	simm.s32 $0xF100  }
0x10e: {  	[tilespmem:s26], [sflag:$0x4] =	stream.indirect_vreg.gather [hbm4b:s10+s3], $0x80, v2, vm0, $0xb8;
	[tilespmem:$0x18100] =	vst v63  }
0x10f: {  	s21 =	simm.s32 $0xF900  }
0x110: {  	[tilespmem:s21], [sflag:$0x4] =	stream.indirect_vreg.gather [hbm4b:s11+s3], $0x80, v2, vm0, $0xb8;
	[tilespmem:$0x18100] =	vst v63  }
0x111: {  	_ =	swait.ge [sflag:s19], $0x4000  }
0x112: {  	[sflag:s19] =	ssyncset.done $0x0  }
0x113: {  	s15 =	simm.s32 $0x10100;
	s12 =	rddreg [dreg:$0x6];
	[sflag:s19] =	ssyncadd.s32 $0xFFFFC000  }
0x114: {  	[hbm4b:s12+s3] =	stream.linear.scatter [tilespmem:s15], [sflag:$0x9], $0x8000, $0x38;
	[tilespmem:$0x18100] =	vst v63  }
0x115: {  	_ =	swait.ge [sflag:s20], $0x8000  }
0x116: {  	[sflag:s20] =	ssyncset.done $0x0  }
0x117: {  	[sflag:s20] =	ssyncadd.s32 $0xFFFF8000  }
0x118: {  	v2 =	vld.msk [tilespmem:$0x50], $0xff;
	_ =	sdelay $0x4  }
0x119: {  	v3 =	vshll.u32 v2, $0x4  }
0x11a: {  	v2 =	vand.u32 $0x7, v2;
	v3 =	vand.u32 $0xFFFFFF80, v3  }
0x11b: {  	v2 =	vor.u32 v2, v3  }
0x11c: {  	v2 =	vperm.xlane v2, v0;
	_ =	sdelay $0x1  }
0x11d: {  	v2 =	vadd.s32 v1, v2;
	_ =	sdelay $0x4  }
0x11e: {  	[tilespmem:s15], [sflag:$0x5] =	stream.indirect_vreg.gather [hbm4b:s2+s3], $0x80, v2, vm0, $0xb8;
	[tilespmem:$0x18100] =	vst v63  }
0x11f: {  	s21 =	simm.s32 $0x10900  }
0x120: {  	[tilespmem:s21], [sflag:$0x5] =	stream.indirect_vreg.gather [hbm4b:s5+s3], $0x80, v2, vm0, $0xb8;
	[tilespmem:$0x18100] =	vst v63  }
0x121: {  	s15 =	simm.s32 $0x11100  }
0x122: {  	[tilespmem:s15], [sflag:$0x5] =	stream.indirect_vreg.gather [hbm4b:s6+s3], $0x80, v2, vm0, $0xb8;
	[tilespmem:$0x18100] =	vst v63  }
0x123: {  	s21 =	simm.s32 $0x11900  }
0x124: {  	[tilespmem:s21], [sflag:$0x5] =	stream.indirect_vreg.gather [hbm4b:s7+s3], $0x80, v2, vm0, $0xb8;
	[tilespmem:$0x18100] =	vst v63  }
0x125: {  	s15 =	simm.s32 $0x12100  }
0x126: {  	[tilespmem:s15], [sflag:$0x5] =	stream.indirect_vreg.gather [hbm4b:s8+s3], $0x80, v2, vm0, $0xb8;
	[tilespmem:$0x18100] =	vst v63  }
0x127: {  	s21 =	simm.s32 $0x12900  }
0x128: {  	[tilespmem:s21], [sflag:$0x5] =	stream.indirect_vreg.gather [hbm4b:s9+s3], $0x80, v2, vm0, $0xb8;
	[tilespmem:$0x18100] =	vst v63  }
0x129: {  	s15 =	simm.s32 $0x13100  }
0x12a: {  	[tilespmem:s15], [sflag:$0x5] =	stream.indirect_vreg.gather [hbm4b:s10+s3], $0x80, v2, vm0, $0xb8;
	[tilespmem:$0x18100] =	vst v63  }
0x12b: {  	s21 =	simm.s32 $0x13900  }
0x12c: {  	[tilespmem:s21], [sflag:$0x5] =	stream.indirect_vreg.gather [hbm4b:s11+s3], $0x80, v2, vm0, $0xb8;
	[tilespmem:$0x18100] =	vst v63  }
0x12d: {  	_ =	swait.ge [sflag:s0], $0x4000  }
0x12e: {  	[sflag:s0] =	ssyncset.done $0x0  }
0x12f: {  	[sflag:s0] =	ssyncadd.s32 $0xFFFFC000  }
0x130: {  	v2 =	vld.msk [tilespmem:$0x58], $0xff;
	_ =	sdelay $0x4  }
0x131: {  	v3 =	vshll.u32 v2, $0x4  }
0x132: {  	v2 =	vand.u32 $0x7, v2;
	v3 =	vand.u32 $0xFFFFFF80, v3  }
0x133: {  	v2 =	vor.u32 v2, v3  }
0x134: {  	v2 =	vperm.xlane v2, v0;
	_ =	sdelay $0x1  }
0x135: {  	v2 =	vadd.s32 v1, v2;
	_ =	sdelay $0x3  }
0x136: {  	s15 =	simm.s32 $0x14100  }
0x137: {  	[tilespmem:s15], [sflag:$0x6] =	stream.indirect_vreg.gather [hbm4b:s2+s3], $0x80, v2, vm0, $0xb8;
	[tilespmem:$0x18100] =	vst v63  }
0x138: {  	s21 =	simm.s32 $0x14900  }
0x139: {  	[tilespmem:s21], [sflag:$0x6] =	stream.indirect_vreg.gather [hbm4b:s5+s3], $0x80, v2, vm0, $0xb8;
	[tilespmem:$0x18100] =	vst v63  }
0x13a: {  	s15 =	simm.s32 $0x15100  }
0x13b: {  	[tilespmem:s15], [sflag:$0x6] =	stream.indirect_vreg.gather [hbm4b:s6+s3], $0x80, v2, vm0, $0xb8;
	[tilespmem:$0x18100] =	vst v63  }
0x13c: {  	s21 =	simm.s32 $0x15900  }
0x13d: {  	[tilespmem:s21], [sflag:$0x6] =	stream.indirect_vreg.gather [hbm4b:s7+s3], $0x80, v2, vm0, $0xb8;
	[tilespmem:$0x18100] =	vst v63  }
0x13e: {  	s15 =	simm.s32 $0x16100  }
0x13f: {  	[tilespmem:s15], [sflag:$0x6] =	stream.indirect_vreg.gather [hbm4b:s8+s3], $0x80, v2, vm0, $0xb8;
	[tilespmem:$0x18100] =	vst v63  }
0x140: {  	s21 =	simm.s32 $0x16900  }
0x141: {  	[tilespmem:s21], [sflag:$0x6] =	stream.indirect_vreg.gather [hbm4b:s9+s3], $0x80, v2, vm0, $0xb8;
	[tilespmem:$0x18100] =	vst v63  }
0x142: {  	s15 =	simm.s32 $0x17100  }
0x143: {  	[tilespmem:s15], [sflag:$0x6] =	stream.indirect_vreg.gather [hbm4b:s10+s3], $0x80, v2, vm0, $0xb8;
	[tilespmem:$0x18100] =	vst v63  }
0x144: {  	s21 =	simm.s32 $0x17900  }
0x145: {  	[tilespmem:s21], [sflag:$0x6] =	stream.indirect_vreg.gather [hbm4b:s11+s3], $0x80, v2, vm0, $0xb8;
	[tilespmem:$0x18100] =	vst v63  }
0x146: {  	_ =	swait.ge [sflag:s4], $0x4000  }
0x147: {  	[sflag:s4] =	ssyncset.done $0x0  }
0x148: {  	s12 =	simm.s32 $0x100;
	s15 =	rddreg [dreg:$0x7];
	[sflag:s4] =	ssyncadd.s32 $0xFFFFC000  }
0x149: {  	[hbm4b:s15+s3] =	stream.linear.scatter [tilespmem:s12], [sflag:$0x7], $0x8000, $0x38;
	[tilespmem:$0x18100] =	vst v63  }
0x14a: {  	_ =	swait.ge [sflag:s1], $0x8000  }
0x14b: {  	[sflag:s1] =	ssyncset.done $0x0  }
0x14c: {  	[sflag:s1] =	ssyncadd.s32 $0xFFFF8000  }
0x14d: {  	v2 =	vld.msk [tilespmem:$0x60], $0xff;
	_ =	sdelay $0x4  }
0x14e: {  	v3 =	vshll.u32 v2, $0x4  }
0x14f: {  	v2 =	vand.u32 $0x7, v2;
	v3 =	vand.u32 $0xFFFFFF80, v3  }
0x150: {  	v2 =	vor.u32 v2, v3  }
0x151: {  	v2 =	vperm.xlane v2, v0;
	_ =	sdelay $0x1  }
0x152: {  	v2 =	vadd.s32 v1, v2;
	_ =	sdelay $0x4  }
0x153: {  	[tilespmem:s12], [sflag:$0x1] =	stream.indirect_vreg.gather [hbm4b:s2+s3], $0x80, v2, vm0, $0xb8;
	[tilespmem:$0x18100] =	vst v63  }
0x154: {  	s21 =	simm.s32 $0x900  }
0x155: {  	[tilespmem:s21], [sflag:$0x1] =	stream.indirect_vreg.gather [hbm4b:s5+s3], $0x80, v2, vm0, $0xb8;
	[tilespmem:$0x18100] =	vst v63  }
0x156: {  	s15 =	simm.s32 $0x1100  }
0x157: {  	[tilespmem:s15], [sflag:$0x1] =	stream.indirect_vreg.gather [hbm4b:s6+s3], $0x80, v2, vm0, $0xb8;
	[tilespmem:$0x18100] =	vst v63  }
0x158: {  	s21 =	simm.s32 $0x1900  }
0x159: {  	[tilespmem:s21], [sflag:$0x1] =	stream.indirect_vreg.gather [hbm4b:s7+s3], $0x80, v2, vm0, $0xb8;
	[tilespmem:$0x18100] =	vst v63  }
0x15a: {  	s15 =	simm.s32 $0x2100  }
0x15b: {  	[tilespmem:s15], [sflag:$0x1] =	stream.indirect_vreg.gather [hbm4b:s8+s3], $0x80, v2, vm0, $0xb8;
	[tilespmem:$0x18100] =	vst v63  }
0x15c: {  	s21 =	simm.s32 $0x2900  }
0x15d: {  	[tilespmem:s21], [sflag:$0x1] =	stream.indirect_vreg.gather [hbm4b:s9+s3], $0x80, v2, vm0, $0xb8;
	[tilespmem:$0x18100] =	vst v63  }
0x15e: {  	s15 =	simm.s32 $0x3100  }
0x15f: {  	[tilespmem:s15], [sflag:$0x1] =	stream.indirect_vreg.gather [hbm4b:s10+s3], $0x80, v2, vm0, $0xb8;
	[tilespmem:$0x18100] =	vst v63  }
0x160: {  	s21 =	simm.s32 $0x3900  }
0x161: {  	[tilespmem:s21], [sflag:$0x1] =	stream.indirect_vreg.gather [hbm4b:s11+s3], $0x80, v2, vm0, $0xb8;
	[tilespmem:$0x18100] =	vst v63  }
0x162: {  	_ =	swait.ge [sflag:s13], $0x4000  }
0x163: {  	[sflag:s13] =	ssyncset.done $0x0  }
0x164: {  	[sflag:s13] =	ssyncadd.s32 $0xFFFFC000  }
0x165: {  	v2 =	vld.msk [tilespmem:$0x68], $0xff;
	_ =	sdelay $0x4  }
0x166: {  	v3 =	vshll.u32 v2, $0x4  }
0x167: {  	v2 =	vand.u32 $0x7, v2;
	v3 =	vand.u32 $0xFFFFFF80, v3  }
0x168: {  	v2 =	vor.u32 v2, v3  }
0x169: {  	v2 =	vperm.xlane v2, v0;
	_ =	sdelay $0x1  }
0x16a: {  	v2 =	vadd.s32 v1, v2;
	_ =	sdelay $0x3  }
0x16b: {  	s15 =	simm.s32 $0x4100  }
0x16c: {  	[tilespmem:s15], [sflag:$0x2] =	stream.indirect_vreg.gather [hbm4b:s2+s3], $0x80, v2, vm0, $0xb8;
	[tilespmem:$0x18100] =	vst v63  }
0x16d: {  	s21 =	simm.s32 $0x4900  }
0x16e: {  	[tilespmem:s21], [sflag:$0x2] =	stream.indirect_vreg.gather [hbm4b:s5+s3], $0x80, v2, vm0, $0xb8;
	[tilespmem:$0x18100] =	vst v63  }
0x16f: {  	s15 =	simm.s32 $0x5100  }
0x170: {  	[tilespmem:s15], [sflag:$0x2] =	stream.indirect_vreg.gather [hbm4b:s6+s3], $0x80, v2, vm0, $0xb8;
	[tilespmem:$0x18100] =	vst v63  }
0x171: {  	s21 =	simm.s32 $0x5900  }
0x172: {  	[tilespmem:s21], [sflag:$0x2] =	stream.indirect_vreg.gather [hbm4b:s7+s3], $0x80, v2, vm0, $0xb8;
	[tilespmem:$0x18100] =	vst v63  }
0x173: {  	s15 =	simm.s32 $0x6100  }
0x174: {  	[tilespmem:s15], [sflag:$0x2] =	stream.indirect_vreg.gather [hbm4b:s8+s3], $0x80, v2, vm0, $0xb8;
	[tilespmem:$0x18100] =	vst v63  }
0x175: {  	s21 =	simm.s32 $0x6900  }
0x176: {  	[tilespmem:s21], [sflag:$0x2] =	stream.indirect_vreg.gather [hbm4b:s9+s3], $0x80, v2, vm0, $0xb8;
	[tilespmem:$0x18100] =	vst v63  }
0x177: {  	s15 =	simm.s32 $0x7100  }
0x178: {  	[tilespmem:s15], [sflag:$0x2] =	stream.indirect_vreg.gather [hbm4b:s10+s3], $0x80, v2, vm0, $0xb8;
	[tilespmem:$0x18100] =	vst v63  }
0x179: {  	s21 =	simm.s32 $0x7900  }
0x17a: {  	[tilespmem:s21], [sflag:$0x2] =	stream.indirect_vreg.gather [hbm4b:s11+s3], $0x80, v2, vm0, $0xb8;
	[tilespmem:$0x18100] =	vst v63  }
0x17b: {  	_ =	swait.ge [sflag:s16], $0x4000  }
0x17c: {  	[sflag:s16] =	ssyncset.done $0x0  }
0x17d: {  	s15 =	simm.s32 $0x8100;
	s12 =	rddreg [dreg:$0x8];
	[sflag:s16] =	ssyncadd.s32 $0xFFFFC000  }
0x17e: {  	[hbm4b:s12+s3] =	stream.linear.scatter [tilespmem:s15], [sflag:$0x8], $0x8000, $0x38;
	[tilespmem:$0x18100] =	vst v63  }
0x17f: {  	_ =	swait.ge [sflag:s17], $0x8000  }
0x180: {  	[sflag:s17] =	ssyncset.done $0x0  }
0x181: {  	[sflag:s17] =	ssyncadd.s32 $0xFFFF8000  }
0x182: {  	v2 =	vld.msk [tilespmem:$0x70], $0xff;
	_ =	sdelay $0x4  }
0x183: {  	v3 =	vshll.u32 v2, $0x4  }
0x184: {  	v2 =	vand.u32 $0x7, v2;
	v3 =	vand.u32 $0xFFFFFF80, v3  }
0x185: {  	v2 =	vor.u32 v2, v3  }
0x186: {  	v2 =	vperm.xlane v2, v0;
	_ =	sdelay $0x1  }
0x187: {  	v2 =	vadd.s32 v1, v2;
	_ =	sdelay $0x4  }
0x188: {  	[tilespmem:s15], [sflag:$0x3] =	stream.indirect_vreg.gather [hbm4b:s2+s3], $0x80, v2, vm0, $0xb8;
	[tilespmem:$0x18100] =	vst v63  }
0x189: {  	_ = 	snop  }
0x18a: {  	[tilespmem:s29], [sflag:$0x3] =	stream.indirect_vreg.gather [hbm4b:s5+s3], $0x80, v2, vm0, $0xb8;
	[tilespmem:$0x18100] =	vst v63  }
0x18b: {  	_ = 	snop  }
0x18c: {  	[tilespmem:s30], [sflag:$0x3] =	stream.indirect_vreg.gather [hbm4b:s6+s3], $0x80, v2, vm0, $0xb8;
	[tilespmem:$0x18100] =	vst v63  }
0x18d: {  	s21 =	simm.s32 $0x9900  }
0x18e: {  	[tilespmem:s21], [sflag:$0x3] =	stream.indirect_vreg.gather [hbm4b:s7+s3], $0x80, v2, vm0, $0xb8;
	[tilespmem:$0x18100] =	vst v63  }
0x18f: {  	s30 =	simm.s32 $0xA100  }
0x190: {  	[tilespmem:s30], [sflag:$0x3] =	stream.indirect_vreg.gather [hbm4b:s8+s3], $0x80, v2, vm0, $0xb8;
	[tilespmem:$0x18100] =	vst v63  }
0x191: {  	_ = 	snop  }
0x192: {  	[tilespmem:s14], [sflag:$0x3] =	stream.indirect_vreg.gather [hbm4b:s9+s3], $0x80, v2, vm0, $0xb8;
	[tilespmem:$0x18100] =	vst v63  }
0x193: {  	s15 =	simm.s32 $0xB100  }
0x194: {  	[tilespmem:s15], [sflag:$0x3] =	stream.indirect_vreg.gather [hbm4b:s10+s3], $0x80, v2, vm0, $0xb8;
	[tilespmem:$0x18100] =	vst v63  }
0x195: {  	s21 =	simm.s32 $0xB900  }
0x196: {  	[tilespmem:s21], [sflag:$0x3] =	stream.indirect_vreg.gather [hbm4b:s11+s3], $0x80, v2, vm0, $0xb8;
	[tilespmem:$0x18100] =	vst v63  }
0x197: {  	_ =	swait.ge [sflag:s18], $0x4000  }
0x198: {  	[sflag:s18] =	ssyncset.done $0x0  }
0x199: {  	[sflag:s18] =	ssyncadd.s32 $0xFFFFC000  }
0x19a: {  	v2 =	vld.msk [tilespmem:$0x78], $0xff;
	_ =	sdelay $0x4  }
0x19b: {  	v3 =	vshll.u32 v2, $0x4  }
0x19c: {  	v2 =	vand.u32 $0x7, v2;
	v3 =	vand.u32 $0xFFFFFF80, v3  }
0x19d: {  	v2 =	vor.u32 v2, v3  }
0x19e: {  	v2 =	vperm.xlane v2, v0;
	_ =	sdelay $0x1  }
0x19f: {  	v2 =	vadd.s32 v1, v2;
	_ =	sdelay $0x4  }
0x1a0: {  	[tilespmem:s31], [sflag:$0x4] =	stream.indirect_vreg.gather [hbm4b:s2+s3], $0x80, v2, vm0, $0xb8;
	[tilespmem:$0x18100] =	vst v63  }
0x1a1: {  	_ = 	snop  }
0x1a2: {  	[tilespmem:s28], [sflag:$0x4] =	stream.indirect_vreg.gather [hbm4b:s5+s3], $0x80, v2, vm0, $0xb8;
	[tilespmem:$0x18100] =	vst v63  }
0x1a3: {  	_ = 	snop  }
0x1a4: {  	[tilespmem:s22], [sflag:$0x4] =	stream.indirect_vreg.gather [hbm4b:s6+s3], $0x80, v2, vm0, $0xb8;
	[tilespmem:$0x18100] =	vst v63  }
0x1a5: {  	_ = 	snop  }
0x1a6: {  	[tilespmem:s23], [sflag:$0x4] =	stream.indirect_vreg.gather [hbm4b:s7+s3], $0x80, v2, vm0, $0xb8;
	[tilespmem:$0x18100] =	vst v63  }
0x1a7: {  	_ = 	snop  }
0x1a8: {  	[tilespmem:s24], [sflag:$0x4] =	stream.indirect_vreg.gather [hbm4b:s8+s3], $0x80, v2, vm0, $0xb8;
	[tilespmem:$0x18100] =	vst v63  }
0x1a9: {  	_ = 	snop  }
0x1aa: {  	[tilespmem:s25], [sflag:$0x4] =	stream.indirect_vreg.gather [hbm4b:s9+s3], $0x80, v2, vm0, $0xb8;
	[tilespmem:$0x18100] =	vst v63  }
0x1ab: {  	_ = 	snop  }
0x1ac: {  	[tilespmem:s26], [sflag:$0x4] =	stream.indirect_vreg.gather [hbm4b:s10+s3], $0x80, v2, vm0, $0xb8;
	[tilespmem:$0x18100] =	vst v63  }
0x1ad: {  	s22 =	simm.s32 $0xF900  }
0x1ae: {  	[tilespmem:s22], [sflag:$0x4] =	stream.indirect_vreg.gather [hbm4b:s11+s3], $0x80, v2, vm0, $0xb8;
	[tilespmem:$0x18100] =	vst v63  }
0x1af: {  	_ =	swait.ge [sflag:s19], $0x4000  }
0x1b0: {  	[sflag:s19] =	ssyncset.done $0x0  }
0x1b1: {  	s15 =	simm.s32 $0x10100;
	s26 =	rddreg [dreg:$0x9];
	[sflag:s19] =	ssyncadd.s32 $0xFFFFC000  }
0x1b2: {  	[hbm4b:s26+s3] =	stream.linear.scatter [tilespmem:s15], [sflag:$0x9], $0x8000, $0x38;
	[tilespmem:$0x18100] =	vst v63  }
0x1b3: {  	_ =	swait.ge [sflag:s20], $0x8000  }
0x1b4: {  	[sflag:s20] =	ssyncset.done $0x0  }
0x1b5: {  	[sflag:s20] =	ssyncadd.s32 $0xFFFF8000  }
0x1b6: {  	v2 =	vld.msk [tilespmem:$0x80], $0xff;
	_ =	sdelay $0x4  }
0x1b7: {  	v3 =	vshll.u32 v2, $0x4  }
0x1b8: {  	v2 =	vand.u32 $0x7, v2;
	v3 =	vand.u32 $0xFFFFFF80, v3  }
0x1b9: {  	v2 =	vor.u32 v2, v3  }
0x1ba: {  	v2 =	vperm.xlane v2, v0;
	_ =	sdelay $0x1  }
0x1bb: {  	v2 =	vadd.s32 v1, v2;
	_ =	sdelay $0x4  }
0x1bc: {  	[tilespmem:s15], [sflag:$0x5] =	stream.indirect_vreg.gather [hbm4b:s2+s3], $0x80, v2, vm0, $0xb8;
	[tilespmem:$0x18100] =	vst v63  }
0x1bd: {  	s22 =	simm.s32 $0x10900  }
0x1be: {  	[tilespmem:s22], [sflag:$0x5] =	stream.indirect_vreg.gather [hbm4b:s5+s3], $0x80, v2, vm0, $0xb8;
	[tilespmem:$0x18100] =	vst v63  }
0x1bf: {  	s21 =	simm.s32 $0x11100  }
0x1c0: {  	[tilespmem:s21], [sflag:$0x5] =	stream.indirect_vreg.gather [hbm4b:s6+s3], $0x80, v2, vm0, $0xb8;
	[tilespmem:$0x18100] =	vst v63  }
0x1c1: {  	s22 =	simm.s32 $0x11900  }
0x1c2: {  	[tilespmem:s22], [sflag:$0x5] =	stream.indirect_vreg.gather [hbm4b:s7+s3], $0x80, v2, vm0, $0xb8;
	[tilespmem:$0x18100] =	vst v63  }
0x1c3: {  	s21 =	simm.s32 $0x12100  }
0x1c4: {  	[tilespmem:s21], [sflag:$0x5] =	stream.indirect_vreg.gather [hbm4b:s8+s3], $0x80, v2, vm0, $0xb8;
	[tilespmem:$0x18100] =	vst v63  }
0x1c5: {  	s22 =	simm.s32 $0x12900  }
0x1c6: {  	[tilespmem:s22], [sflag:$0x5] =	stream.indirect_vreg.gather [hbm4b:s9+s3], $0x80, v2, vm0, $0xb8;
	[tilespmem:$0x18100] =	vst v63  }
0x1c7: {  	s21 =	simm.s32 $0x13100  }
0x1c8: {  	[tilespmem:s21], [sflag:$0x5] =	stream.indirect_vreg.gather [hbm4b:s10+s3], $0x80, v2, vm0, $0xb8;
	[tilespmem:$0x18100] =	vst v63  }
0x1c9: {  	s22 =	simm.s32 $0x13900  }
0x1ca: {  	[tilespmem:s22], [sflag:$0x5] =	stream.indirect_vreg.gather [hbm4b:s11+s3], $0x80, v2, vm0, $0xb8;
	[tilespmem:$0x18100] =	vst v63  }
0x1cb: {  	_ =	swait.ge [sflag:s0], $0x4000  }
0x1cc: {  	[sflag:s0] =	ssyncset.done $0x0  }
0x1cd: {  	[sflag:s0] =	ssyncadd.s32 $0xFFFFC000  }
0x1ce: {  	v2 =	vld.msk [tilespmem:$0x88], $0xff;
	_ =	sdelay $0x4  }
0x1cf: {  	v3 =	vshll.u32 v2, $0x4  }
0x1d0: {  	v2 =	vand.u32 $0x7, v2;
	v3 =	vand.u32 $0xFFFFFF80, v3  }
0x1d1: {  	v2 =	vor.u32 v2, v3  }
0x1d2: {  	v2 =	vperm.xlane v2, v0;
	_ =	sdelay $0x1  }
0x1d3: {  	v2 =	vadd.s32 v1, v2;
	_ =	sdelay $0x3  }
0x1d4: {  	s21 =	simm.s32 $0x14100  }
0x1d5: {  	[tilespmem:s21], [sflag:$0x6] =	stream.indirect_vreg.gather [hbm4b:s2+s3], $0x80, v2, vm0, $0xb8;
	[tilespmem:$0x18100] =	vst v63  }
0x1d6: {  	s22 =	simm.s32 $0x14900  }
0x1d7: {  	[tilespmem:s22], [sflag:$0x6] =	stream.indirect_vreg.gather [hbm4b:s5+s3], $0x80, v2, vm0, $0xb8;
	[tilespmem:$0x18100] =	vst v63  }
0x1d8: {  	s21 =	simm.s32 $0x15100  }
0x1d9: {  	[tilespmem:s21], [sflag:$0x6] =	stream.indirect_vreg.gather [hbm4b:s6+s3], $0x80, v2, vm0, $0xb8;
	[tilespmem:$0x18100] =	vst v63  }
0x1da: {  	s22 =	simm.s32 $0x15900  }
0x1db: {  	[tilespmem:s22], [sflag:$0x6] =	stream.indirect_vreg.gather [hbm4b:s7+s3], $0x80, v2, vm0, $0xb8;
	[tilespmem:$0x18100] =	vst v63  }
0x1dc: {  	s21 =	simm.s32 $0x16100  }
0x1dd: {  	[tilespmem:s21], [sflag:$0x6] =	stream.indirect_vreg.gather [hbm4b:s8+s3], $0x80, v2, vm0, $0xb8;
	[tilespmem:$0x18100] =	vst v63  }
0x1de: {  	s22 =	simm.s32 $0x16900  }
0x1df: {  	[tilespmem:s22], [sflag:$0x6] =	stream.indirect_vreg.gather [hbm4b:s9+s3], $0x80, v2, vm0, $0xb8;
	[tilespmem:$0x18100] =	vst v63  }
0x1e0: {  	s21 =	simm.s32 $0x17100  }
0x1e1: {  	[tilespmem:s21], [sflag:$0x6] =	stream.indirect_vreg.gather [hbm4b:s10+s3], $0x80, v2, vm0, $0xb8;
	[tilespmem:$0x18100] =	vst v63  }
0x1e2: {  	s22 =	simm.s32 $0x17900  }
0x1e3: {  	[tilespmem:s22], [sflag:$0x6] =	stream.indirect_vreg.gather [hbm4b:s11+s3], $0x80, v2, vm0, $0xb8;
	[tilespmem:$0x18100] =	vst v63  }
0x1e4: {  	_ =	swait.ge [sflag:s4], $0x4000  }
0x1e5: {  	[sflag:s4] =	ssyncset.done $0x0  }
0x1e6: {  	s22 =	simm.s32 $0x100;
	s15 =	rddreg [dreg:$0xa];
	[sflag:s4] =	ssyncadd.s32 $0xFFFFC000  }
0x1e7: {  	[hbm4b:s15+s3] =	stream.linear.scatter [tilespmem:s22], [sflag:$0x7], $0x8000, $0x38;
	[tilespmem:$0x18100] =	vst v63  }
0x1e8: {  	_ =	swait.ge [sflag:s1], $0x8000  }
0x1e9: {  	[sflag:s1] =	ssyncset.done $0x0  }
0x1ea: {  	[sflag:s1] =	ssyncadd.s32 $0xFFFF8000  }
0x1eb: {  	v2 =	vld.msk [tilespmem:$0x90], $0xff;
	_ =	sdelay $0x4  }
0x1ec: {  	v3 =	vshll.u32 v2, $0x4  }
0x1ed: {  	v2 =	vand.u32 $0x7, v2;
	v3 =	vand.u32 $0xFFFFFF80, v3  }
0x1ee: {  	v2 =	vor.u32 v2, v3  }
0x1ef: {  	v2 =	vperm.xlane v2, v0;
	_ =	sdelay $0x1  }
0x1f0: {  	v2 =	vadd.s32 v1, v2;
	_ =	sdelay $0x4  }
0x1f1: {  	[tilespmem:s22], [sflag:$0x1] =	stream.indirect_vreg.gather [hbm4b:s2+s3], $0x80, v2, vm0, $0xb8;
	[tilespmem:$0x18100] =	vst v63  }
0x1f2: {  	s22 =	simm.s32 $0x900  }
0x1f3: {  	[tilespmem:s22], [sflag:$0x1] =	stream.indirect_vreg.gather [hbm4b:s5+s3], $0x80, v2, vm0, $0xb8;
	[tilespmem:$0x18100] =	vst v63  }
0x1f4: {  	s22 =	simm.s32 $0x1100  }
0x1f5: {  	[tilespmem:s22], [sflag:$0x1] =	stream.indirect_vreg.gather [hbm4b:s6+s3], $0x80, v2, vm0, $0xb8;
	[tilespmem:$0x18100] =	vst v63  }
0x1f6: {  	s22 =	simm.s32 $0x1900  }
0x1f7: {  	[tilespmem:s22], [sflag:$0x1] =	stream.indirect_vreg.gather [hbm4b:s7+s3], $0x80, v2, vm0, $0xb8;
	[tilespmem:$0x18100] =	vst v63  }
0x1f8: {  	s22 =	simm.s32 $0x2100  }
0x1f9: {  	[tilespmem:s22], [sflag:$0x1] =	stream.indirect_vreg.gather [hbm4b:s8+s3], $0x80, v2, vm0, $0xb8;
	[tilespmem:$0x18100] =	vst v63  }
0x1fa: {  	s22 =	simm.s32 $0x2900  }
0x1fb: {  	[tilespmem:s22], [sflag:$0x1] =	stream.indirect_vreg.gather [hbm4b:s9+s3], $0x80, v2, vm0, $0xb8;
	[tilespmem:$0x18100] =	vst v63  }
0x1fc: {  	s22 =	simm.s32 $0x3100  }
0x1fd: {  	[tilespmem:s22], [sflag:$0x1] =	stream.indirect_vreg.gather [hbm4b:s10+s3], $0x80, v2, vm0, $0xb8;
	[tilespmem:$0x18100] =	vst v63  }
0x1fe: {  	s22 =	simm.s32 $0x3900  }
0x1ff: {  	[tilespmem:s22], [sflag:$0x1] =	stream.indirect_vreg.gather [hbm4b:s11+s3], $0x80, v2, vm0, $0xb8;
	[tilespmem:$0x18100] =	vst v63  }
0x200: {  	_ =	swait.ge [sflag:s13], $0x4000  }
0x201: {  	[sflag:s13] =	ssyncset.done $0x0  }
0x202: {  	[sflag:s13] =	ssyncadd.s32 $0xFFFFC000  }
0x203: {  	v2 =	vld.msk [tilespmem:$0x98], $0xff;
	_ =	sdelay $0x4  }
0x204: {  	v3 =	vshll.u32 v2, $0x4  }
0x205: {  	v2 =	vand.u32 $0x7, v2;
	v3 =	vand.u32 $0xFFFFFF80, v3  }
0x206: {  	v2 =	vor.u32 v2, v3  }
0x207: {  	v2 =	vperm.xlane v2, v0;
	_ =	sdelay $0x1  }
0x208: {  	v2 =	vadd.s32 v1, v2;
	_ =	sdelay $0x3  }
0x209: {  	s22 =	simm.s32 $0x4100  }
0x20a: {  	[tilespmem:s22], [sflag:$0x2] =	stream.indirect_vreg.gather [hbm4b:s2+s3], $0x80, v2, vm0, $0xb8;
	[tilespmem:$0x18100] =	vst v63  }
0x20b: {  	s22 =	simm.s32 $0x4900  }
0x20c: {  	[tilespmem:s22], [sflag:$0x2] =	stream.indirect_vreg.gather [hbm4b:s5+s3], $0x80, v2, vm0, $0xb8;
	[tilespmem:$0x18100] =	vst v63  }
0x20d: {  	s22 =	simm.s32 $0x5100  }
0x20e: {  	[tilespmem:s22], [sflag:$0x2] =	stream.indirect_vreg.gather [hbm4b:s6+s3], $0x80, v2, vm0, $0xb8;
	[tilespmem:$0x18100] =	vst v63  }
0x20f: {  	s22 =	simm.s32 $0x5900  }
0x210: {  	[tilespmem:s22], [sflag:$0x2] =	stream.indirect_vreg.gather [hbm4b:s7+s3], $0x80, v2, vm0, $0xb8;
	[tilespmem:$0x18100] =	vst v63  }
0x211: {  	s22 =	simm.s32 $0x6100  }
0x212: {  	[tilespmem:s22], [sflag:$0x2] =	stream.indirect_vreg.gather [hbm4b:s8+s3], $0x80, v2, vm0, $0xb8;
	[tilespmem:$0x18100] =	vst v63  }
0x213: {  	s22 =	simm.s32 $0x6900  }
0x214: {  	[tilespmem:s22], [sflag:$0x2] =	stream.indirect_vreg.gather [hbm4b:s9+s3], $0x80, v2, vm0, $0xb8;
	[tilespmem:$0x18100] =	vst v63  }
0x215: {  	s22 =	simm.s32 $0x7100  }
0x216: {  	[tilespmem:s22], [sflag:$0x2] =	stream.indirect_vreg.gather [hbm4b:s10+s3], $0x80, v2, vm0, $0xb8;
	[tilespmem:$0x18100] =	vst v63  }
0x217: {  	s22 =	simm.s32 $0x7900  }
0x218: {  	[tilespmem:s22], [sflag:$0x2] =	stream.indirect_vreg.gather [hbm4b:s11+s3], $0x80, v2, vm0, $0xb8;
	[tilespmem:$0x18100] =	vst v63  }
0x219: {  	_ =	swait.ge [sflag:s16], $0x4000  }
0x21a: {  	[sflag:s16] =	ssyncset.done $0x0  }
0x21b: {  	s12 =	simm.s32 $0x8100;
	s22 =	rddreg [dreg:$0xb];
	[sflag:s16] =	ssyncadd.s32 $0xFFFFC000  }
0x21c: {  	[hbm4b:s22+s3] =	stream.linear.scatter [tilespmem:s12], [sflag:$0x8], $0x8000, $0x38;
	[tilespmem:$0x18100] =	vst v63  }
0x21d: {  	_ =	swait.ge [sflag:s17], $0x8000  }
0x21e: {  	[sflag:s17] =	ssyncset.done $0x0  }
0x21f: {  	[sflag:s17] =	ssyncadd.s32 $0xFFFF8000  }
0x220: {  	v2 =	vld.msk [tilespmem:$0xA0], $0xff;
	_ =	sdelay $0x4  }
0x221: {  	v3 =	vshll.u32 v2, $0x4  }
0x222: {  	v2 =	vand.u32 $0x7, v2;
	v3 =	vand.u32 $0xFFFFFF80, v3  }
0x223: {  	v2 =	vor.u32 v2, v3  }
0x224: {  	v2 =	vperm.xlane v2, v0;
	_ =	sdelay $0x1  }
0x225: {  	v2 =	vadd.s32 v1, v2;
	_ =	sdelay $0x4  }
0x226: {  	[tilespmem:s12], [sflag:$0x3] =	stream.indirect_vreg.gather [hbm4b:s2+s3], $0x80, v2, vm0, $0xb8;
	[tilespmem:$0x18100] =	vst v63  }
0x227: {  	s22 =	simm.s32 $0x8900  }
0x228: {  	[tilespmem:s22], [sflag:$0x3] =	stream.indirect_vreg.gather [hbm4b:s5+s3], $0x80, v2, vm0, $0xb8;
	[tilespmem:$0x18100] =	vst v63  }
0x229: {  	s29 =	simm.s32 $0x9100  }
0x22a: {  	[tilespmem:s29], [sflag:$0x3] =	stream.indirect_vreg.gather [hbm4b:s6+s3], $0x80, v2, vm0, $0xb8;
	[tilespmem:$0x18100] =	vst v63  }
0x22b: {  	s29 =	simm.s32 $0x9900  }
0x22c: {  	[tilespmem:s29], [sflag:$0x3] =	stream.indirect_vreg.gather [hbm4b:s7+s3], $0x80, v2, vm0, $0xb8;
	[tilespmem:$0x18100] =	vst v63  }
0x22d: {  	s30 =	simm.s32 $0xA100  }
0x22e: {  	[tilespmem:s30], [sflag:$0x3] =	stream.indirect_vreg.gather [hbm4b:s8+s3], $0x80, v2, vm0, $0xb8;
	[tilespmem:$0x18100] =	vst v63  }
0x22f: {  	s30 =	simm.s32 $0xA900  }
0x230: {  	[tilespmem:s30], [sflag:$0x3] =	stream.indirect_vreg.gather [hbm4b:s9+s3], $0x80, v2, vm0, $0xb8;
	[tilespmem:$0x18100] =	vst v63  }
0x231: {  	s29 =	simm.s32 $0xB100  }
0x232: {  	[tilespmem:s29], [sflag:$0x3] =	stream.indirect_vreg.gather [hbm4b:s10+s3], $0x80, v2, vm0, $0xb8;
	[tilespmem:$0x18100] =	vst v63  }
0x233: {  	s30 =	simm.s32 $0xB900  }
0x234: {  	[tilespmem:s30], [sflag:$0x3] =	stream.indirect_vreg.gather [hbm4b:s11+s3], $0x80, v2, vm0, $0xb8;
	[tilespmem:$0x18100] =	vst v63  }
0x235: {  	_ =	swait.ge [sflag:s18], $0x4000  }
0x236: {  	[sflag:s18] =	ssyncset.done $0x0  }
0x237: {  	[sflag:s18] =	ssyncadd.s32 $0xFFFFC000  }
0x238: {  	v2 =	vld.msk [tilespmem:$0xA8], $0xff;
	_ =	sdelay $0x4  }
0x239: {  	v3 =	vshll.u32 v2, $0x4  }
0x23a: {  	v2 =	vand.u32 $0x7, v2;
	v3 =	vand.u32 $0xFFFFFF80, v3  }
0x23b: {  	v2 =	vor.u32 v2, v3  }
0x23c: {  	v2 =	vperm.xlane v2, v0;
	_ =	sdelay $0x1  }
0x23d: {  	v2 =	vadd.s32 v1, v2;
	_ =	sdelay $0x3  }
0x23e: {  	s14 =	simm.s32 $0xC100  }
0x23f: {  	[tilespmem:s14], [sflag:$0x4] =	stream.indirect_vreg.gather [hbm4b:s2+s3], $0x80, v2, vm0, $0xb8;
	[tilespmem:$0x18100] =	vst v63  }
0x240: {  	s21 =	simm.s32 $0xC900  }
0x241: {  	[tilespmem:s21], [sflag:$0x4] =	stream.indirect_vreg.gather [hbm4b:s5+s3], $0x80, v2, vm0, $0xb8;
	[tilespmem:$0x18100] =	vst v63  }
0x242: {  	s31 =	simm.s32 $0xD100  }
0x243: {  	[tilespmem:s31], [sflag:$0x4] =	stream.indirect_vreg.gather [hbm4b:s6+s3], $0x80, v2, vm0, $0xb8;
	[tilespmem:$0x18100] =	vst v63  }
0x244: {  	s23 =	simm.s32 $0xD900  }
0x245: {  	[tilespmem:s23], [sflag:$0x4] =	stream.indirect_vreg.gather [hbm4b:s7+s3], $0x80, v2, vm0, $0xb8;
	[tilespmem:$0x18100] =	vst v63  }
0x246: {  	s24 =	simm.s32 $0xE100  }
0x247: {  	[tilespmem:s24], [sflag:$0x4] =	stream.indirect_vreg.gather [hbm4b:s8+s3], $0x80, v2, vm0, $0xb8;
	[tilespmem:$0x18100] =	vst v63  }
0x248: {  	s25 =	simm.s32 $0xE900  }
0x249: {  	[tilespmem:s25], [sflag:$0x4] =	stream.indirect_vreg.gather [hbm4b:s9+s3], $0x80, v2, vm0, $0xb8;
	[tilespmem:$0x18100] =	vst v63  }
0x24a: {  	s28 =	simm.s32 $0xF100  }
0x24b: {  	[tilespmem:s28], [sflag:$0x4] =	stream.indirect_vreg.gather [hbm4b:s10+s3], $0x80, v2, vm0, $0xb8;
	[tilespmem:$0x18100] =	vst v63  }
0x24c: {  	s28 =	simm.s32 $0xF900  }
0x24d: {  	[tilespmem:s28], [sflag:$0x4] =	stream.indirect_vreg.gather [hbm4b:s11+s3], $0x80, v2, vm0, $0xb8;
	[tilespmem:$0x18100] =	vst v63  }
0x24e: {  	_ =	swait.ge [sflag:s19], $0x4000  }
0x24f: {  	[sflag:s19] =	ssyncset.done $0x0  }
0x250: {  	s26 =	simm.s32 $0x10100;
	s31 =	rddreg [dreg:$0xc];
	[sflag:s19] =	ssyncadd.s32 $0xFFFFC000  }
0x251: {  	[hbm4b:s31+s3] =	stream.linear.scatter [tilespmem:s26], [sflag:$0x9], $0x8000, $0x38;
	[tilespmem:$0x18100] =	vst v63  }
0x252: {  	_ =	swait.ge [sflag:s20], $0x8000  }
0x253: {  	[sflag:s20] =	ssyncset.done $0x0  }
0x254: {  	[sflag:s20] =	ssyncadd.s32 $0xFFFF8000  }
0x255: {  	v2 =	vld.msk [tilespmem:$0xB0], $0xff;
	_ =	sdelay $0x4  }
0x256: {  	v3 =	vshll.u32 v2, $0x4  }
0x257: {  	v2 =	vand.u32 $0x7, v2;
	v3 =	vand.u32 $0xFFFFFF80, v3  }
0x258: {  	v2 =	vor.u32 v2, v3  }
0x259: {  	v2 =	vperm.xlane v2, v0;
	_ =	sdelay $0x1  }
0x25a: {  	v2 =	vadd.s32 v1, v2;
	_ =	sdelay $0x4  }
0x25b: {  	[tilespmem:s26], [sflag:$0x5] =	stream.indirect_vreg.gather [hbm4b:s2+s3], $0x80, v2, vm0, $0xb8;
	[tilespmem:$0x18100] =	vst v63  }
0x25c: {  	s28 =	simm.s32 $0x10900  }
0x25d: {  	[tilespmem:s28], [sflag:$0x5] =	stream.indirect_vreg.gather [hbm4b:s5+s3], $0x80, v2, vm0, $0xb8;
	[tilespmem:$0x18100] =	vst v63  }
0x25e: {  	s31 =	simm.s32 $0x11100  }
0x25f: {  	[tilespmem:s31], [sflag:$0x5] =	stream.indirect_vreg.gather [hbm4b:s6+s3], $0x80, v2, vm0, $0xb8;
	[tilespmem:$0x18100] =	vst v63  }
0x260: {  	s26 =	simm.s32 $0x11900  }
0x261: {  	[tilespmem:s26], [sflag:$0x5] =	stream.indirect_vreg.gather [hbm4b:s7+s3], $0x80, v2, vm0, $0xb8;
	[tilespmem:$0x18100] =	vst v63  }
0x262: {  	s28 =	simm.s32 $0x12100  }
0x263: {  	[tilespmem:s28], [sflag:$0x5] =	stream.indirect_vreg.gather [hbm4b:s8+s3], $0x80, v2, vm0, $0xb8;
	[tilespmem:$0x18100] =	vst v63  }
0x264: {  	s31 =	simm.s32 $0x12900  }
0x265: {  	[tilespmem:s31], [sflag:$0x5] =	stream.indirect_vreg.gather [hbm4b:s9+s3], $0x80, v2, vm0, $0xb8;
	[tilespmem:$0x18100] =	vst v63  }
0x266: {  	s26 =	simm.s32 $0x13100  }
0x267: {  	[tilespmem:s26], [sflag:$0x5] =	stream.indirect_vreg.gather [hbm4b:s10+s3], $0x80, v2, vm0, $0xb8;
	[tilespmem:$0x18100] =	vst v63  }
0x268: {  	s28 =	simm.s32 $0x13900  }
0x269: {  	[tilespmem:s28], [sflag:$0x5] =	stream.indirect_vreg.gather [hbm4b:s11+s3], $0x80, v2, vm0, $0xb8;
	[tilespmem:$0x18100] =	vst v63  }
0x26a: {  	_ =	swait.ge [sflag:s0], $0x4000  }
0x26b: {  	[sflag:s0] =	ssyncset.done $0x0  }
0x26c: {  	[sflag:s0] =	ssyncadd.s32 $0xFFFFC000  }
0x26d: {  	v2 =	vld.msk [tilespmem:$0xB8], $0xff;
	_ =	sdelay $0x4  }
0x26e: {  	v3 =	vshll.u32 v2, $0x4  }
0x26f: {  	v2 =	vand.u32 $0x7, v2;
	v3 =	vand.u32 $0xFFFFFF80, v3  }
0x270: {  	v2 =	vor.u32 v2, v3  }
0x271: {  	v2 =	vperm.xlane v2, v0;
	_ =	sdelay $0x1  }
0x272: {  	v2 =	vadd.s32 v1, v2;
	_ =	sdelay $0x3  }
0x273: {  	s31 =	simm.s32 $0x14100  }
0x274: {  	[tilespmem:s31], [sflag:$0x6] =	stream.indirect_vreg.gather [hbm4b:s2+s3], $0x80, v2, vm0, $0xb8;
	[tilespmem:$0x18100] =	vst v63  }
0x275: {  	s26 =	simm.s32 $0x14900  }
0x276: {  	[tilespmem:s26], [sflag:$0x6] =	stream.indirect_vreg.gather [hbm4b:s5+s3], $0x80, v2, vm0, $0xb8;
	[tilespmem:$0x18100] =	vst v63  }
0x277: {  	s28 =	simm.s32 $0x15100  }
0x278: {  	[tilespmem:s28], [sflag:$0x6] =	stream.indirect_vreg.gather [hbm4b:s6+s3], $0x80, v2, vm0, $0xb8;
	[tilespmem:$0x18100] =	vst v63  }
0x279: {  	s31 =	simm.s32 $0x15900  }
0x27a: {  	[tilespmem:s31], [sflag:$0x6] =	stream.indirect_vreg.gather [hbm4b:s7+s3], $0x80, v2, vm0, $0xb8;
	[tilespmem:$0x18100] =	vst v63  }
0x27b: {  	s26 =	simm.s32 $0x16100  }
0x27c: {  	[tilespmem:s26], [sflag:$0x6] =	stream.indirect_vreg.gather [hbm4b:s8+s3], $0x80, v2, vm0, $0xb8;
	[tilespmem:$0x18100] =	vst v63  }
0x27d: {  	s28 =	simm.s32 $0x16900  }
0x27e: {  	[tilespmem:s28], [sflag:$0x6] =	stream.indirect_vreg.gather [hbm4b:s9+s3], $0x80, v2, vm0, $0xb8;
	[tilespmem:$0x18100] =	vst v63  }
0x27f: {  	s31 =	simm.s32 $0x17100  }
0x280: {  	[tilespmem:s31], [sflag:$0x6] =	stream.indirect_vreg.gather [hbm4b:s10+s3], $0x80, v2, vm0, $0xb8;
	[tilespmem:$0x18100] =	vst v63  }
0x281: {  	s26 =	simm.s32 $0x17900  }
0x282: {  	[tilespmem:s26], [sflag:$0x6] =	stream.indirect_vreg.gather [hbm4b:s11+s3], $0x80, v2, vm0, $0xb8;
	[tilespmem:$0x18100] =	vst v63  }
0x283: {  	_ =	swait.ge [sflag:s4], $0x4000  }
0x284: {  	[sflag:s4] =	ssyncset.done $0x0  }
0x285: {  	s15 =	simm.s32 $0x100;
	s28 =	rddreg [dreg:$0xd];
	[sflag:s4] =	ssyncadd.s32 $0xFFFFC000  }
0x286: {  	[hbm4b:s28+s3] =	stream.linear.scatter [tilespmem:s15], [sflag:$0x7], $0x8000, $0x38;
	[tilespmem:$0x18100] =	vst v63  }
0x287: {  	_ =	swait.ge [sflag:s1], $0x8000  }
0x288: {  	[sflag:s1] =	ssyncset.done $0x0  }
0x289: {  	[sflag:s1] =	ssyncadd.s32 $0xFFFF8000  }
0x28a: {  	v2 =	vld.msk [tilespmem:$0xC0], $0xff;
	_ =	sdelay $0x4  }
0x28b: {  	v3 =	vshll.u32 v2, $0x4  }
0x28c: {  	v2 =	vand.u32 $0x7, v2;
	v3 =	vand.u32 $0xFFFFFF80, v3  }
0x28d: {  	v2 =	vor.u32 v2, v3  }
0x28e: {  	v2 =	vperm.xlane v2, v0;
	_ =	sdelay $0x1  }
0x28f: {  	v2 =	vadd.s32 v1, v2;
	_ =	sdelay $0x4  }
0x290: {  	[tilespmem:s15], [sflag:$0x1] =	stream.indirect_vreg.gather [hbm4b:s2+s3], $0x80, v2, vm0, $0xb8;
	[tilespmem:$0x18100] =	vst v63  }
0x291: {  	s31 =	simm.s32 $0x900  }
0x292: {  	[tilespmem:s31], [sflag:$0x1] =	stream.indirect_vreg.gather [hbm4b:s5+s3], $0x80, v2, vm0, $0xb8;
	[tilespmem:$0x18100] =	vst v63  }
0x293: {  	s15 =	simm.s32 $0x1100  }
0x294: {  	[tilespmem:s15], [sflag:$0x1] =	stream.indirect_vreg.gather [hbm4b:s6+s3], $0x80, v2, vm0, $0xb8;
	[tilespmem:$0x18100] =	vst v63  }
0x295: {  	s26 =	simm.s32 $0x1900  }
0x296: {  	[tilespmem:s26], [sflag:$0x1] =	stream.indirect_vreg.gather [hbm4b:s7+s3], $0x80, v2, vm0, $0xb8;
	[tilespmem:$0x18100] =	vst v63  }
0x297: {  	s28 =	simm.s32 $0x2100  }
0x298: {  	[tilespmem:s28], [sflag:$0x1] =	stream.indirect_vreg.gather [hbm4b:s8+s3], $0x80, v2, vm0, $0xb8;
	[tilespmem:$0x18100] =	vst v63  }
0x299: {  	s31 =	simm.s32 $0x2900  }
0x29a: {  	[tilespmem:s31], [sflag:$0x1] =	stream.indirect_vreg.gather [hbm4b:s9+s3], $0x80, v2, vm0, $0xb8;
	[tilespmem:$0x18100] =	vst v63  }
0x29b: {  	s15 =	simm.s32 $0x3100  }
0x29c: {  	[tilespmem:s15], [sflag:$0x1] =	stream.indirect_vreg.gather [hbm4b:s10+s3], $0x80, v2, vm0, $0xb8;
	[tilespmem:$0x18100] =	vst v63  }
0x29d: {  	s26 =	simm.s32 $0x3900  }
0x29e: {  	[tilespmem:s26], [sflag:$0x1] =	stream.indirect_vreg.gather [hbm4b:s11+s3], $0x80, v2, vm0, $0xb8;
	[tilespmem:$0x18100] =	vst v63  }
0x29f: {  	_ =	swait.ge [sflag:s13], $0x4000  }
0x2a0: {  	[sflag:s13] =	ssyncset.done $0x0  }
0x2a1: {  	[sflag:s13] =	ssyncadd.s32 $0xFFFFC000  }
0x2a2: {  	v2 =	vld.msk [tilespmem:$0xC8], $0xff;
	_ =	sdelay $0x4  }
0x2a3: {  	v3 =	vshll.u32 v2, $0x4  }
0x2a4: {  	v2 =	vand.u32 $0x7, v2;
	v3 =	vand.u32 $0xFFFFFF80, v3  }
0x2a5: {  	v2 =	vor.u32 v2, v3  }
0x2a6: {  	v2 =	vperm.xlane v2, v0;
	_ =	sdelay $0x1  }
0x2a7: {  	v2 =	vadd.s32 v1, v2;
	_ =	sdelay $0x3  }
0x2a8: {  	s28 =	simm.s32 $0x4100  }
0x2a9: {  	[tilespmem:s28], [sflag:$0x2] =	stream.indirect_vreg.gather [hbm4b:s2+s3], $0x80, v2, vm0, $0xb8;
	[tilespmem:$0x18100] =	vst v63  }
0x2aa: {  	s31 =	simm.s32 $0x4900  }
0x2ab: {  	[tilespmem:s31], [sflag:$0x2] =	stream.indirect_vreg.gather [hbm4b:s5+s3], $0x80, v2, vm0, $0xb8;
	[tilespmem:$0x18100] =	vst v63  }
0x2ac: {  	s15 =	simm.s32 $0x5100  }
0x2ad: {  	[tilespmem:s15], [sflag:$0x2] =	stream.indirect_vreg.gather [hbm4b:s6+s3], $0x80, v2, vm0, $0xb8;
	[tilespmem:$0x18100] =	vst v63  }
0x2ae: {  	s26 =	simm.s32 $0x5900  }
0x2af: {  	[tilespmem:s26], [sflag:$0x2] =	stream.indirect_vreg.gather [hbm4b:s7+s3], $0x80, v2, vm0, $0xb8;
	[tilespmem:$0x18100] =	vst v63  }
0x2b0: {  	s31 =	simm.s32 $0x6100  }
0x2b1: {  	[tilespmem:s31], [sflag:$0x2] =	stream.indirect_vreg.gather [hbm4b:s8+s3], $0x80, v2, vm0, $0xb8;
	[tilespmem:$0x18100] =	vst v63  }
0x2b2: {  	s26 =	simm.s32 $0x6900  }
0x2b3: {  	[tilespmem:s26], [sflag:$0x2] =	stream.indirect_vreg.gather [hbm4b:s9+s3], $0x80, v2, vm0, $0xb8;
	[tilespmem:$0x18100] =	vst v63  }
0x2b4: {  	s26 =	simm.s32 $0x7100  }
0x2b5: {  	[tilespmem:s26], [sflag:$0x2] =	stream.indirect_vreg.gather [hbm4b:s10+s3], $0x80, v2, vm0, $0xb8;
	[tilespmem:$0x18100] =	vst v63  }
0x2b6: {  	s26 =	simm.s32 $0x7900  }
0x2b7: {  	[tilespmem:s26], [sflag:$0x2] =	stream.indirect_vreg.gather [hbm4b:s11+s3], $0x80, v2, vm0, $0xb8;
	[tilespmem:$0x18100] =	vst v63  }
0x2b8: {  	_ =	swait.ge [sflag:s16], $0x4000  }
0x2b9: {  	[sflag:s16] =	ssyncset.done $0x0  }
0x2ba: {  	s26 =	simm.s32 $0x8100;
	s21 =	rddreg [dreg:$0xe];
	[sflag:s16] =	ssyncadd.s32 $0xFFFFC000  }
0x2bb: {  	[hbm4b:s21+s3] =	stream.linear.scatter [tilespmem:s26], [sflag:$0x8], $0x8000, $0x38;
	[tilespmem:$0x18100] =	vst v63  }
0x2bc: {  	_ =	swait.ge [sflag:s17], $0x8000  }
0x2bd: {  	[sflag:s17] =	ssyncset.done $0x0  }
0x2be: {  	[sflag:s17] =	ssyncadd.s32 $0xFFFF8000  }
0x2bf: {  	v2 =	vld.msk [tilespmem:$0xD0], $0xff;
	_ =	sdelay $0x4  }
0x2c0: {  	v3 =	vshll.u32 v2, $0x4  }
0x2c1: {  	v2 =	vand.u32 $0x7, v2;
	v3 =	vand.u32 $0xFFFFFF80, v3  }
0x2c2: {  	v2 =	vor.u32 v2, v3  }
0x2c3: {  	v2 =	vperm.xlane v2, v0;
	_ =	sdelay $0x1  }
0x2c4: {  	v2 =	vadd.s32 v1, v2;
	_ =	sdelay $0x4  }
0x2c5: {  	[tilespmem:s26], [sflag:$0x3] =	stream.indirect_vreg.gather [hbm4b:s2+s3], $0x80, v2, vm0, $0xb8;
	[tilespmem:$0x18100] =	vst v63  }
0x2c6: {  	s12 =	simm.s32 $0x8900  }
0x2c7: {  	[tilespmem:s12], [sflag:$0x3] =	stream.indirect_vreg.gather [hbm4b:s5+s3], $0x80, v2, vm0, $0xb8;
	[tilespmem:$0x18100] =	vst v63  }
0x2c8: {  	s21 =	simm.s32 $0x9100  }
0x2c9: {  	[tilespmem:s21], [sflag:$0x3] =	stream.indirect_vreg.gather [hbm4b:s6+s3], $0x80, v2, vm0, $0xb8;
	[tilespmem:$0x18100] =	vst v63  }
0x2ca: {  	s21 =	simm.s32 $0x9900  }
0x2cb: {  	[tilespmem:s21], [sflag:$0x3] =	stream.indirect_vreg.gather [hbm4b:s7+s3], $0x80, v2, vm0, $0xb8;
	[tilespmem:$0x18100] =	vst v63  }
0x2cc: {  	s22 =	simm.s32 $0xA100  }
0x2cd: {  	[tilespmem:s22], [sflag:$0x3] =	stream.indirect_vreg.gather [hbm4b:s8+s3], $0x80, v2, vm0, $0xb8;
	[tilespmem:$0x18100] =	vst v63  }
0x2ce: {  	s22 =	simm.s32 $0xA900  }
0x2cf: {  	[tilespmem:s22], [sflag:$0x3] =	stream.indirect_vreg.gather [hbm4b:s9+s3], $0x80, v2, vm0, $0xb8;
	[tilespmem:$0x18100] =	vst v63  }
0x2d0: {  	s21 =	simm.s32 $0xB100  }
0x2d1: {  	[tilespmem:s21], [sflag:$0x3] =	stream.indirect_vreg.gather [hbm4b:s10+s3], $0x80, v2, vm0, $0xb8;
	[tilespmem:$0x18100] =	vst v63  }
0x2d2: {  	s22 =	simm.s32 $0xB900  }
0x2d3: {  	[tilespmem:s22], [sflag:$0x3] =	stream.indirect_vreg.gather [hbm4b:s11+s3], $0x80, v2, vm0, $0xb8;
	[tilespmem:$0x18100] =	vst v63  }
0x2d4: {  	_ =	swait.ge [sflag:s18], $0x4000  }
0x2d5: {  	[sflag:s18] =	ssyncset.done $0x0  }
0x2d6: {  	[sflag:s18] =	ssyncadd.s32 $0xFFFFC000  }
0x2d7: {  	v2 =	vld.msk [tilespmem:$0xD8], $0xff;
	_ =	sdelay $0x4  }
0x2d8: {  	v3 =	vshll.u32 v2, $0x4  }
0x2d9: {  	v2 =	vand.u32 $0x7, v2;
	v3 =	vand.u32 $0xFFFFFF80, v3  }
0x2da: {  	v2 =	vor.u32 v2, v3  }
0x2db: {  	v2 =	vperm.xlane v2, v0;
	_ =	sdelay $0x1  }
0x2dc: {  	v2 =	vadd.s32 v1, v2;
	_ =	sdelay $0x3  }
0x2dd: {  	s29 =	simm.s32 $0xC100  }
0x2de: {  	[tilespmem:s29], [sflag:$0x4] =	stream.indirect_vreg.gather [hbm4b:s2+s3], $0x80, v2, vm0, $0xb8;
	[tilespmem:$0x18100] =	vst v63  }
0x2df: {  	s29 =	simm.s32 $0xC900  }
0x2e0: {  	[tilespmem:s29], [sflag:$0x4] =	stream.indirect_vreg.gather [hbm4b:s5+s3], $0x80, v2, vm0, $0xb8;
	[tilespmem:$0x18100] =	vst v63  }
0x2e1: {  	s30 =	simm.s32 $0xD100  }
0x2e2: {  	[tilespmem:s30], [sflag:$0x4] =	stream.indirect_vreg.gather [hbm4b:s6+s3], $0x80, v2, vm0, $0xb8;
	[tilespmem:$0x18100] =	vst v63  }
0x2e3: {  	s14 =	simm.s32 $0xD900  }
0x2e4: {  	[tilespmem:s14], [sflag:$0x4] =	stream.indirect_vreg.gather [hbm4b:s7+s3], $0x80, v2, vm0, $0xb8;
	[tilespmem:$0x18100] =	vst v63  }
0x2e5: {  	s23 =	simm.s32 $0xE100  }
0x2e6: {  	[tilespmem:s23], [sflag:$0x4] =	stream.indirect_vreg.gather [hbm4b:s8+s3], $0x80, v2, vm0, $0xb8;
	[tilespmem:$0x18100] =	vst v63  }
0x2e7: {  	s24 =	simm.s32 $0xE900  }
0x2e8: {  	[tilespmem:s24], [sflag:$0x4] =	stream.indirect_vreg.gather [hbm4b:s9+s3], $0x80, v2, vm0, $0xb8;
	[tilespmem:$0x18100] =	vst v63  }
0x2e9: {  	s25 =	simm.s32 $0xF100  }
0x2ea: {  	[tilespmem:s25], [sflag:$0x4] =	stream.indirect_vreg.gather [hbm4b:s10+s3], $0x80, v2, vm0, $0xb8;
	[tilespmem:$0x18100] =	vst v63  }
0x2eb: {  	s30 =	simm.s32 $0xF900  }
0x2ec: {  	[tilespmem:s30], [sflag:$0x4] =	stream.indirect_vreg.gather [hbm4b:s11+s3], $0x80, v2, vm0, $0xb8;
	[tilespmem:$0x18100] =	vst v63  }
0x2ed: {  	_ =	swait.ge [sflag:s19], $0x4000  }
0x2ee: {  	[sflag:s19] =	ssyncset.done $0x0  }
0x2ef: {  	s22 =	simm.s32 $0x10100;
	s14 =	rddreg [dreg:$0xf];
	[sflag:s19] =	ssyncadd.s32 $0xFFFFC000  }
0x2f0: {  	[hbm4b:s14+s3] =	stream.linear.scatter [tilespmem:s22], [sflag:$0x9], $0x8000, $0x38;
	[tilespmem:$0x18100] =	vst v63  }
0x2f1: {  	_ =	swait.ge [sflag:s20], $0x8000  }
0x2f2: {  	[sflag:s20] =	ssyncset.done $0x0  }
0x2f3: {  	[sflag:s20] =	ssyncadd.s32 $0xFFFF8000  }
0x2f4: {  	v2 =	vld.msk [tilespmem:$0xE0], $0xff;
	_ =	sdelay $0x4  }
0x2f5: {  	v3 =	vshll.u32 v2, $0x4  }
0x2f6: {  	v2 =	vand.u32 $0x7, v2;
	v3 =	vand.u32 $0xFFFFFF80, v3  }
0x2f7: {  	v2 =	vor.u32 v2, v3  }
0x2f8: {  	v2 =	vperm.xlane v2, v0;
	_ =	sdelay $0x1  }
0x2f9: {  	v2 =	vadd.s32 v1, v2;
	_ =	sdelay $0x4  }
0x2fa: {  	[tilespmem:s22], [sflag:$0x5] =	stream.indirect_vreg.gather [hbm4b:s2+s3], $0x80, v2, vm0, $0xb8;
	[tilespmem:$0x18100] =	vst v63  }
0x2fb: {  	s23 =	simm.s32 $0x10900  }
0x2fc: {  	[tilespmem:s23], [sflag:$0x5] =	stream.indirect_vreg.gather [hbm4b:s5+s3], $0x80, v2, vm0, $0xb8;
	[tilespmem:$0x18100] =	vst v63  }
0x2fd: {  	s24 =	simm.s32 $0x11100  }
0x2fe: {  	[tilespmem:s24], [sflag:$0x5] =	stream.indirect_vreg.gather [hbm4b:s6+s3], $0x80, v2, vm0, $0xb8;
	[tilespmem:$0x18100] =	vst v63  }
0x2ff: {  	s25 =	simm.s32 $0x11900  }
0x300: {  	[tilespmem:s25], [sflag:$0x5] =	stream.indirect_vreg.gather [hbm4b:s7+s3], $0x80, v2, vm0, $0xb8;
	[tilespmem:$0x18100] =	vst v63  }
0x301: {  	s29 =	simm.s32 $0x12100  }
0x302: {  	[tilespmem:s29], [sflag:$0x5] =	stream.indirect_vreg.gather [hbm4b:s8+s3], $0x80, v2, vm0, $0xb8;
	[tilespmem:$0x18100] =	vst v63  }
0x303: {  	s30 =	simm.s32 $0x12900  }
0x304: {  	[tilespmem:s30], [sflag:$0x5] =	stream.indirect_vreg.gather [hbm4b:s9+s3], $0x80, v2, vm0, $0xb8;
	[tilespmem:$0x18100] =	vst v63  }
0x305: {  	s21 =	simm.s32 $0x13100  }
0x306: {  	[tilespmem:s21], [sflag:$0x5] =	stream.indirect_vreg.gather [hbm4b:s10+s3], $0x80, v2, vm0, $0xb8;
	[tilespmem:$0x18100] =	vst v63  }
0x307: {  	s22 =	simm.s32 $0x13900  }
0x308: {  	[tilespmem:s22], [sflag:$0x5] =	stream.indirect_vreg.gather [hbm4b:s11+s3], $0x80, v2, vm0, $0xb8;
	[tilespmem:$0x18100] =	vst v63  }
0x309: {  	_ =	swait.ge [sflag:s0], $0x4000  }
0x30a: {  	[sflag:s0] =	ssyncset.done $0x0  }
0x30b: {  	[sflag:s0] =	ssyncadd.s32 $0xFFFFC000  }
0x30c: {  	v2 =	vld.msk [tilespmem:$0xE8], $0xff;
	_ =	sdelay $0x4  }
0x30d: {  	v3 =	vshll.u32 v2, $0x4  }
0x30e: {  	v2 =	vand.u32 $0x7, v2;
	v3 =	vand.u32 $0xFFFFFF80, v3  }
0x30f: {  	v2 =	vor.u32 v2, v3  }
0x310: {  	v2 =	vperm.xlane v2, v0;
	_ =	sdelay $0x1  }
0x311: {  	v2 =	vadd.s32 v1, v2;
	_ =	sdelay $0x3  }
0x312: {  	s23 =	simm.s32 $0x14100  }
0x313: {  	[tilespmem:s23], [sflag:$0x6] =	stream.indirect_vreg.gather [hbm4b:s2+s3], $0x80, v2, vm0, $0xb8;
	[tilespmem:$0x18100] =	vst v63  }
0x314: {  	s24 =	simm.s32 $0x14900  }
0x315: {  	[tilespmem:s24], [sflag:$0x6] =	stream.indirect_vreg.gather [hbm4b:s5+s3], $0x80, v2, vm0, $0xb8;
	[tilespmem:$0x18100] =	vst v63  }
0x316: {  	s25 =	simm.s32 $0x15100  }
0x317: {  	[tilespmem:s25], [sflag:$0x6] =	stream.indirect_vreg.gather [hbm4b:s6+s3], $0x80, v2, vm0, $0xb8;
	[tilespmem:$0x18100] =	vst v63  }
0x318: {  	s29 =	simm.s32 $0x15900  }
0x319: {  	[tilespmem:s29], [sflag:$0x6] =	stream.indirect_vreg.gather [hbm4b:s7+s3], $0x80, v2, vm0, $0xb8;
	[tilespmem:$0x18100] =	vst v63  }
0x31a: {  	s30 =	simm.s32 $0x16100  }
0x31b: {  	[tilespmem:s30], [sflag:$0x6] =	stream.indirect_vreg.gather [hbm4b:s8+s3], $0x80, v2, vm0, $0xb8;
	[tilespmem:$0x18100] =	vst v63  }
0x31c: {  	s21 =	simm.s32 $0x16900  }
0x31d: {  	[tilespmem:s21], [sflag:$0x6] =	stream.indirect_vreg.gather [hbm4b:s9+s3], $0x80, v2, vm0, $0xb8;
	[tilespmem:$0x18100] =	vst v63  }
0x31e: {  	s22 =	simm.s32 $0x17100  }
0x31f: {  	[tilespmem:s22], [sflag:$0x6] =	stream.indirect_vreg.gather [hbm4b:s10+s3], $0x80, v2, vm0, $0xb8;
	[tilespmem:$0x18100] =	vst v63  }
0x320: {  	s23 =	simm.s32 $0x17900  }
0x321: {  	[tilespmem:s23], [sflag:$0x6] =	stream.indirect_vreg.gather [hbm4b:s11+s3], $0x80, v2, vm0, $0xb8;
	[tilespmem:$0x18100] =	vst v63  }
0x322: {  	_ =	swait.ge [sflag:s4], $0x4000  }
0x323: {  	[sflag:s4] =	ssyncset.done $0x0  }
0x324: {  	s25 =	simm.s32 $0x100;
	s24 =	rddreg [dreg:$0x10];
	[sflag:s4] =	ssyncadd.s32 $0xFFFFC000  }
0x325: {  	[hbm4b:s24+s3] =	stream.linear.scatter [tilespmem:s25], [sflag:$0x7], $0x8000, $0x38;
	[tilespmem:$0x18100] =	vst v63  }
0x326: {  	_ =	swait.ge [sflag:s1], $0x8000  }
0x327: {  	[sflag:s1] =	ssyncset.done $0x0  }
0x328: {  	[sflag:s1] =	ssyncadd.s32 $0xFFFF8000  }
0x329: {  	v2 =	vld.msk [tilespmem:$0xF0], $0xff;
	_ =	sdelay $0x4  }
0x32a: {  	v3 =	vshll.u32 v2, $0x4  }
0x32b: {  	v2 =	vand.u32 $0x7, v2;
	v3 =	vand.u32 $0xFFFFFF80, v3  }
0x32c: {  	v2 =	vor.u32 v2, v3  }
0x32d: {  	v2 =	vperm.xlane v2, v0;
	_ =	sdelay $0x1  }
0x32e: {  	v2 =	vadd.s32 v1, v2;
	_ =	sdelay $0x4  }
0x32f: {  	[tilespmem:s25], [sflag:$0x1] =	stream.indirect_vreg.gather [hbm4b:s2+s3], $0x80, v2, vm0, $0xb8;
	[tilespmem:$0x18100] =	vst v63  }
0x330: {  	s29 =	simm.s32 $0x900  }
0x331: {  	[tilespmem:s29], [sflag:$0x1] =	stream.indirect_vreg.gather [hbm4b:s5+s3], $0x80, v2, vm0, $0xb8;
	[tilespmem:$0x18100] =	vst v63  }
0x332: {  	s30 =	simm.s32 $0x1100  }
0x333: {  	[tilespmem:s30], [sflag:$0x1] =	stream.indirect_vreg.gather [hbm4b:s6+s3], $0x80, v2, vm0, $0xb8;
	[tilespmem:$0x18100] =	vst v63  }
0x334: {  	s22 =	simm.s32 $0x1900  }
0x335: {  	[tilespmem:s22], [sflag:$0x1] =	stream.indirect_vreg.gather [hbm4b:s7+s3], $0x80, v2, vm0, $0xb8;
	[tilespmem:$0x18100] =	vst v63  }
0x336: {  	s23 =	simm.s32 $0x2100  }
0x337: {  	[tilespmem:s23], [sflag:$0x1] =	stream.indirect_vreg.gather [hbm4b:s8+s3], $0x80, v2, vm0, $0xb8;
	[tilespmem:$0x18100] =	vst v63  }
0x338: {  	s24 =	simm.s32 $0x2900  }
0x339: {  	[tilespmem:s24], [sflag:$0x1] =	stream.indirect_vreg.gather [hbm4b:s9+s3], $0x80, v2, vm0, $0xb8;
	[tilespmem:$0x18100] =	vst v63  }
0x33a: {  	s25 =	simm.s32 $0x3100  }
0x33b: {  	[tilespmem:s25], [sflag:$0x1] =	stream.indirect_vreg.gather [hbm4b:s10+s3], $0x80, v2, vm0, $0xb8;
	[tilespmem:$0x18100] =	vst v63  }
0x33c: {  	s29 =	simm.s32 $0x3900  }
0x33d: {  	[tilespmem:s29], [sflag:$0x1] =	stream.indirect_vreg.gather [hbm4b:s11+s3], $0x80, v2, vm0, $0xb8;
	[tilespmem:$0x18100] =	vst v63  }
0x33e: {  	_ =	swait.ge [sflag:s13], $0x4000  }
0x33f: {  	[sflag:s13] =	ssyncset.done $0x0  }
0x340: {  	[sflag:s13] =	ssyncadd.s32 $0xFFFFC000  }
0x341: {  	v2 =	vld.msk [tilespmem:$0xF8], $0xff;
	_ =	sdelay $0x4  }
0x342: {  	v3 =	vshll.u32 v2, $0x4  }
0x343: {  	v2 =	vand.u32 $0x7, v2;
	v3 =	vand.u32 $0xFFFFFF80, v3  }
0x344: {  	v2 =	vor.u32 v2, v3  }
0x345: {  	v2 =	vperm.xlane v2, v0;
	_ =	sdelay $0x1  }
0x346: {  	v2 =	vadd.s32 v1, v2;
	_ =	sdelay $0x3  }
0x347: {  	s28 =	simm.s32 $0x4100  }
0x348: {  	[tilespmem:s28], [sflag:$0x2] =	stream.indirect_vreg.gather [hbm4b:s2+s3], $0x80, v2, vm0, $0xb8;
	[tilespmem:$0x18100] =	vst v63  }
0x349: {  	s30 =	simm.s32 $0x4900  }
0x34a: {  	[tilespmem:s30], [sflag:$0x2] =	stream.indirect_vreg.gather [hbm4b:s5+s3], $0x80, v2, vm0, $0xb8;
	[tilespmem:$0x18100] =	vst v63  }
0x34b: {  	s22 =	simm.s32 $0x5100  }
0x34c: {  	[tilespmem:s22], [sflag:$0x2] =	stream.indirect_vreg.gather [hbm4b:s6+s3], $0x80, v2, vm0, $0xb8;
	[tilespmem:$0x18100] =	vst v63  }
0x34d: {  	s15 =	simm.s32 $0x5900  }
0x34e: {  	[tilespmem:s15], [sflag:$0x2] =	stream.indirect_vreg.gather [hbm4b:s7+s3], $0x80, v2, vm0, $0xb8;
	[tilespmem:$0x18100] =	vst v63  }
0x34f: {  	s31 =	simm.s32 $0x6100  }
0x350: {  	[tilespmem:s31], [sflag:$0x2] =	stream.indirect_vreg.gather [hbm4b:s8+s3], $0x80, v2, vm0, $0xb8;
	[tilespmem:$0x18100] =	vst v63  }
0x351: {  	s23 =	simm.s32 $0x6900  }
0x352: {  	[tilespmem:s23], [sflag:$0x2] =	stream.indirect_vreg.gather [hbm4b:s9+s3], $0x80, v2, vm0, $0xb8;
	[tilespmem:$0x18100] =	vst v63  }
0x353: {  	s24 =	simm.s32 $0x7100  }
0x354: {  	[tilespmem:s24], [sflag:$0x2] =	stream.indirect_vreg.gather [hbm4b:s10+s3], $0x80, v2, vm0, $0xb8;
	[tilespmem:$0x18100] =	vst v63  }
0x355: {  	s25 =	simm.s32 $0x7900  }
0x356: {  	[tilespmem:s25], [sflag:$0x2] =	stream.indirect_vreg.gather [hbm4b:s11+s3], $0x80, v2, vm0, $0xb8;
	[tilespmem:$0x18100] =	vst v63  }
0x357: {  	_ =	swait.ge [sflag:s16], $0x4000  }
0x358: {  	[sflag:s16] =	ssyncset.done $0x0  }
0x359: {  	s26 =	simm.s32 $0x8100;
	s28 =	rddreg [dreg:$0x11];
	[sflag:s16] =	ssyncadd.s32 $0xFFFFC000  }
0x35a: {  	[hbm4b:s28+s3] =	stream.linear.scatter [tilespmem:s26], [sflag:$0x8], $0x8000, $0x38;
	[tilespmem:$0x18100] =	vst v63  }
0x35b: {  	_ =	swait.ge [sflag:s18], $0x4000  }
0x35c: {  	[sflag:s18] =	ssyncset.done $0x0  }
0x35d: {  	[sflag:s18] =	ssyncadd.s32 $0xFFFFC000  }
0x35e: {  	_ =	swait.ge [sflag:s19], $0x4000  }
0x35f: {  	[sflag:s19] =	ssyncset.done $0x0  }
0x360: {  	s14 =	simm.s32 $0x10100;
	s29 =	rddreg [dreg:$0x12];
	[sflag:s19] =	ssyncadd.s32 $0xFFFFC000  }
0x361: {  	[hbm4b:s29+s3] =	stream.linear.scatter [tilespmem:s14], [sflag:$0x9], $0x8000, $0x38;
	[tilespmem:$0x18100] =	vst v63  }
0x362: {  	_ =	swait.ge [sflag:s0], $0x4000  }
0x363: {  	[sflag:s0] =	ssyncset.done $0x0  }
0x364: {  	[sflag:s0] =	ssyncadd.s32 $0xFFFFC000  }
0x365: {  	_ =	swait.ge [sflag:s4], $0x4000  }
0x366: {  	[sflag:s4] =	ssyncset.done $0x0  }
0x367: {  	s12 =	simm.s32 $0x100;
	s30 =	rddreg [dreg:$0x13];
	[sflag:s4] =	ssyncadd.s32 $0xFFFFC000  }
0x368: {  	[hbm4b:s30+s3] =	stream.linear.scatter [tilespmem:s12], [sflag:$0x7], $0x8000, $0x38;
	[tilespmem:$0x18100] =	vst v63  }
0x369: {  	s31 =	rddreg [dreg:$0x15];
	_ =	swait.ge [sflag:s17], $0x8000  }
0x36a: {  	[sflag:s17] =	ssyncset.done $0x0  }
0x36b: {  	[sflag:s17] =	ssyncadd.s32 $0xFFFF8000  }
0x36c: {  	p0 =	sne.s32 s31, $0x1;
	_ =	swait.ge [sflag:s20], $0x8000  }
.Ltmp0:
0x36d: {  	[sflag:s20] =	ssyncset.done $0x0;
	(pc) =	sbr.rel @p0 .LBB2_1-.Ltmp0, $4  }
0x36e: {  	[sflag:s20] =	ssyncadd.s32 $0xFFFF8000  }
0x36f: {  	_ =	swait.ge [sflag:s1], $0x8000  }
0x370: {  	[sflag:s1] =	ssyncset.done $0x0  }
0x371: {  	s12 =	sadd.s32 $0xFFFFFFFF, s31;
	[sflag:s1] =	ssyncadd.s32 $0xFFFF8000  }
0x372: {  	_ =	sfence.sel $0x180000  }
0x373: {  	[bflag:$0x0] =	sbarrier.arrive $0xFFFF  }
0x374: {  	_ =	strace $0x90000047  }
0x375: {  	s0 =	stileid.u32;
	[bflag:$0x2] =	sbarrier.arrive $0xFFFF  }
0x376: {  	p0 =	sne.s32 s0, $0x0;
	s0 =	rddreg [dreg:$0x3]  }
0x377: {  	s0 =	sadd.s32 @!p0 $0x100000, s0  }
0x378: {  	[sflag:s0] =	ssyncadd.tile.s32 @!p0 $0x1;
	_ =	shalt  }
.Lfunc_end2:
_tile_overlayer_lowered:
.L_overlay_start_2:
0x379: {  	(tag) =	ssettag $0x2  }
0x37a: {  	s0 =	rddreg [dreg:$0x0];
	s2 =	stileid.u32  }
0x37b: {  	s1 =	rddreg [dreg:$0x1];
	p0 =	sne.s32 s2, $0x0  }
0x37c: {  	s3 =	rddreg [dreg:$0x2];
	[bflag:$0x3] =	sbarrier.arrive $0xFFFF;
	s2 =	simm.s32 @!p0 $0x1C0A  }
0x37d: {  	[timem:s3], [sflag:s2] =	dma.local @!p0 [hbm:s0], s1  }
0x37e: {  	s0 =	simm.s32 @!p0 $0xA  }
0x37f: {  	_ =	swait.ge @!p0 [sflag:s0], s1  }
0x380: {  	s1 =	ssub.s32 @!p0 $0x0, s1;
	[sflag:s0] =	ssyncset.done @!p0 $0x0  }
0x381: {  	[sflag:s0] =	ssyncadd.s32 @!p0 s1  }
0x382: {  	[bflag:$0x3] =	sbarrier.arrive $0xFFFF  }
0x383: {  	_ =	shalt  }

</sc_bundles>
